<compile_context>
chip_gen: v7x
topology: tpu7x:2x2x1
jax: 0.10.2.dev20260603
libtpu: 0.0.44.dev20260713+nightly
codegen_flags: <defaults>
</compile_context>

<pallas_src>
import functools

import jax
import jax.numpy as jnp
from jax import lax
from jax.experimental import pallas as pl
from jax.experimental.pallas import tpu as pltpu
from jax.experimental.pallas import tpu_sc as plsc

N = 4096
D = 16
KNN = 8
BLK = 256
NBLK = N // BLK

NC = 2
NS = 16
NW = NC * NS
LANES = 16
EDGES = N * KNN
E_PER_W = EDGES // NW
GROUPS = E_PER_W // LANES
ROWS_PER_W = N // NW


def _knn_kernel(xb_ref, xa_ref, sqb_ref, sqt_ref, d_ref, i_ref, scratch):
    r0 = pl.program_id(0) * BLK
    dot = jax.lax.dot_general(
        xb_ref[...], xa_ref[...], (((1,), (1,)), ((), ())),
        preferred_element_type=jnp.float32,
    )
    d2 = (sqb_ref[...] + sqt_ref[...]) - 2.0 * dot
    d2 = jnp.maximum(d2, 0.0)
    col = jax.lax.broadcasted_iota(jnp.int32, (BLK, N), 1)
    row = jax.lax.broadcasted_iota(jnp.int32, (BLK, N), 0) + r0
    colf = col.astype(jnp.float32)
    inf = jnp.float32(jnp.inf)
    scratch[...] = jnp.where(col == row, inf, d2)
    for k in range(KNN):
        cur = scratch[...]
        mv = jnp.min(cur, axis=1, keepdims=True)
        aminf = jnp.min(jnp.where(cur == mv, colf, jnp.float32(N)),
                        axis=1, keepdims=True)
        d_ref[:, k : k + 1] = mv
        i_ref[:, k : k + 1] = aminf.astype(jnp.int32)
        if k + 1 < KNN:
            scratch[...] = jnp.where(colf == aminf, inf, cur)


def _weights_kernel(knn_ref, w_ref):
    knn = knn_ref[...]
    sigma = jnp.sum(knn) / jnp.float32(N * KNN) + jnp.float32(1e-8)
    w_ref[...] = jnp.exp(-knn / sigma)


def _sc_edges_kernel(idx_hbm, w_hbm, pdeg_hbm, offs_hbm, vals_hbm,
                     idx_v, w_v, pdeg_v, offs_v, vals_v):
    wid = lax.axis_index("s") * NC + lax.axis_index("c")
    pltpu.sync_copy(idx_hbm, idx_v)
    pltpu.sync_copy(w_hbm, w_v)
    zero16 = jnp.zeros((LANES,), jnp.float32)

    @pl.loop(0, N // LANES)
    def _(i):
        pdeg_v[pl.ds(i * LANES, LANES)] = zero16

    base_e = wid * E_PER_W
    lane = lax.iota(jnp.int32, LANES)

    @pl.loop(0, GROUPS)
    def _(g):
        e0 = base_e + g * LANES
        j = (e0 + lane) >> 3
        t = idx_v[pl.ds(e0, LANES)]
        wv = w_v[pl.ds(e0, LANES)]
        m = plsc.load_gather(idx_v, [t * KNN]) == j
        for kk in range(1, KNN):
            m = jnp.logical_or(m, plsc.load_gather(idx_v, [t * KNN + kk]) == j)
        plsc.addupdate_scatter(pdeg_v, [j], wv)
        plsc.addupdate_scatter(pdeg_v, [t], jnp.where(m, 0.0, wv))
        r = g >> 2
        c = (g & 3) * (2 * LANES)
        offs_v[r, pl.ds(c, LANES)] = j * N + t
        offs_v[r, pl.ds(c + LANES, LANES)] = t * N + j
        vals_v[r, pl.ds(c, LANES)] = -wv
        vals_v[r, pl.ds(c + LANES, LANES)] = -wv

    pltpu.sync_copy(pdeg_v, pdeg_hbm.at[wid])
    pltpu.sync_copy(offs_v, offs_hbm.at[wid])
    pltpu.sync_copy(vals_v, vals_hbm.at[wid])


def _sc_scatter_kernel(l_ref, pdeg_hbm, offs_hbm, vals_hbm,
                       offs_v, vals_v, tmp_v, sem):
    wid = lax.axis_index("s") * NC + lax.axis_index("c")
    pltpu.sync_copy(offs_hbm.at[wid], offs_v.at[pl.ds(0, 16)])
    pltpu.sync_copy(vals_hbm.at[wid], vals_v.at[pl.ds(0, 16)])
    row0 = wid * ROWS_PER_W
    pltpu.sync_copy(pdeg_hbm.at[:, pl.ds(row0, ROWS_PER_W)], tmp_v)

    lane = lax.iota(jnp.int32, LANES)
    for c in range(ROWS_PER_W // LANES):
        sl = pl.ds(c * LANES, LANES)
        acc = tmp_v[0, sl]
        for s in range(1, NW):
            acc = acc + tmp_v[s, sl]
        rr = row0 + c * LANES + lane
        offs_v[16, sl] = rr * (N + 1)
        vals_v[16, sl] = acc

    copies = [
        pltpu.async_copy(vals_v.at[r], l_ref.at[offs_v.at[r]], sem)
        for r in range(17)
    ]
    for cp in copies:
        cp.wait()


_sc_edges = functools.partial(
    pl.kernel,
    out_type=[
        jax.ShapeDtypeStruct((NW, N), jnp.float32),
        jax.ShapeDtypeStruct((NW, 16, 128), jnp.int32),
        jax.ShapeDtypeStruct((NW, 16, 128), jnp.float32),
    ],
    mesh=plsc.VectorSubcoreMesh(core_axis_name="c", subcore_axis_name="s"),
    compiler_params=pltpu.CompilerParams(needs_layout_passes=False),
    scratch_types=[
        pltpu.VMEM((EDGES,), jnp.int32),
        pltpu.VMEM((EDGES,), jnp.float32),
        pltpu.VMEM((N,), jnp.float32),
        pltpu.VMEM((16, 128), jnp.int32),
        pltpu.VMEM((16, 128), jnp.float32),
    ],
)(_sc_edges_kernel)

_sc_scatter = functools.partial(
    pl.kernel,
    out_type=(),
    mesh=plsc.VectorSubcoreMesh(core_axis_name="c", subcore_axis_name="s"),
    compiler_params=pltpu.CompilerParams(needs_layout_passes=False),
    scratch_types=[
        pltpu.VMEM((17, 128), jnp.int32),
        pltpu.VMEM((17, 128), jnp.float32),
        pltpu.VMEM((NW, ROWS_PER_W), jnp.float32),
        pltpu.SemaphoreType.DMA,
    ],
)(_sc_scatter_kernel)


def _assemble_kernel(knn_ref, idx_ref, knn_t_ref, idx_t_ref, out_ref):
    r0 = pl.program_id(0) * BLK
    knn_t = knn_t_ref[...]
    sigma = jnp.sum(knn_t) / jnp.float32(N * KNN) + jnp.float32(1e-8)
    w_t = jnp.exp(-knn_t / sigma)
    w_b = jnp.exp(-knn_ref[...] / sigma)
    idx_b = idx_ref[...]

    col = jax.lax.broadcasted_iota(jnp.int32, (BLK, N), 1)
    row = jax.lax.broadcasted_iota(jnp.int32, (BLK, N), 0) + r0
    acc = jnp.zeros((BLK, N), jnp.float32)
    for k in range(KNN):
        own = col == idx_b[:, k : k + 1]
        acc = jnp.where(own, w_b[:, k : k + 1], acc)
        trn = idx_t_ref[k : k + 1, :] == row
        acc = jnp.where(trn, w_t[k : k + 1, :], acc)
    deg = jnp.sum(acc, axis=1, keepdims=True)
    out_ref[...] = jnp.where(col == row, deg, -acc)


@jax.jit
def kernel(x):
    sq = jnp.sum(x * x, axis=1)
    sq_col = sq[:, None]
    sq_row = sq[None, :]

    knn_d2, idx = pl.pallas_call(
        _knn_kernel,
        grid=(NBLK,),
        in_specs=[
            pl.BlockSpec((BLK, D), lambda i: (i, 0)),
            pl.BlockSpec((N, D), lambda i: (0, 0)),
            pl.BlockSpec((BLK, 1), lambda i: (i, 0)),
            pl.BlockSpec((1, N), lambda i: (0, 0)),
        ],
        out_specs=[
            pl.BlockSpec((BLK, KNN), lambda i: (i, 0)),
            pl.BlockSpec((BLK, KNN), lambda i: (i, 0)),
        ],
        out_shape=[
            jax.ShapeDtypeStruct((N, KNN), jnp.float32),
            jax.ShapeDtypeStruct((N, KNN), jnp.int32),
        ],
        scratch_shapes=[pltpu.VMEM((BLK, N), jnp.float32)],
    )(x, x, sq_col, sq_row)

    w = pl.pallas_call(
        _weights_kernel,
        out_shape=jax.ShapeDtypeStruct((N, KNN), jnp.float32),
    )(knn_d2)

    idx_flat = idx.reshape(EDGES)
    w_flat = w.reshape(EDGES)
    pdeg, offs, vals = _sc_edges(idx_flat, w_flat)

    l_ref = jax.new_ref(jnp.zeros((N * N,), jnp.float32))
    _sc_scatter(l_ref, pdeg, offs, vals)
    return l_ref[...].reshape(N, N)

# --- scband reference (transcript-rebuilt; emitter-appended) ---
"""Pipeline reference for scband-adj-weight-87256555585776 (READ-ONLY COPY).

The authoritative reference and input builder live on the scoring server;
editing this copy changes nothing except your own understanding.
"""

import jax, jax.numpy as jnp
import numpy as np

K = 8  # from init_kwargs k=8

def setup_inputs(seed: int = 0) -> dict:
    key = jax.random.key(seed)
    x = jax.random.normal(key, (4096, 16), dtype=jnp.float32)
    return {"x": x}

def reference(x):
    # Faithful stand-in for ctlib.laplacian(x, k): build kNN graph Laplacian
    # from point features x.
    N = x.shape[0]
    sq = jnp.sum(x * x, axis=1)
    d2 = sq[:, None] + sq[None, :] - 2.0 * (x @ x.T)
    d2 = jnp.maximum(d2, 0.0)
    # exclude self from neighbor search
    diag = jnp.arange(N)
    d2_masked = d2.at[diag, diag].set(jnp.inf)
    # k nearest neighbors = top-k of negative distance
    neg_vals, idx = jax.lax.top_k(-d2_masked, K)
    knn_d2 = -neg_vals  # [N, K]
    # Gaussian edge weights with global bandwidth
    sigma = jnp.mean(knn_d2) + 1e-8
    w = jnp.exp(-knn_d2 / sigma)  # [N, K]
    rows = jnp.repeat(jnp.arange(N), K)
    W = jnp.zeros((N, N), dtype=x.dtype).at[rows, idx.reshape(-1)].set(w.reshape(-1))
    # symmetrize adjacency
    W = jnp.maximum(W, W.T)
    deg = jnp.sum(W, axis=1)
    L = jnp.diag(deg) - W
    return L

if __name__ == "__main__":
    import jax
    _d = setup_inputs()
    print(jax.jit(kernel)(*tuple(_d.values())))

</pallas_src>

<mosaic_0001>
#map = affine_map<(d0, d1) -> (0)>
#map1 = affine_map<(d0, d1) -> (0, 0)>
#map2 = affine_map<(d0, d1) -> (0, 0, 0)>
module attributes {stable_mosaic.version = 14 : i64} {
  func.func @_sc_edges_kernel(%arg0: i32, %arg1: i32, %arg2: memref<32768xi32, #tpu.memory_space<hbm>>, %arg3: memref<32768xf32, #tpu.memory_space<hbm>>, %arg4: memref<32x4096xf32, #tpu.memory_space<hbm>>, %arg5: memref<32x16x128xi32, #tpu.memory_space<hbm>>, %arg6: memref<32x16x128xf32, #tpu.memory_space<hbm>>, %arg7: memref<32768xi32, #tpu.memory_space<vmem>>, %arg8: memref<32768xf32, #tpu.memory_space<vmem>>, %arg9: memref<4096xf32, #tpu.memory_space<vmem>>, %arg10: memref<16x128xi32, #tpu.memory_space<vmem>>, %arg11: memref<16x128xf32, #tpu.memory_space<vmem>>) attributes {dimension_semantics = [#tpu.dimension_semantics<core_parallel>, #tpu.dimension_semantics<subcore_parallel>], iteration_bounds = array<i64: 2, 16>, scalar_prefetch = 0 : i64, scratch_operands = 5 : i64, tpu.core_type = #tpu.core_type<sc_vector_subcore>, window_params = [{transform_indices = #map}, {transform_indices = #map}, {transform_indices = #map1}, {transform_indices = #map2}, {transform_indices = #map2}]} {
    %mul3A = arith.constant 2 : i32
    %mul3A_0 = arith.muli %arg1, %mul3A : i32
    %add3A = arith.addi %mul3A_0, %arg0 : i32
    "tpu.region"() ({
      %run_scoped3A = tpu.sem_alloc : memref<!tpu.dma_semaphore, #tpu.memory_space<semaphore_mem>>
      tpu.enqueue_dma source(%arg2 : memref<32768xi32, #tpu.memory_space<hbm>>) target(%arg7 : memref<32768xi32, #tpu.memory_space<vmem>>) target_semaphore(%run_scoped3A : memref<!tpu.dma_semaphore, #tpu.memory_space<semaphore_mem>>)
      tpu.wait_dma2 semaphore(%run_scoped3A : memref<!tpu.dma_semaphore, #tpu.memory_space<semaphore_mem>>) src(%arg2 : memref<32768xi32, #tpu.memory_space<hbm>>) dst(%arg7 : memref<32768xi32, #tpu.memory_space<vmem>>)
      tpu.yield
    }) : () -> ()
    "tpu.region"() ({
      %run_scoped3A = tpu.sem_alloc : memref<!tpu.dma_semaphore, #tpu.memory_space<semaphore_mem>>
      tpu.enqueue_dma source(%arg3 : memref<32768xf32, #tpu.memory_space<hbm>>) target(%arg8 : memref<32768xf32, #tpu.memory_space<vmem>>) target_semaphore(%run_scoped3A : memref<!tpu.dma_semaphore, #tpu.memory_space<semaphore_mem>>)
      tpu.wait_dma2 semaphore(%run_scoped3A : memref<!tpu.dma_semaphore, #tpu.memory_space<semaphore_mem>>) src(%arg3 : memref<32768xf32, #tpu.memory_space<hbm>>) dst(%arg8 : memref<32768xf32, #tpu.memory_space<vmem>>)
      tpu.yield
    }) : () -> ()
    %broadcast_in_dim3A = arith.constant 0.000000e+00 : f32
    %broadcast_in_dim3A_1 = vector.broadcast %broadcast_in_dim3A : f32 to vector<16xf32>
    %scan3A = arith.constant 0 : i32
    %scan3A_2 = arith.constant 256 : i32
    %scan3A_3 = arith.addi %scan3A, %scan3A_2 : i32
    %scan3A_4 = arith.constant 1 : i32
    scf.for %scan3A_13 = %scan3A to %scan3A_3 step %scan3A_4  : i32 {
      %mul3A_14 = arith.constant 1 : i32
      %mul3A_15 = arith.muli %scan3A_13, %mul3A_14 : i32
      %add3A_16 = arith.constant 0 : i32
      %add3A_17 = arith.addi %add3A_16, %mul3A_15 : i32
      %mul3A_18 = arith.constant 16 : i32
      %mul3A_19 = arith.muli %add3A_17, %mul3A_18 : i32
      %swap3A = arith.index_cast %mul3A_19 : i32 to index
      %swap3A_20 = tpu.vector_load %arg9[%swap3A] {strides = array<i32>} : memref<4096xf32, #tpu.memory_space<vmem>>, vector<16xf32>,
      tpu.vector_store %arg9[%swap3A], %broadcast_in_dim3A_1 {strides = array<i32>} : memref<4096xf32, #tpu.memory_space<vmem>>, vector<16xf32>,
    }
    %scan3A_5 = arith.constant 256 : i32
    %mul3A_6 = arith.constant 1024 : i32
    %mul3A_7 = arith.muli %add3A, %mul3A_6 : i32
    %iota3A = tpu.iota {dimensions = array<i32: 0>} : vector<16xi32>
    %scan3A_8 = arith.constant 0 : i32
    %scan3A_9 = arith.constant 64 : i32
    %scan3A_10 = arith.addi %scan3A_8, %scan3A_9 : i32
    %scan3A_11 = arith.constant 1 : i32
    scf.for %scan3A_13 = %scan3A_8 to %scan3A_10 step %scan3A_11  : i32 {
      %mul3A_14 = arith.constant 1 : i32
      %mul3A_15 = arith.muli %scan3A_13, %mul3A_14 : i32
      %add3A_16 = arith.constant 0 : i32
      %add3A_17 = arith.addi %add3A_16, %mul3A_15 : i32
      %mul3A_18 = arith.constant 16 : i32
      %mul3A_19 = arith.muli %add3A_17, %mul3A_18 : i32
      %add3A_20 = arith.addi %mul3A_7, %mul3A_19 : i32
      %add3A_21 = vector.broadcast %add3A_20 : i32 to vector<16xi32>
      %add3A_22 = arith.addi %add3A_21, %iota3A : vector<16xi32>
      %shift_right_arithmetic3A = arith.constant 3 : i32
      %shift_right_arithmetic3A_23 = vector.broadcast %shift_right_arithmetic3A : i32 to vector<16xi32>
      %shift_right_arithmetic3A_24 = arith.shrsi %add3A_22, %shift_right_arithmetic3A_23 : vector<16xi32>
      %get3A = arith.index_cast %add3A_20 : i32 to index
      %get3A_25 = tpu.vector_load %arg7[%get3A] {strides = array<i32>} : memref<32768xi32, #tpu.memory_space<vmem>>, vector<16xi32>,
      %get3A_26 = arith.index_cast %add3A_20 : i32 to index
      %get3A_27 = tpu.vector_load %arg8[%get3A_26] {strides = array<i32>} : memref<32768xf32, #tpu.memory_space<vmem>>, vector<16xf32>,
      %mul3A_28 = arith.constant 8 : i32
      %mul3A_29 = vector.broadcast %mul3A_28 : i32 to vector<16xi32>
      %mul3A_30 = arith.muli %get3A_25, %mul3A_29 : vector<16xi32>
      %gather3A = tpu.vector_load_idx %arg7[%mul3A_30] : memref<32768xi32, #tpu.memory_space<vmem>>[vector<16xi32>], vector<16xi32>,
      %eq3A = arith.cmpi eq, %gather3A, %shift_right_arithmetic3A_24 : vector<16xi32>
      %mul3A_31 = arith.constant 8 : i32
      %mul3A_32 = vector.broadcast %mul3A_31 : i32 to vector<16xi32>
      %mul3A_33 = arith.muli %get3A_25, %mul3A_32 : vector<16xi32>
      %add3A_34 = arith.constant 1 : i32
      %add3A_35 = vector.broadcast %add3A_34 : i32 to vector<16xi32>
      %add3A_36 = arith.addi %mul3A_33, %add3A_35 : vector<16xi32>
      %gather3A_37 = tpu.vector_load_idx %arg7[%add3A_36] : memref<32768xi32, #tpu.memory_space<vmem>>[vector<16xi32>], vector<16xi32>,
      %eq3A_38 = arith.cmpi eq, %gather3A_37, %shift_right_arithmetic3A_24 : vector<16xi32>
      %or3A = arith.ori %eq3A, %eq3A_38 : vector<16xi1>
      %mul3A_39 = arith.constant 8 : i32
      %mul3A_40 = vector.broadcast %mul3A_39 : i32 to vector<16xi32>
      %mul3A_41 = arith.muli %get3A_25, %mul3A_40 : vector<16xi32>
      %add3A_42 = arith.constant 2 : i32
      %add3A_43 = vector.broadcast %add3A_42 : i32 to vector<16xi32>
      %add3A_44 = arith.addi %mul3A_41, %add3A_43 : vector<16xi32>
      %gather3A_45 = tpu.vector_load_idx %arg7[%add3A_44] : memref<32768xi32, #tpu.memory_space<vmem>>[vector<16xi32>], vector<16xi32>,
      %eq3A_46 = arith.cmpi eq, %gather3A_45, %shift_right_arithmetic3A_24 : vector<16xi32>
      %or3A_47 = arith.ori %or3A, %eq3A_46 : vector<16xi1>
      %mul3A_48 = arith.constant 8 : i32
      %mul3A_49 = vector.broadcast %mul3A_48 : i32 to vector<16xi32>
      %mul3A_50 = arith.muli %get3A_25, %mul3A_49 : vector<16xi32>
      %add3A_51 = arith.constant 3 : i32
      %add3A_52 = vector.broadcast %add3A_51 : i32 to vector<16xi32>
      %add3A_53 = arith.addi %mul3A_50, %add3A_52 : vector<16xi32>
      %gather3A_54 = tpu.vector_load_idx %arg7[%add3A_53] : memref<32768xi32, #tpu.memory_space<vmem>>[vector<16xi32>], vector<16xi32>,
      %eq3A_55 = arith.cmpi eq, %gather3A_54, %shift_right_arithmetic3A_24 : vector<16xi32>
      %or3A_56 = arith.ori %or3A_47, %eq3A_55 : vector<16xi1>
      %mul3A_57 = arith.constant 8 : i32
      %mul3A_58 = vector.broadcast %mul3A_57 : i32 to vector<16xi32>
      %mul3A_59 = arith.muli %get3A_25, %mul3A_58 : vector<16xi32>
      %add3A_60 = arith.constant 4 : i32
      %add3A_61 = vector.broadcast %add3A_60 : i32 to vector<16xi32>
      %add3A_62 = arith.addi %mul3A_59, %add3A_61 : vector<16xi32>
      %gather3A_63 = tpu.vector_load_idx %arg7[%add3A_62] : memref<32768xi32, #tpu.memory_space<vmem>>[vector<16xi32>], vector<16xi32>,
      %eq3A_64 = arith.cmpi eq, %gather3A_63, %shift_right_arithmetic3A_24 : vector<16xi32>
      %or3A_65 = arith.ori %or3A_56, %eq3A_64 : vector<16xi1>
      %mul3A_66 = arith.constant 8 : i32
      %mul3A_67 = vector.broadcast %mul3A_66 : i32 to vector<16xi32>
      %mul3A_68 = arith.muli %get3A_25, %mul3A_67 : vector<16xi32>
      %add3A_69 = arith.constant 5 : i32
      %add3A_70 = vector.broadcast %add3A_69 : i32 to vector<16xi32>
      %add3A_71 = arith.addi %mul3A_68, %add3A_70 : vector<16xi32>
      %gather3A_72 = tpu.vector_load_idx %arg7[%add3A_71] : memref<32768xi32, #tpu.memory_space<vmem>>[vector<16xi32>], vector<16xi32>,
      %eq3A_73 = arith.cmpi eq, %gather3A_72, %shift_right_arithmetic3A_24 : vector<16xi32>
      %or3A_74 = arith.ori %or3A_65, %eq3A_73 : vector<16xi1>
      %mul3A_75 = arith.constant 8 : i32
      %mul3A_76 = vector.broadcast %mul3A_75 : i32 to vector<16xi32>
      %mul3A_77 = arith.muli %get3A_25, %mul3A_76 : vector<16xi32>
      %add3A_78 = arith.constant 6 : i32
      %add3A_79 = vector.broadcast %add3A_78 : i32 to vector<16xi32>
      %add3A_80 = arith.addi %mul3A_77, %add3A_79 : vector<16xi32>
      %gather3A_81 = tpu.vector_load_idx %arg7[%add3A_80] : memref<32768xi32, #tpu.memory_space<vmem>>[vector<16xi32>], vector<16xi32>,
      %eq3A_82 = arith.cmpi eq, %gather3A_81, %shift_right_arithmetic3A_24 : vector<16xi32>
      %or3A_83 = arith.ori %or3A_74, %eq3A_82 : vector<16xi1>
      %mul3A_84 = arith.constant 8 : i32
      %mul3A_85 = vector.broadcast %mul3A_84 : i32 to vector<16xi32>
      %mul3A_86 = arith.muli %get3A_25, %mul3A_85 : vector<16xi32>
      %add3A_87 = arith.constant 7 : i32
      %add3A_88 = vector.broadcast %add3A_87 : i32 to vector<16xi32>
      %add3A_89 = arith.addi %mul3A_86, %add3A_88 : vector<16xi32>
      %gather3A_90 = tpu.vector_load_idx %arg7[%add3A_89] : memref<32768xi32, #tpu.memory_space<vmem>>[vector<16xi32>], vector<16xi32>,
      %eq3A_91 = arith.cmpi eq, %gather3A_90, %shift_right_arithmetic3A_24 : vector<16xi32>
      %or3A_92 = arith.ori %or3A_83, %eq3A_91 : vector<16xi1>
      tpu.vector_store_idx %arg9[%shift_right_arithmetic3A_24], %get3A_27 {add = true} : memref<4096xf32, #tpu.memory_space<vmem>>[vector<16xi32>], vector<16xf32>,
      %jit3A = arith.constant 0.000000e+00 : f32
      %broadcast_in_dim3A_93 = vector.broadcast %jit3A : f32 to vector<16xf32>
      %select_n3A = arith.select %or3A_92, %broadcast_in_dim3A_93, %get3A_27 : vector<16xi1>, vector<16xf32>
      tpu.vector_store_idx %arg9[%get3A_25], %select_n3A {add = true} : memref<4096xf32, #tpu.memory_space<vmem>>[vector<16xi32>], vector<16xf32>,
      %shift_right_arithmetic3A_94 = arith.constant 2 : i32
      %shift_right_arithmetic3A_95 = arith.shrsi %add3A_17, %shift_right_arithmetic3A_94 : i32
      %and3A = arith.constant 3 : i32
      %and3A_96 = arith.andi %add3A_17, %and3A : i32
      %mul3A_97 = arith.constant 32 : i32
      %mul3A_98 = arith.muli %and3A_96, %mul3A_97 : i32
      %mul3A_99 = arith.constant 4096 : i32
      %mul3A_100 = vector.broadcast %mul3A_99 : i32 to vector<16xi32>
      %mul3A_101 = arith.muli %shift_right_arithmetic3A_24, %mul3A_100 : vector<16xi32>
      %add3A_102 = arith.addi %mul3A_101, %get3A_25 : vector<16xi32>
      %swap3A = arith.index_cast %shift_right_arithmetic3A_95 : i32 to index
      %swap3A_103 = arith.index_cast %mul3A_98 : i32 to index
      %swap3A_104 = tpu.vector_load %arg10[%swap3A, %swap3A_103] {strides = array<i32>} : memref<16x128xi32, #tpu.memory_space<vmem>>, vector<16xi32>,
      tpu.vector_store %arg10[%swap3A, %swap3A_103], %add3A_102 {strides = array<i32>} : memref<16x128xi32, #tpu.memory_space<vmem>>, vector<16xi32>,
      %mul3A_105 = arith.constant 4096 : i32
      %mul3A_106 = vector.broadcast %mul3A_105 : i32 to vector<16xi32>
      %mul3A_107 = arith.muli %get3A_25, %mul3A_106 : vector<16xi32>
      %add3A_108 = arith.addi %mul3A_107, %shift_right_arithmetic3A_24 : vector<16xi32>
      %add3A_109 = arith.constant 16 : i32
      %add3A_110 = arith.addi %mul3A_98, %add3A_109 : i32
      %swap3A_111 = arith.index_cast %shift_right_arithmetic3A_95 : i32 to index
      %swap3A_112 = arith.index_cast %add3A_110 : i32 to index
      %swap3A_113 = tpu.vector_load %arg10[%swap3A_111, %swap3A_112] {strides = array<i32>} : memref<16x128xi32, #tpu.memory_space<vmem>>, vector<16xi32>,
      tpu.vector_store %arg10[%swap3A_111, %swap3A_112], %add3A_108 {strides = array<i32>} : memref<16x128xi32, #tpu.memory_space<vmem>>, vector<16xi32>,
      %neg3A = arith.constant 0.000000e+00 : f32
      %neg3A_114 = vector.broadcast %neg3A : f32 to vector<16xf32>
      %neg3A_115 = arith.subf %neg3A_114, %get3A_27 : vector<16xf32>
      %swap3A_116 = arith.index_cast %shift_right_arithmetic3A_95 : i32 to index
      %swap3A_117 = arith.index_cast %mul3A_98 : i32 to index
      %swap3A_118 = tpu.vector_load %arg11[%swap3A_116, %swap3A_117] {strides = array<i32>} : memref<16x128xf32, #tpu.memory_space<vmem>>, vector<16xf32>,
      tpu.vector_store %arg11[%swap3A_116, %swap3A_117], %neg3A_115 {strides = array<i32>} : memref<16x128xf32, #tpu.memory_space<vmem>>, vector<16xf32>,
      %neg3A_119 = arith.constant 0.000000e+00 : f32
      %neg3A_120 = vector.broadcast %neg3A_119 : f32 to vector<16xf32>
      %neg3A_121 = arith.subf %neg3A_120, %get3A_27 : vector<16xf32>
      %add3A_122 = arith.constant 16 : i32
      %add3A_123 = arith.addi %mul3A_98, %add3A_122 : i32
      %swap3A_124 = arith.index_cast %shift_right_arithmetic3A_95 : i32 to index
      %swap3A_125 = arith.index_cast %add3A_123 : i32 to index
      %swap3A_126 = tpu.vector_load %arg11[%swap3A_124, %swap3A_125] {strides = array<i32>} : memref<16x128xf32, #tpu.memory_space<vmem>>, vector<16xf32>,
      tpu.vector_store %arg11[%swap3A_124, %swap3A_125], %neg3A_121 {strides = array<i32>} : memref<16x128xf32, #tpu.memory_space<vmem>>, vector<16xf32>,
    }
    %scan3A_12 = arith.constant 64 : i32
    "tpu.region"() ({
      %run_scoped3A = tpu.sem_alloc : memref<!tpu.dma_semaphore, #tpu.memory_space<semaphore_mem>>
      %dma_start3A = arith.constant 0 : i32
      %dma_start3A_13 = tpu.memref_slice %arg4[%add3A, %dma_start3A] : memref<32x4096xf32, #tpu.memory_space<hbm>> -> memref<1x4096xf32, #tpu.memory_space<hbm>>
      %dma_start3A_14 = tpu.memref_squeeze %dma_start3A_13 : memref<1x4096xf32, #tpu.memory_space<hbm>> -> memref<4096xf32, #tpu.memory_space<hbm>>
      %dma_start3A_15 = arith.constant 0 : i32
      %dma_start3A_16 = tpu.memref_slice %arg4[%add3A, %dma_start3A_15] : memref<32x4096xf32, #tpu.memory_space<hbm>> -> memref<1x4096xf32, #tpu.memory_space<hbm>>
      %dma_start3A_17 = tpu.memref_squeeze %dma_start3A_16 : memref<1x4096xf32, #tpu.memory_space<hbm>> -> memref<4096xf32, #tpu.memory_space<hbm>>
      tpu.enqueue_dma source(%arg9 : memref<4096xf32, #tpu.memory_space<vmem>>) target(%dma_start3A_17 : memref<4096xf32, #tpu.memory_space<hbm>>) target_semaphore(%run_scoped3A : memref<!tpu.dma_semaphore, #tpu.memory_space<semaphore_mem>>)
      %dma_wait3A = arith.constant 0 : i32
      %dma_wait3A_18 = tpu.memref_slice %arg4[%add3A, %dma_wait3A] : memref<32x4096xf32, #tpu.memory_space<hbm>> -> memref<1x4096xf32, #tpu.memory_space<hbm>>
      %dma_wait3A_19 = tpu.memref_squeeze %dma_wait3A_18 : memref<1x4096xf32, #tpu.memory_space<hbm>> -> memref<4096xf32, #tpu.memory_space<hbm>>
      %dma_wait3A_20 = arith.constant 0 : i32
      %dma_wait3A_21 = tpu.memref_slice %arg4[%add3A, %dma_wait3A_20] : memref<32x4096xf32, #tpu.memory_space<hbm>> -> memref<1x4096xf32, #tpu.memory_space<hbm>>
      %dma_wait3A_22 = tpu.memref_squeeze %dma_wait3A_21 : memref<1x4096xf32, #tpu.memory_space<hbm>> -> memref<4096xf32, #tpu.memory_space<hbm>>
      tpu.wait_dma2 semaphore(%run_scoped3A : memref<!tpu.dma_semaphore, #tpu.memory_space<semaphore_mem>>) src(%arg9 : memref<4096xf32, #tpu.memory_space<vmem>>) dst(%dma_wait3A_22 : memref<4096xf32, #tpu.memory_space<hbm>>)
      tpu.yield
    }) : () -> ()
    "tpu.region"() ({
      %run_scoped3A = tpu.sem_alloc : memref<!tpu.dma_semaphore, #tpu.memory_space<semaphore_mem>>
      %dma_start3A = arith.constant 0 : i32
      %dma_start3A_13 = arith.constant 0 : i32
      %dma_start3A_14 = tpu.memref_slice %arg5[%add3A, %dma_start3A, %dma_start3A_13] : memref<32x16x128xi32, #tpu.memory_space<hbm>> -> memref<1x16x128xi32, #tpu.memory_space<hbm>>
      %dma_start3A_15 = tpu.memref_squeeze %dma_start3A_14 : memref<1x16x128xi32, #tpu.memory_space<hbm>> -> memref<16x128xi32, #tpu.memory_space<hbm>>
      %dma_start3A_16 = arith.constant 0 : i32
      %dma_start3A_17 = arith.constant 0 : i32
      %dma_start3A_18 = tpu.memref_slice %arg5[%add3A, %dma_start3A_16, %dma_start3A_17] : memref<32x16x128xi32, #tpu.memory_space<hbm>> -> memref<1x16x128xi32, #tpu.memory_space<hbm>>
      %dma_start3A_19 = tpu.memref_squeeze %dma_start3A_18 : memref<1x16x128xi32, #tpu.memory_space<hbm>> -> memref<16x128xi32, #tpu.memory_space<hbm>>
      tpu.enqueue_dma source(%arg10 : memref<16x128xi32, #tpu.memory_space<vmem>>) target(%dma_start3A_19 : memref<16x128xi32, #tpu.memory_space<hbm>>) target_semaphore(%run_scoped3A : memref<!tpu.dma_semaphore, #tpu.memory_space<semaphore_mem>>)
      %dma_wait3A = arith.constant 0 : i32
      %dma_wait3A_20 = arith.constant 0 : i32
      %dma_wait3A_21 = tpu.memref_slice %arg5[%add3A, %dma_wait3A, %dma_wait3A_20] : memref<32x16x128xi32, #tpu.memory_space<hbm>> -> memref<1x16x128xi32, #tpu.memory_space<hbm>>
      %dma_wait3A_22 = tpu.memref_squeeze %dma_wait3A_21 : memref<1x16x128xi32, #tpu.memory_space<hbm>> -> memref<16x128xi32, #tpu.memory_space<hbm>>
      %dma_wait3A_23 = arith.constant 0 : i32
      %dma_wait3A_24 = arith.constant 0 : i32
      %dma_wait3A_25 = tpu.memref_slice %arg5[%add3A, %dma_wait3A_23, %dma_wait3A_24] : memref<32x16x128xi32, #tpu.memory_space<hbm>> -> memref<1x16x128xi32, #tpu.memory_space<hbm>>
      %dma_wait3A_26 = tpu.memref_squeeze %dma_wait3A_25 : memref<1x16x128xi32, #tpu.memory_space<hbm>> -> memref<16x128xi32, #tpu.memory_space<hbm>>
      tpu.wait_dma2 semaphore(%run_scoped3A : memref<!tpu.dma_semaphore, #tpu.memory_space<semaphore_mem>>) src(%arg10 : memref<16x128xi32, #tpu.memory_space<vmem>>) dst(%dma_wait3A_26 : memref<16x128xi32, #tpu.memory_space<hbm>>)
      tpu.yield
    }) : () -> ()
    "tpu.region"() ({
      %run_scoped3A = tpu.sem_alloc : memref<!tpu.dma_semaphore, #tpu.memory_space<semaphore_mem>>
      %dma_start3A = arith.constant 0 : i32
      %dma_start3A_13 = arith.constant 0 : i32
      %dma_start3A_14 = tpu.memref_slice %arg6[%add3A, %dma_start3A, %dma_start3A_13] : memref<32x16x128xf32, #tpu.memory_space<hbm>> -> memref<1x16x128xf32, #tpu.memory_space<hbm>>
      %dma_start3A_15 = tpu.memref_squeeze %dma_start3A_14 : memref<1x16x128xf32, #tpu.memory_space<hbm>> -> memref<16x128xf32, #tpu.memory_space<hbm>>
      %dma_start3A_16 = arith.constant 0 : i32
      %dma_start3A_17 = arith.constant 0 : i32
      %dma_start3A_18 = tpu.memref_slice %arg6[%add3A, %dma_start3A_16, %dma_start3A_17] : memref<32x16x128xf32, #tpu.memory_space<hbm>> -> memref<1x16x128xf32, #tpu.memory_space<hbm>>
      %dma_start3A_19 = tpu.memref_squeeze %dma_start3A_18 : memref<1x16x128xf32, #tpu.memory_space<hbm>> -> memref<16x128xf32, #tpu.memory_space<hbm>>
      tpu.enqueue_dma source(%arg11 : memref<16x128xf32, #tpu.memory_space<vmem>>) target(%dma_start3A_19 : memref<16x128xf32, #tpu.memory_space<hbm>>) target_semaphore(%run_scoped3A : memref<!tpu.dma_semaphore, #tpu.memory_space<semaphore_mem>>)
      %dma_wait3A = arith.constant 0 : i32
      %dma_wait3A_20 = arith.constant 0 : i32
      %dma_wait3A_21 = tpu.memref_slice %arg6[%add3A, %dma_wait3A, %dma_wait3A_20] : memref<32x16x128xf32, #tpu.memory_space<hbm>> -> memref<1x16x128xf32, #tpu.memory_space<hbm>>
      %dma_wait3A_22 = tpu.memref_squeeze %dma_wait3A_21 : memref<1x16x128xf32, #tpu.memory_space<hbm>> -> memref<16x128xf32, #tpu.memory_space<hbm>>
      %dma_wait3A_23 = arith.constant 0 : i32
      %dma_wait3A_24 = arith.constant 0 : i32
      %dma_wait3A_25 = tpu.memref_slice %arg6[%add3A, %dma_wait3A_23, %dma_wait3A_24] : memref<32x16x128xf32, #tpu.memory_space<hbm>> -> memref<1x16x128xf32, #tpu.memory_space<hbm>>
      %dma_wait3A_26 = tpu.memref_squeeze %dma_wait3A_25 : memref<1x16x128xf32, #tpu.memory_space<hbm>> -> memref<16x128xf32, #tpu.memory_space<hbm>>
      tpu.wait_dma2 semaphore(%run_scoped3A : memref<!tpu.dma_semaphore, #tpu.memory_space<semaphore_mem>>) src(%arg11 : memref<16x128xf32, #tpu.memory_space<vmem>>) dst(%dma_wait3A_26 : memref<16x128xf32, #tpu.memory_space<hbm>>)
      tpu.yield
    }) : () -> ()
    return
  }
}

#map = affine_map<(d0, d1) -> (0)>
#map1 = affine_map<(d0, d1) -> (0, 0)>
#map2 = affine_map<(d0, d1) -> (0, 0, 0)>
module attributes {stable_mosaic.version = 14 : i64} {
  func.func @new_body(%arg0: i32, %arg1: i32, %arg2: memref<16777216xf32, #tpu.memory_space<hbm>>, %arg3: memref<32x4096xf32, #tpu.memory_space<hbm>>, %arg4: memref<32x16x128xi32, #tpu.memory_space<hbm>>, %arg5: memref<32x16x128xf32, #tpu.memory_space<hbm>>, %arg6: memref<16777216xf32, #tpu.memory_space<hbm>>, %arg7: memref<17x128xi32, #tpu.memory_space<vmem>>, %arg8: memref<17x128xf32, #tpu.memory_space<vmem>>, %arg9: memref<32x128xf32, #tpu.memory_space<vmem>>, %arg10: memref<!tpu.dma_semaphore, #tpu.memory_space<semaphore_mem>>) attributes {dimension_semantics = [#tpu.dimension_semantics<core_parallel>, #tpu.dimension_semantics<subcore_parallel>], iteration_bounds = array<i64: 2, 16>, scalar_prefetch = 0 : i64, scratch_operands = 4 : i64, tpu.core_type = #tpu.core_type<sc_vector_subcore>, window_params = [{transform_indices = #map}, {transform_indices = #map1}, {transform_indices = #map2}, {transform_indices = #map2}, {transform_indices = #map}]} {
    %mul3A = arith.constant 2 : i32
    %mul3A_0 = arith.muli %arg1, %mul3A : i32
    %add3A = arith.addi %mul3A_0, %arg0 : i32
    "tpu.region"() ({
      %run_scoped3A = tpu.sem_alloc : memref<!tpu.dma_semaphore, #tpu.memory_space<semaphore_mem>>
      %dma_start3A_1731 = arith.constant 0 : i32
      %dma_start3A_1732 = arith.constant 0 : i32
      %dma_start3A_1733 = tpu.memref_slice %arg7[%dma_start3A_1731, %dma_start3A_1732] : memref<17x128xi32, #tpu.memory_space<vmem>> -> memref<16x128xi32, #tpu.memory_space<vmem>>
      %dma_start3A_1734 = arith.constant 0 : i32
      %dma_start3A_1735 = arith.constant 0 : i32
      %dma_start3A_1736 = tpu.memref_slice %arg4[%add3A, %dma_start3A_1734, %dma_start3A_1735] : memref<32x16x128xi32, #tpu.memory_space<hbm>> -> memref<1x16x128xi32, #tpu.memory_space<hbm>>
      %dma_start3A_1737 = tpu.memref_squeeze %dma_start3A_1736 : memref<1x16x128xi32, #tpu.memory_space<hbm>> -> memref<16x128xi32, #tpu.memory_space<hbm>>
      %dma_start3A_1738 = arith.constant 0 : i32
      %dma_start3A_1739 = arith.constant 0 : i32
      %dma_start3A_1740 = tpu.memref_slice %arg7[%dma_start3A_1738, %dma_start3A_1739] : memref<17x128xi32, #tpu.memory_space<vmem>> -> memref<16x128xi32, #tpu.memory_space<vmem>>
      %dma_start3A_1741 = arith.constant 0 : i32
      %dma_start3A_1742 = arith.constant 0 : i32
      %dma_start3A_1743 = tpu.memref_slice %arg4[%add3A, %dma_start3A_1741, %dma_start3A_1742] : memref<32x16x128xi32, #tpu.memory_space<hbm>> -> memref<1x16x128xi32, #tpu.memory_space<hbm>>
      %dma_start3A_1744 = tpu.memref_squeeze %dma_start3A_1743 : memref<1x16x128xi32, #tpu.memory_space<hbm>> -> memref<16x128xi32, #tpu.memory_space<hbm>>
      tpu.enqueue_dma source(%dma_start3A_1744 : memref<16x128xi32, #tpu.memory_space<hbm>>) target(%dma_start3A_1740 : memref<16x128xi32, #tpu.memory_space<vmem>>) target_semaphore(%run_scoped3A : memref<!tpu.dma_semaphore, #tpu.memory_space<semaphore_mem>>)
      %dma_wait3A_1745 = arith.constant 0 : i32
      %dma_wait3A_1746 = arith.constant 0 : i32
      %dma_wait3A_1747 = tpu.memref_slice %arg7[%dma_wait3A_1745, %dma_wait3A_1746] : memref<17x128xi32, #tpu.memory_space<vmem>> -> memref<16x128xi32, #tpu.memory_space<vmem>>
      %dma_wait3A_1748 = arith.constant 0 : i32
      %dma_wait3A_1749 = arith.constant 0 : i32
      %dma_wait3A_1750 = tpu.memref_slice %arg4[%add3A, %dma_wait3A_1748, %dma_wait3A_1749] : memref<32x16x128xi32, #tpu.memory_space<hbm>> -> memref<1x16x128xi32, #tpu.memory_space<hbm>>
      %dma_wait3A_1751 = tpu.memref_squeeze %dma_wait3A_1750 : memref<1x16x128xi32, #tpu.memory_space<hbm>> -> memref<16x128xi32, #tpu.memory_space<hbm>>
      %dma_wait3A_1752 = arith.constant 0 : i32
      %dma_wait3A_1753 = arith.constant 0 : i32
      %dma_wait3A_1754 = tpu.memref_slice %arg7[%dma_wait3A_1752, %dma_wait3A_1753] : memref<17x128xi32, #tpu.memory_space<vmem>> -> memref<16x128xi32, #tpu.memory_space<vmem>>
      %dma_wait3A_1755 = arith.constant 0 : i32
      %dma_wait3A_1756 = arith.constant 0 : i32
      %dma_wait3A_1757 = tpu.memref_slice %arg4[%add3A, %dma_wait3A_1755, %dma_wait3A_1756] : memref<32x16x128xi32, #tpu.memory_space<hbm>> -> memref<1x16x128xi32, #tpu.memory_space<hbm>>
      %dma_wait3A_1758 = tpu.memref_squeeze %dma_wait3A_1757 : memref<1x16x128xi32, #tpu.memory_space<hbm>> -> memref<16x128xi32, #tpu.memory_space<hbm>>
      tpu.wait_dma2 semaphore(%run_scoped3A : memref<!tpu.dma_semaphore, #tpu.memory_space<semaphore_mem>>) src(%dma_wait3A_1758 : memref<16x128xi32, #tpu.memory_space<hbm>>) dst(%dma_wait3A_1754 : memref<16x128xi32, #tpu.memory_space<vmem>>)
      tpu.yield
    }) : () -> ()
    "tpu.region"() ({
      %run_scoped3A = tpu.sem_alloc : memref<!tpu.dma_semaphore, #tpu.memory_space<semaphore_mem>>
      %dma_start3A_1731 = arith.constant 0 : i32
      %dma_start3A_1732 = arith.constant 0 : i32
      %dma_start3A_1733 = tpu.memref_slice %arg8[%dma_start3A_1731, %dma_start3A_1732] : memref<17x128xf32, #tpu.memory_space<vmem>> -> memref<16x128xf32, #tpu.memory_space<vmem>>
      %dma_start3A_1734 = arith.constant 0 : i32
      %dma_start3A_1735 = arith.constant 0 : i32
      %dma_start3A_1736 = tpu.memref_slice %arg5[%add3A, %dma_start3A_1734, %dma_start3A_1735] : memref<32x16x128xf32, #tpu.memory_space<hbm>> -> memref<1x16x128xf32, #tpu.memory_space<hbm>>
      %dma_start3A_1737 = tpu.memref_squeeze %dma_start3A_1736 : memref<1x16x128xf32, #tpu.memory_space<hbm>> -> memref<16x128xf32, #tpu.memory_space<hbm>>
      %dma_start3A_1738 = arith.constant 0 : i32
      %dma_start3A_1739 = arith.constant 0 : i32
      %dma_start3A_1740 = tpu.memref_slice %arg8[%dma_start3A_1738, %dma_start3A_1739] : memref<17x128xf32, #tpu.memory_space<vmem>> -> memref<16x128xf32, #tpu.memory_space<vmem>>
      %dma_start3A_1741 = arith.constant 0 : i32
      %dma_start3A_1742 = arith.constant 0 : i32
      %dma_start3A_1743 = tpu.memref_slice %arg5[%add3A, %dma_start3A_1741, %dma_start3A_1742] : memref<32x16x128xf32, #tpu.memory_space<hbm>> -> memref<1x16x128xf32, #tpu.memory_space<hbm>>
      %dma_start3A_1744 = tpu.memref_squeeze %dma_start3A_1743 : memref<1x16x128xf32, #tpu.memory_space<hbm>> -> memref<16x128xf32, #tpu.memory_space<hbm>>
      tpu.enqueue_dma source(%dma_start3A_1744 : memref<16x128xf32, #tpu.memory_space<hbm>>) target(%dma_start3A_1740 : memref<16x128xf32, #tpu.memory_space<vmem>>) target_semaphore(%run_scoped3A : memref<!tpu.dma_semaphore, #tpu.memory_space<semaphore_mem>>)
      %dma_wait3A_1745 = arith.constant 0 : i32
      %dma_wait3A_1746 = arith.constant 0 : i32
      %dma_wait3A_1747 = tpu.memref_slice %arg8[%dma_wait3A_1745, %dma_wait3A_1746] : memref<17x128xf32, #tpu.memory_space<vmem>> -> memref<16x128xf32, #tpu.memory_space<vmem>>
      %dma_wait3A_1748 = arith.constant 0 : i32
      %dma_wait3A_1749 = arith.constant 0 : i32
      %dma_wait3A_1750 = tpu.memref_slice %arg5[%add3A, %dma_wait3A_1748, %dma_wait3A_1749] : memref<32x16x128xf32, #tpu.memory_space<hbm>> -> memref<1x16x128xf32, #tpu.memory_space<hbm>>
      %dma_wait3A_1751 = tpu.memref_squeeze %dma_wait3A_1750 : memref<1x16x128xf32, #tpu.memory_space<hbm>> -> memref<16x128xf32, #tpu.memory_space<hbm>>
      %dma_wait3A_1752 = arith.constant 0 : i32
      %dma_wait3A_1753 = arith.constant 0 : i32
      %dma_wait3A_1754 = tpu.memref_slice %arg8[%dma_wait3A_1752, %dma_wait3A_1753] : memref<17x128xf32, #tpu.memory_space<vmem>> -> memref<16x128xf32, #tpu.memory_space<vmem>>
      %dma_wait3A_1755 = arith.constant 0 : i32
      %dma_wait3A_1756 = arith.constant 0 : i32
      %dma_wait3A_1757 = tpu.memref_slice %arg5[%add3A, %dma_wait3A_1755, %dma_wait3A_1756] : memref<32x16x128xf32, #tpu.memory_space<hbm>> -> memref<1x16x128xf32, #tpu.memory_space<hbm>>
      %dma_wait3A_1758 = tpu.memref_squeeze %dma_wait3A_1757 : memref<1x16x128xf32, #tpu.memory_space<hbm>> -> memref<16x128xf32, #tpu.memory_space<hbm>>
      tpu.wait_dma2 semaphore(%run_scoped3A : memref<!tpu.dma_semaphore, #tpu.memory_space<semaphore_mem>>) src(%dma_wait3A_1758 : memref<16x128xf32, #tpu.memory_space<hbm>>) dst(%dma_wait3A_1754 : memref<16x128xf32, #tpu.memory_space<vmem>>)
      tpu.yield
    }) : () -> ()
    %mul3A_1 = arith.constant 128 : i32
    %mul3A_2 = arith.muli %add3A, %mul3A_1 : i32
    "tpu.region"() ({
      %run_scoped3A = tpu.sem_alloc : memref<!tpu.dma_semaphore, #tpu.memory_space<semaphore_mem>>
      %dma_start3A_1731 = arith.constant 0 : i32
      %dma_start3A_1732 = tpu.memref_slice %arg3[%dma_start3A_1731, %mul3A_2] : memref<32x4096xf32, #tpu.memory_space<hbm>> -> memref<32x128xf32, #tpu.memory_space<hbm>>
      %dma_start3A_1733 = arith.constant 0 : i32
      %dma_start3A_1734 = tpu.memref_slice %arg3[%dma_start3A_1733, %mul3A_2] : memref<32x4096xf32, #tpu.memory_space<hbm>> -> memref<32x128xf32, #tpu.memory_space<hbm>>
      tpu.enqueue_dma source(%dma_start3A_1734 : memref<32x128xf32, #tpu.memory_space<hbm>>) target(%arg9 : memref<32x128xf32, #tpu.memory_space<vmem>>) target_semaphore(%run_scoped3A : memref<!tpu.dma_semaphore, #tpu.memory_space<semaphore_mem>>)
      %dma_wait3A_1735 = arith.constant 0 : i32
      %dma_wait3A_1736 = tpu.memref_slice %arg3[%dma_wait3A_1735, %mul3A_2] : memref<32x4096xf32, #tpu.memory_space<hbm>> -> memref<32x128xf32, #tpu.memory_space<hbm>>
      %dma_wait3A_1737 = arith.constant 0 : i32
      %dma_wait3A_1738 = tpu.memref_slice %arg3[%dma_wait3A_1737, %mul3A_2] : memref<32x4096xf32, #tpu.memory_space<hbm>> -> memref<32x128xf32, #tpu.memory_space<hbm>>
      tpu.wait_dma2 semaphore(%run_scoped3A : memref<!tpu.dma_semaphore, #tpu.memory_space<semaphore_mem>>) src(%dma_wait3A_1738 : memref<32x128xf32, #tpu.memory_space<hbm>>) dst(%arg9 : memref<32x128xf32, #tpu.memory_space<vmem>>)
      tpu.yield
    }) : () -> ()
    %iota3A = tpu.iota {dimensions = array<i32: 0>} : vector<16xi32>
    %get3A = arith.constant 0 : i32
    %get3A_3 = arith.index_cast %get3A : i32 to index
    %get3A_4 = arith.constant 0 : index
    %get3A_5 = tpu.vector_load %arg9[%get3A_3, %get3A_4] {strides = array<i32>} : memref<32x128xf32, #tpu.memory_space<vmem>>, vector<16xf32>,
    %get3A_6 = arith.constant 1 : i32
    %get3A_7 = arith.index_cast %get3A_6 : i32 to index
    %get3A_8 = arith.constant 0 : index
    %get3A_9 = tpu.vector_load %arg9[%get3A_7, %get3A_8] {strides = array<i32>} : memref<32x128xf32, #tpu.memory_space<vmem>>, vector<16xf32>,
    %add3A_10 = arith.addf %get3A_5, %get3A_9 : vector<16xf32>
    %get3A_11 = arith.constant 2 : i32
    %get3A_12 = arith.index_cast %get3A_11 : i32 to index
    %get3A_13 = arith.constant 0 : index
    %get3A_14 = tpu.vector_load %arg9[%get3A_12, %get3A_13] {strides = array<i32>} : memref<32x128xf32, #tpu.memory_space<vmem>>, vector<16xf32>,
    %add3A_15 = arith.addf %add3A_10, %get3A_14 : vector<16xf32>
    %get3A_16 = arith.constant 3 : i32
    %get3A_17 = arith.index_cast %get3A_16 : i32 to index
    %get3A_18 = arith.constant 0 : index
    %get3A_19 = tpu.vector_load %arg9[%get3A_17, %get3A_18] {strides = array<i32>} : memref<32x128xf32, #tpu.memory_space<vmem>>, vector<16xf32>,
    %add3A_20 = arith.addf %add3A_15, %get3A_19 : vector<16xf32>
    %get3A_21 = arith.constant 4 : i32
    %get3A_22 = arith.index_cast %get3A_21 : i32 to index
    %get3A_23 = arith.constant 0 : index
    %get3A_24 = tpu.vector_load %arg9[%get3A_22, %get3A_23] {strides = array<i32>} : memref<32x128xf32, #tpu.memory_space<vmem>>, vector<16xf32>,
    %add3A_25 = arith.addf %add3A_20, %get3A_24 : vector<16xf32>
    %get3A_26 = arith.constant 5 : i32
    %get3A_27 = arith.index_cast %get3A_26 : i32 to index
    %get3A_28 = arith.constant 0 : index
    %get3A_29 = tpu.vector_load %arg9[%get3A_27, %get3A_28] {strides = array<i32>} : memref<32x128xf32, #tpu.memory_space<vmem>>, vector<16xf32>,
    %add3A_30 = arith.addf %add3A_25, %get3A_29 : vector<16xf32>
    %get3A_31 = arith.constant 6 : i32
    %get3A_32 = arith.index_cast %get3A_31 : i32 to index
    %get3A_33 = arith.constant 0 : index
    %get3A_34 = tpu.vector_load %arg9[%get3A_32, %get3A_33] {strides = array<i32>} : memref<32x128xf32, #tpu.memory_space<vmem>>, vector<16xf32>,
    %add3A_35 = arith.addf %add3A_30, %get3A_34 : vector<16xf32>
    %get3A_36 = arith.constant 7 : i32
    %get3A_37 = arith.index_cast %get3A_36 : i32 to index
    %get3A_38 = arith.constant 0 : index
    %get3A_39 = tpu.vector_load %arg9[%get3A_37, %get3A_38] {strides = array<i32>} : memref<32x128xf32, #tpu.memory_space<vmem>>, vector<16xf32>,
    %add3A_40 = arith.addf %add3A_35, %get3A_39 : vector<16xf32>
    %get3A_41 = arith.constant 8 : i32
    %get3A_42 = arith.index_cast %get3A_41 : i32 to index
    %get3A_43 = arith.constant 0 : index
    %get3A_44 = tpu.vector_load %arg9[%get3A_42, %get3A_43] {strides = array<i32>} : memref<32x128xf32, #tpu.memory_space<vmem>>, vector<16xf32>,
    %add3A_45 = arith.addf %add3A_40, %get3A_44 : vector<16xf32>
    %get3A_46 = arith.constant 9 : i32
    %get3A_47 = arith.index_cast %get3A_46 : i32 to index
    %get3A_48 = arith.constant 0 : index
    %get3A_49 = tpu.vector_load %arg9[%get3A_47, %get3A_48] {strides = array<i32>} : memref<32x128xf32, #tpu.memory_space<vmem>>, vector<16xf32>,
    %add3A_50 = arith.addf %add3A_45, %get3A_49 : vector<16xf32>
    %get3A_51 = arith.constant 10 : i32
    %get3A_52 = arith.index_cast %get3A_51 : i32 to index
    %get3A_53 = arith.constant 0 : index
    %get3A_54 = tpu.vector_load %arg9[%get3A_52, %get3A_53] {strides = array<i32>} : memref<32x128xf32, #tpu.memory_space<vmem>>, vector<16xf32>,
    %add3A_55 = arith.addf %add3A_50, %get3A_54 : vector<16xf32>
    %get3A_56 = arith.constant 11 : i32
    %get3A_57 = arith.index_cast %get3A_56 : i32 to index
    %get3A_58 = arith.constant 0 : index
    %get3A_59 = tpu.vector_load %arg9[%get3A_57, %get3A_58] {strides = array<i32>} : memref<32x128xf32, #tpu.memory_space<vmem>>, vector<16xf32>,
    %add3A_60 = arith.addf %add3A_55, %get3A_59 : vector<16xf32>
    %get3A_61 = arith.constant 12 : i32
    %get3A_62 = arith.index_cast %get3A_61 : i32 to index
    %get3A_63 = arith.constant 0 : index
    %get3A_64 = tpu.vector_load %arg9[%get3A_62, %get3A_63] {strides = array<i32>} : memref<32x128xf32, #tpu.memory_space<vmem>>, vector<16xf32>,
    %add3A_65 = arith.addf %add3A_60, %get3A_64 : vector<16xf32>
    %get3A_66 = arith.constant 13 : i32
    %get3A_67 = arith.index_cast %get3A_66 : i32 to index
    %get3A_68 = arith.constant 0 : index
    %get3A_69 = tpu.vector_load %arg9[%get3A_67, %get3A_68] {strides = array<i32>} : memref<32x128xf32, #tpu.memory_space<vmem>>, vector<16xf32>,
    %add3A_70 = arith.addf %add3A_65, %get3A_69 : vector<16xf32>
    %get3A_71 = arith.constant 14 : i32
    %get3A_72 = arith.index_cast %get3A_71 : i32 to index
    %get3A_73 = arith.constant 0 : index
    %get3A_74 = tpu.vector_load %arg9[%get3A_72, %get3A_73] {strides = array<i32>} : memref<32x128xf32, #tpu.memory_space<vmem>>, vector<16xf32>,
    %add3A_75 = arith.addf %add3A_70, %get3A_74 : vector<16xf32>
    %get3A_76 = arith.constant 15 : i32
    %get3A_77 = arith.index_cast %get3A_76 : i32 to index
    %get3A_78 = arith.constant 0 : index
    %get3A_79 = tpu.vector_load %arg9[%get3A_77, %get3A_78] {strides = array<i32>} : memref<32x128xf32, #tpu.memory_space<vmem>>, vector<16xf32>,
    %add3A_80 = arith.addf %add3A_75, %get3A_79 : vector<16xf32>
    %get3A_81 = arith.constant 16 : i32
    %get3A_82 = arith.index_cast %get3A_81 : i32 to index
    %get3A_83 = arith.constant 0 : index
    %get3A_84 = tpu.vector_load %arg9[%get3A_82, %get3A_83] {strides = array<i32>} : memref<32x128xf32, #tpu.memory_space<vmem>>, vector<16xf32>,
    %add3A_85 = arith.addf %add3A_80, %get3A_84 : vector<16xf32>
    %get3A_86 = arith.constant 17 : i32
    %get3A_87 = arith.index_cast %get3A_86 : i32 to index
    %get3A_88 = arith.constant 0 : index
    %get3A_89 = tpu.vector_load %arg9[%get3A_87, %get3A_88] {strides = array<i32>} : memref<32x128xf32, #tpu.memory_space<vmem>>, vector<16xf32>,
    %add3A_90 = arith.addf %add3A_85, %get3A_89 : vector<16xf32>
    %get3A_91 = arith.constant 18 : i32
    %get3A_92 = arith.index_cast %get3A_91 : i32 to index
    %get3A_93 = arith.constant 0 : index
    %get3A_94 = tpu.vector_load %arg9[%get3A_92, %get3A_93] {strides = array<i32>} : memref<32x128xf32, #tpu.memory_space<vmem>>, vector<16xf32>,
    %add3A_95 = arith.addf %add3A_90, %get3A_94 : vector<16xf32>
    %get3A_96 = arith.constant 19 : i32
    %get3A_97 = arith.index_cast %get3A_96 : i32 to index
    %get3A_98 = arith.constant 0 : index
    %get3A_99 = tpu.vector_load %arg9[%get3A_97, %get3A_98] {strides = array<i32>} : memref<32x128xf32, #tpu.memory_space<vmem>>, vector<16xf32>,
    %add3A_100 = arith.addf %add3A_95, %get3A_99 : vector<16xf32>
    %get3A_101 = arith.constant 20 : i32
    %get3A_102 = arith.index_cast %get3A_101 : i32 to index
    %get3A_103 = arith.constant 0 : index
    %get3A_104 = tpu.vector_load %arg9[%get3A_102, %get3A_103] {strides = array<i32>} : memref<32x128xf32, #tpu.memory_space<vmem>>, vector<16xf32>,
    %add3A_105 = arith.addf %add3A_100, %get3A_104 : vector<16xf32>
    %get3A_106 = arith.constant 21 : i32
    %get3A_107 = arith.index_cast %get3A_106 : i32 to index
    %get3A_108 = arith.constant 0 : index
    %get3A_109 = tpu.vector_load %arg9[%get3A_107, %get3A_108] {strides = array<i32>} : memref<32x128xf32, #tpu.memory_space<vmem>>, vector<16xf32>,
    %add3A_110 = arith.addf %add3A_105, %get3A_109 : vector<16xf32>
    %get3A_111 = arith.constant 22 : i32
    %get3A_112 = arith.index_cast %get3A_111 : i32 to index
    %get3A_113 = arith.constant 0 : index
    %get3A_114 = tpu.vector_load %arg9[%get3A_112, %get3A_113] {strides = array<i32>} : memref<32x128xf32, #tpu.memory_space<vmem>>, vector<16xf32>,
    %add3A_115 = arith.addf %add3A_110, %get3A_114 : vector<16xf32>
    %get3A_116 = arith.constant 23 : i32
    %get3A_117 = arith.index_cast %get3A_116 : i32 to index
    %get3A_118 = arith.constant 0 : index
    %get3A_119 = tpu.vector_load %arg9[%get3A_117, %get3A_118] {strides = array<i32>} : memref<32x128xf32, #tpu.memory_space<vmem>>, vector<16xf32>,
    %add3A_120 = arith.addf %add3A_115, %get3A_119 : vector<16xf32>
    %get3A_121 = arith.constant 24 : i32
    %get3A_122 = arith.index_cast %get3A_121 : i32 to index
    %get3A_123 = arith.constant 0 : index
    %get3A_124 = tpu.vector_load %arg9[%get3A_122, %get3A_123] {strides = array<i32>} : memref<32x128xf32, #tpu.memory_space<vmem>>, vector<16xf32>,
    %add3A_125 = arith.addf %add3A_120, %get3A_124 : vector<16xf32>
    %get3A_126 = arith.constant 25 : i32
    %get3A_127 = arith.index_cast %get3A_126 : i32 to index
    %get3A_128 = arith.constant 0 : index
    %get3A_129 = tpu.vector_load %arg9[%get3A_127, %get3A_128] {strides = array<i32>} : memref<32x128xf32, #tpu.memory_space<vmem>>, vector<16xf32>,
    %add3A_130 = arith.addf %add3A_125, %get3A_129 : vector<16xf32>
    %get3A_131 = arith.constant 26 : i32
    %get3A_132 = arith.index_cast %get3A_131 : i32 to index
    %get3A_133 = arith.constant 0 : index
    %get3A_134 = tpu.vector_load %arg9[%get3A_132, %get3A_133] {strides = array<i32>} : memref<32x128xf32, #tpu.memory_space<vmem>>, vector<16xf32>,
    %add3A_135 = arith.addf %add3A_130, %get3A_134 : vector<16xf32>
    %get3A_136 = arith.constant 27 : i32
    %get3A_137 = arith.index_cast %get3A_136 : i32 to index
    %get3A_138 = arith.constant 0 : index
    %get3A_139 = tpu.vector_load %arg9[%get3A_137, %get3A_138] {strides = array<i32>} : memref<32x128xf32, #tpu.memory_space<vmem>>, vector<16xf32>,
    %add3A_140 = arith.addf %add3A_135, %get3A_139 : vector<16xf32>
    %get3A_141 = arith.constant 28 : i32
    %get3A_142 = arith.index_cast %get3A_141 : i32 to index
    %get3A_143 = arith.constant 0 : index
    %get3A_144 = tpu.vector_load %arg9[%get3A_142, %get3A_143] {strides = array<i32>} : memref<32x128xf32, #tpu.memory_space<vmem>>, vector<16xf32>,
    %add3A_145 = arith.addf %add3A_140, %get3A_144 : vector<16xf32>
    %get3A_146 = arith.constant 29 : i32
    %get3A_147 = arith.index_cast %get3A_146 : i32 to index
    %get3A_148 = arith.constant 0 : index
    %get3A_149 = tpu.vector_load %arg9[%get3A_147, %get3A_148] {strides = array<i32>} : memref<32x128xf32, #tpu.memory_space<vmem>>, vector<16xf32>,
    %add3A_150 = arith.addf %add3A_145, %get3A_149 : vector<16xf32>
    %get3A_151 = arith.constant 30 : i32
    %get3A_152 = arith.index_cast %get3A_151 : i32 to index
    %get3A_153 = arith.constant 0 : index
    %get3A_154 = tpu.vector_load %arg9[%get3A_152, %get3A_153] {strides = array<i32>} : memref<32x128xf32, #tpu.memory_space<vmem>>, vector<16xf32>,
    %add3A_155 = arith.addf %add3A_150, %get3A_154 : vector<16xf32>
    %get3A_156 = arith.constant 31 : i32
    %get3A_157 = arith.index_cast %get3A_156 : i32 to index
    %get3A_158 = arith.constant 0 : index
    %get3A_159 = tpu.vector_load %arg9[%get3A_157, %get3A_158] {strides = array<i32>} : memref<32x128xf32, #tpu.memory_space<vmem>>, vector<16xf32>,
    %add3A_160 = arith.addf %add3A_155, %get3A_159 : vector<16xf32>
    %add3A_161 = arith.constant 0 : i32
    %add3A_162 = arith.addi %mul3A_2, %add3A_161 : i32
    %add3A_163 = vector.broadcast %add3A_162 : i32 to vector<16xi32>
    %add3A_164 = arith.addi %add3A_163, %iota3A : vector<16xi32>
    %mul3A_165 = arith.constant 4097 : i32
    %mul3A_166 = vector.broadcast %mul3A_165 : i32 to vector<16xi32>
    %mul3A_167 = arith.muli %add3A_164, %mul3A_166 : vector<16xi32>
    %swap3A = arith.constant 16 : i32
    %swap3A_168 = arith.index_cast %swap3A : i32 to index
    %swap3A_169 = arith.constant 0 : index
    %swap3A_170 = tpu.vector_load %arg7[%swap3A_168, %swap3A_169] {strides = array<i32>} : memref<17x128xi32, #tpu.memory_space<vmem>>, vector<16xi32>,
    tpu.vector_store %arg7[%swap3A_168, %swap3A_169], %mul3A_167 {strides = array<i32>} : memref<17x128xi32, #tpu.memory_space<vmem>>, vector<16xi32>,
    %swap3A_171 = arith.constant 16 : i32
    %swap3A_172 = arith.index_cast %swap3A_171 : i32 to index
    %swap3A_173 = arith.constant 0 : index
    %swap3A_174 = tpu.vector_load %arg8[%swap3A_172, %swap3A_173] {strides = array<i32>} : memref<17x128xf32, #tpu.memory_space<vmem>>, vector<16xf32>,
    tpu.vector_store %arg8[%swap3A_172, %swap3A_173], %add3A_160 {strides = array<i32>} : memref<17x128xf32, #tpu.memory_space<vmem>>, vector<16xf32>,
    %get3A_175 = arith.constant 0 : i32
    %get3A_176 = arith.index_cast %get3A_175 : i32 to index
    %get3A_177 = arith.constant 16 : index
    %get3A_178 = tpu.vector_load %arg9[%get3A_176, %get3A_177] {strides = array<i32>} : memref<32x128xf32, #tpu.memory_space<vmem>>, vector<16xf32>,
    %get3A_179 = arith.constant 1 : i32
    %get3A_180 = arith.index_cast %get3A_179 : i32 to index
    %get3A_181 = arith.constant 16 : index
    %get3A_182 = tpu.vector_load %arg9[%get3A_180, %get3A_181] {strides = array<i32>} : memref<32x128xf32, #tpu.memory_space<vmem>>, vector<16xf32>,
    %add3A_183 = arith.addf %get3A_178, %get3A_182 : vector<16xf32>
    %get3A_184 = arith.constant 2 : i32
    %get3A_185 = arith.index_cast %get3A_184 : i32 to index
    %get3A_186 = arith.constant 16 : index
    %get3A_187 = tpu.vector_load %arg9[%get3A_185, %get3A_186] {strides = array<i32>} : memref<32x128xf32, #tpu.memory_space<vmem>>, vector<16xf32>,
    %add3A_188 = arith.addf %add3A_183, %get3A_187 : vector<16xf32>
    %get3A_189 = arith.constant 3 : i32
    %get3A_190 = arith.index_cast %get3A_189 : i32 to index
    %get3A_191 = arith.constant 16 : index
    %get3A_192 = tpu.vector_load %arg9[%get3A_190, %get3A_191] {strides = array<i32>} : memref<32x128xf32, #tpu.memory_space<vmem>>, vector<16xf32>,
    %add3A_193 = arith.addf %add3A_188, %get3A_192 : vector<16xf32>
    %get3A_194 = arith.constant 4 : i32
    %get3A_195 = arith.index_cast %get3A_194 : i32 to index
    %get3A_196 = arith.constant 16 : index
    %get3A_197 = tpu.vector_load %arg9[%get3A_195, %get3A_196] {strides = array<i32>} : memref<32x128xf32, #tpu.memory_space<vmem>>, vector<16xf32>,
    %add3A_198 = arith.addf %add3A_193, %get3A_197 : vector<16xf32>
    %get3A_199 = arith.constant 5 : i32
    %get3A_200 = arith.index_cast %get3A_199 : i32 to index
    %get3A_201 = arith.constant 16 : index
    %get3A_202 = tpu.vector_load %arg9[%get3A_200, %get3A_201] {strides = array<i32>} : memref<32x128xf32, #tpu.memory_space<vmem>>, vector<16xf32>,
    %add3A_203 = arith.addf %add3A_198, %get3A_202 : vector<16xf32>
    %get3A_204 = arith.constant 6 : i32
    %get3A_205 = arith.index_cast %get3A_204 : i32 to index
    %get3A_206 = arith.constant 16 : index
    %get3A_207 = tpu.vector_load %arg9[%get3A_205, %get3A_206] {strides = array<i32>} : memref<32x128xf32, #tpu.memory_space<vmem>>, vector<16xf32>,
    %add3A_208 = arith.addf %add3A_203, %get3A_207 : vector<16xf32>
    %get3A_209 = arith.constant 7 : i32
    %get3A_210 = arith.index_cast %get3A_209 : i32 to index
    %get3A_211 = arith.constant 16 : index
    %get3A_212 = tpu.vector_load %arg9[%get3A_210, %get3A_211] {strides = array<i32>} : memref<32x128xf32, #tpu.memory_space<vmem>>, vector<16xf32>,
    %add3A_213 = arith.addf %add3A_208, %get3A_212 : vector<16xf32>
    %get3A_214 = arith.constant 8 : i32
    %get3A_215 = arith.index_cast %get3A_214 : i32 to index
    %get3A_216 = arith.constant 16 : index
    %get3A_217 = tpu.vector_load %arg9[%get3A_215, %get3A_216] {strides = array<i32>} : memref<32x128xf32, #tpu.memory_space<vmem>>, vector<16xf32>,
    %add3A_218 = arith.addf %add3A_213, %get3A_217 : vector<16xf32>
    %get3A_219 = arith.constant 9 : i32
    %get3A_220 = arith.index_cast %get3A_219 : i32 to index
    %get3A_221 = arith.constant 16 : index
    %get3A_222 = tpu.vector_load %arg9[%get3A_220, %get3A_221] {strides = array<i32>} : memref<32x128xf32, #tpu.memory_space<vmem>>, vector<16xf32>,
    %add3A_223 = arith.addf %add3A_218, %get3A_222 : vector<16xf32>
    %get3A_224 = arith.constant 10 : i32
    %get3A_225 = arith.index_cast %get3A_224 : i32 to index
    %get3A_226 = arith.constant 16 : index
    %get3A_227 = tpu.vector_load %arg9[%get3A_225, %get3A_226] {strides = array<i32>} : memref<32x128xf32, #tpu.memory_space<vmem>>, vector<16xf32>,
    %add3A_228 = arith.addf %add3A_223, %get3A_227 : vector<16xf32>
    %get3A_229 = arith.constant 11 : i32
    %get3A_230 = arith.index_cast %get3A_229 : i32 to index
    %get3A_231 = arith.constant 16 : index
    %get3A_232 = tpu.vector_load %arg9[%get3A_230, %get3A_231] {strides = array<i32>} : memref<32x128xf32, #tpu.memory_space<vmem>>, vector<16xf32>,
    %add3A_233 = arith.addf %add3A_228, %get3A_232 : vector<16xf32>
    %get3A_234 = arith.constant 12 : i32
    %get3A_235 = arith.index_cast %get3A_234 : i32 to index
    %get3A_236 = arith.constant 16 : index
    %get3A_237 = tpu.vector_load %arg9[%get3A_235, %get3A_236] {strides = array<i32>} : memref<32x128xf32, #tpu.memory_space<vmem>>, vector<16xf32>,
    %add3A_238 = arith.addf %add3A_233, %get3A_237 : vector<16xf32>
    %get3A_239 = arith.constant 13 : i32
    %get3A_240 = arith.index_cast %get3A_239 : i32 to index
    %get3A_241 = arith.constant 16 : index
    %get3A_242 = tpu.vector_load %arg9[%get3A_240, %get3A_241] {strides = array<i32>} : memref<32x128xf32, #tpu.memory_space<vmem>>, vector<16xf32>,
    %add3A_243 = arith.addf %add3A_238, %get3A_242 : vector<16xf32>
    %get3A_244 = arith.constant 14 : i32
    %get3A_245 = arith.index_cast %get3A_244 : i32 to index
    %get3A_246 = arith.constant 16 : index
    %get3A_247 = tpu.vector_load %arg9[%get3A_245, %get3A_246] {strides = array<i32>} : memref<32x128xf32, #tpu.memory_space<vmem>>, vector<16xf32>,
    %add3A_248 = arith.addf %add3A_243, %get3A_247 : vector<16xf32>
    %get3A_249 = arith.constant 15 : i32
    %get3A_250 = arith.index_cast %get3A_249 : i32 to index
    %get3A_251 = arith.constant 16 : index
    %get3A_252 = tpu.vector_load %arg9[%get3A_250, %get3A_251] {strides = array<i32>} : memref<32x128xf32, #tpu.memory_space<vmem>>, vector<16xf32>,
    %add3A_253 = arith.addf %add3A_248, %get3A_252 : vector<16xf32>
    %get3A_254 = arith.constant 16 : i32
    %get3A_255 = arith.index_cast %get3A_254 : i32 to index
    %get3A_256 = arith.constant 16 : index
    %get3A_257 = tpu.vector_load %arg9[%get3A_255, %get3A_256] {strides = array<i32>} : memref<32x128xf32, #tpu.memory_space<vmem>>, vector<16xf32>,
    %add3A_258 = arith.addf %add3A_253, %get3A_257 : vector<16xf32>
    %get3A_259 = arith.constant 17 : i32
    %get3A_260 = arith.index_cast %get3A_259 : i32 to index
    %get3A_261 = arith.constant 16 : index
    %get3A_262 = tpu.vector_load %arg9[%get3A_260, %get3A_261] {strides = array<i32>} : memref<32x128xf32, #tpu.memory_space<vmem>>, vector<16xf32>,
    %add3A_263 = arith.addf %add3A_258, %get3A_262 : vector<16xf32>
    %get3A_264 = arith.constant 18 : i32
    %get3A_265 = arith.index_cast %get3A_264 : i32 to index
    %get3A_266 = arith.constant 16 : index
    %get3A_267 = tpu.vector_load %arg9[%get3A_265, %get3A_266] {strides = array<i32>} : memref<32x128xf32, #tpu.memory_space<vmem>>, vector<16xf32>,
    %add3A_268 = arith.addf %add3A_263, %get3A_267 : vector<16xf32>
    %get3A_269 = arith.constant 19 : i32
    %get3A_270 = arith.index_cast %get3A_269 : i32 to index
    %get3A_271 = arith.constant 16 : index
    %get3A_272 = tpu.vector_load %arg9[%get3A_270, %get3A_271] {strides = array<i32>} : memref<32x128xf32, #tpu.memory_space<vmem>>, vector<16xf32>,
    %add3A_273 = arith.addf %add3A_268, %get3A_272 : vector<16xf32>
    %get3A_274 = arith.constant 20 : i32
    %get3A_275 = arith.index_cast %get3A_274 : i32 to index
    %get3A_276 = arith.constant 16 : index
    %get3A_277 = tpu.vector_load %arg9[%get3A_275, %get3A_276] {strides = array<i32>} : memref<32x128xf32, #tpu.memory_space<vmem>>, vector<16xf32>,
    %add3A_278 = arith.addf %add3A_273, %get3A_277 : vector<16xf32>
    %get3A_279 = arith.constant 21 : i32
    %get3A_280 = arith.index_cast %get3A_279 : i32 to index
    %get3A_281 = arith.constant 16 : index
    %get3A_282 = tpu.vector_load %arg9[%get3A_280, %get3A_281] {strides = array<i32>} : memref<32x128xf32, #tpu.memory_space<vmem>>, vector<16xf32>,
    %add3A_283 = arith.addf %add3A_278, %get3A_282 : vector<16xf32>
    %get3A_284 = arith.constant 22 : i32
    %get3A_285 = arith.index_cast %get3A_284 : i32 to index
    %get3A_286 = arith.constant 16 : index
    %get3A_287 = tpu.vector_load %arg9[%get3A_285, %get3A_286] {strides = array<i32>} : memref<32x128xf32, #tpu.memory_space<vmem>>, vector<16xf32>,
    %add3A_288 = arith.addf %add3A_283, %get3A_287 : vector<16xf32>
    %get3A_289 = arith.constant 23 : i32
    %get3A_290 = arith.index_cast %get3A_289 : i32 to index
    %get3A_291 = arith.constant 16 : index
    %get3A_292 = tpu.vector_load %arg9[%get3A_290, %get3A_291] {strides = array<i32>} : memref<32x128xf32, #tpu.memory_space<vmem>>, vector<16xf32>,
    %add3A_293 = arith.addf %add3A_288, %get3A_292 : vector<16xf32>
    %get3A_294 = arith.constant 24 : i32
    %get3A_295 = arith.index_cast %get3A_294 : i32 to index
    %get3A_296 = arith.constant 16 : index
    %get3A_297 = tpu.vector_load %arg9[%get3A_295, %get3A_296] {strides = array<i32>} : memref<32x128xf32, #tpu.memory_space<vmem>>, vector<16xf32>,
    %add3A_298 = arith.addf %add3A_293, %get3A_297 : vector<16xf32>
    %get3A_299 = arith.constant 25 : i32
    %get3A_300 = arith.index_cast %get3A_299 : i32 to index
    %get3A_301 = arith.constant 16 : index
    %get3A_302 = tpu.vector_load %arg9[%get3A_300, %get3A_301] {strides = array<i32>} : memref<32x128xf32, #tpu.memory_space<vmem>>, vector<16xf32>,
    %add3A_303 = arith.addf %add3A_298, %get3A_302 : vector<16xf32>
    %get3A_304 = arith.constant 26 : i32
    %get3A_305 = arith.index_cast %get3A_304 : i32 to index
    %get3A_306 = arith.constant 16 : index
    %get3A_307 = tpu.vector_load %arg9[%get3A_305, %get3A_306] {strides = array<i32>} : memref<32x128xf32, #tpu.memory_space<vmem>>, vector<16xf32>,
    %add3A_308 = arith.addf %add3A_303, %get3A_307 : vector<16xf32>
    %get3A_309 = arith.constant 27 : i32
    %get3A_310 = arith.index_cast %get3A_309 : i32 to index
    %get3A_311 = arith.constant 16 : index
    %get3A_312 = tpu.vector_load %arg9[%get3A_310, %get3A_311] {strides = array<i32>} : memref<32x128xf32, #tpu.memory_space<vmem>>, vector<16xf32>,
    %add3A_313 = arith.addf %add3A_308, %get3A_312 : vector<16xf32>
    %get3A_314 = arith.constant 28 : i32
    %get3A_315 = arith.index_cast %get3A_314 : i32 to index
    %get3A_316 = arith.constant 16 : index
    %get3A_317 = tpu.vector_load %arg9[%get3A_315, %get3A_316] {strides = array<i32>} : memref<32x128xf32, #tpu.memory_space<vmem>>, vector<16xf32>,
    %add3A_318 = arith.addf %add3A_313, %get3A_317 : vector<16xf32>
    %get3A_319 = arith.constant 29 : i32
    %get3A_320 = arith.index_cast %get3A_319 : i32 to index
    %get3A_321 = arith.constant 16 : index
    %get3A_322 = tpu.vector_load %arg9[%get3A_320, %get3A_321] {strides = array<i32>} : memref<32x128xf32, #tpu.memory_space<vmem>>, vector<16xf32>,
    %add3A_323 = arith.addf %add3A_318, %get3A_322 : vector<16xf32>
    %get3A_324 = arith.constant 30 : i32
    %get3A_325 = arith.index_cast %get3A_324 : i32 to index
    %get3A_326 = arith.constant 16 : index
    %get3A_327 = tpu.vector_load %arg9[%get3A_325, %get3A_326] {strides = array<i32>} : memref<32x128xf32, #tpu.memory_space<vmem>>, vector<16xf32>,
    %add3A_328 = arith.addf %add3A_323, %get3A_327 : vector<16xf32>
    %get3A_329 = arith.constant 31 : i32
    %get3A_330 = arith.index_cast %get3A_329 : i32 to index
    %get3A_331 = arith.constant 16 : index
    %get3A_332 = tpu.vector_load %arg9[%get3A_330, %get3A_331] {strides = array<i32>} : memref<32x128xf32, #tpu.memory_space<vmem>>, vector<16xf32>,
    %add3A_333 = arith.addf %add3A_328, %get3A_332 : vector<16xf32>
    %add3A_334 = arith.constant 16 : i32
    %add3A_335 = arith.addi %mul3A_2, %add3A_334 : i32
    %add3A_336 = vector.broadcast %add3A_335 : i32 to vector<16xi32>
    %add3A_337 = arith.addi %add3A_336, %iota3A : vector<16xi32>
    %mul3A_338 = arith.constant 4097 : i32
    %mul3A_339 = vector.broadcast %mul3A_338 : i32 to vector<16xi32>
    %mul3A_340 = arith.muli %add3A_337, %mul3A_339 : vector<16xi32>
    %swap3A_341 = arith.constant 16 : i32
    %swap3A_342 = arith.index_cast %swap3A_341 : i32 to index
    %swap3A_343 = arith.constant 16 : index
    %swap3A_344 = tpu.vector_load %arg7[%swap3A_342, %swap3A_343] {strides = array<i32>} : memref<17x128xi32, #tpu.memory_space<vmem>>, vector<16xi32>,
    tpu.vector_store %arg7[%swap3A_342, %swap3A_343], %mul3A_340 {strides = array<i32>} : memref<17x128xi32, #tpu.memory_space<vmem>>, vector<16xi32>,
    %swap3A_345 = arith.constant 16 : i32
    %swap3A_346 = arith.index_cast %swap3A_345 : i32 to index
    %swap3A_347 = arith.constant 16 : index
    %swap3A_348 = tpu.vector_load %arg8[%swap3A_346, %swap3A_347] {strides = array<i32>} : memref<17x128xf32, #tpu.memory_space<vmem>>, vector<16xf32>,
    tpu.vector_store %arg8[%swap3A_346, %swap3A_347], %add3A_333 {strides = array<i32>} : memref<17x128xf32, #tpu.memory_space<vmem>>, vector<16xf32>,
    %get3A_349 = arith.constant 0 : i32
    %get3A_350 = arith.index_cast %get3A_349 : i32 to index
    %get3A_351 = arith.constant 32 : index
    %get3A_352 = tpu.vector_load %arg9[%get3A_350, %get3A_351] {strides = array<i32>} : memref<32x128xf32, #tpu.memory_space<vmem>>, vector<16xf32>,
    %get3A_353 = arith.constant 1 : i32
    %get3A_354 = arith.index_cast %get3A_353 : i32 to index
    %get3A_355 = arith.constant 32 : index
    %get3A_356 = tpu.vector_load %arg9[%get3A_354, %get3A_355] {strides = array<i32>} : memref<32x128xf32, #tpu.memory_space<vmem>>, vector<16xf32>,
    %add3A_357 = arith.addf %get3A_352, %get3A_356 : vector<16xf32>
    %get3A_358 = arith.constant 2 : i32
    %get3A_359 = arith.index_cast %get3A_358 : i32 to index
    %get3A_360 = arith.constant 32 : index
    %get3A_361 = tpu.vector_load %arg9[%get3A_359, %get3A_360] {strides = array<i32>} : memref<32x128xf32, #tpu.memory_space<vmem>>, vector<16xf32>,
    %add3A_362 = arith.addf %add3A_357, %get3A_361 : vector<16xf32>
    %get3A_363 = arith.constant 3 : i32
    %get3A_364 = arith.index_cast %get3A_363 : i32 to index
    %get3A_365 = arith.constant 32 : index
    %get3A_366 = tpu.vector_load %arg9[%get3A_364, %get3A_365] {strides = array<i32>} : memref<32x128xf32, #tpu.memory_space<vmem>>, vector<16xf32>,
    %add3A_367 = arith.addf %add3A_362, %get3A_366 : vector<16xf32>
    %get3A_368 = arith.constant 4 : i32
    %get3A_369 = arith.index_cast %get3A_368 : i32 to index
    %get3A_370 = arith.constant 32 : index
    %get3A_371 = tpu.vector_load %arg9[%get3A_369, %get3A_370] {strides = array<i32>} : memref<32x128xf32, #tpu.memory_space<vmem>>, vector<16xf32>,
    %add3A_372 = arith.addf %add3A_367, %get3A_371 : vector<16xf32>
    %get3A_373 = arith.constant 5 : i32
    %get3A_374 = arith.index_cast %get3A_373 : i32 to index
    %get3A_375 = arith.constant 32 : index
    %get3A_376 = tpu.vector_load %arg9[%get3A_374, %get3A_375] {strides = array<i32>} : memref<32x128xf32, #tpu.memory_space<vmem>>, vector<16xf32>,
    %add3A_377 = arith.addf %add3A_372, %get3A_376 : vector<16xf32>
    %get3A_378 = arith.constant 6 : i32
    %get3A_379 = arith.index_cast %get3A_378 : i32 to index
    %get3A_380 = arith.constant 32 : index
    %get3A_381 = tpu.vector_load %arg9[%get3A_379, %get3A_380] {strides = array<i32>} : memref<32x128xf32, #tpu.memory_space<vmem>>, vector<16xf32>,
    %add3A_382 = arith.addf %add3A_377, %get3A_381 : vector<16xf32>
    %get3A_383 = arith.constant 7 : i32
    %get3A_384 = arith.index_cast %get3A_383 : i32 to index
    %get3A_385 = arith.constant 32 : index
    %get3A_386 = tpu.vector_load %arg9[%get3A_384, %get3A_385] {strides = array<i32>} : memref<32x128xf32, #tpu.memory_space<vmem>>, vector<16xf32>,
    %add3A_387 = arith.addf %add3A_382, %get3A_386 : vector<16xf32>
    %get3A_388 = arith.constant 8 : i32
    %get3A_389 = arith.index_cast %get3A_388 : i32 to index
    %get3A_390 = arith.constant 32 : index
    %get3A_391 = tpu.vector_load %arg9[%get3A_389, %get3A_390] {strides = array<i32>} : memref<32x128xf32, #tpu.memory_space<vmem>>, vector<16xf32>,
    %add3A_392 = arith.addf %add3A_387, %get3A_391 : vector<16xf32>
    %get3A_393 = arith.constant 9 : i32
    %get3A_394 = arith.index_cast %get3A_393 : i32 to index
    %get3A_395 = arith.constant 32 : index
    %get3A_396 = tpu.vector_load %arg9[%get3A_394, %get3A_395] {strides = array<i32>} : memref<32x128xf32, #tpu.memory_space<vmem>>, vector<16xf32>,
    %add3A_397 = arith.addf %add3A_392, %get3A_396 : vector<16xf32>
    %get3A_398 = arith.constant 10 : i32
    %get3A_399 = arith.index_cast %get3A_398 : i32 to index
    %get3A_400 = arith.constant 32 : index
    %get3A_401 = tpu.vector_load %arg9[%get3A_399, %get3A_400] {strides = array<i32>} : memref<32x128xf32, #tpu.memory_space<vmem>>, vector<16xf32>,
    %add3A_402 = arith.addf %add3A_397, %get3A_401 : vector<16xf32>
    %get3A_403 = arith.constant 11 : i32
    %get3A_404 = arith.index_cast %get3A_403 : i32 to index
    %get3A_405 = arith.constant 32 : index
    %get3A_406 = tpu.vector_load %arg9[%get3A_404, %get3A_405] {strides = array<i32>} : memref<32x128xf32, #tpu.memory_space<vmem>>, vector<16xf32>,
    %add3A_407 = arith.addf %add3A_402, %get3A_406 : vector<16xf32>
    %get3A_408 = arith.constant 12 : i32
    %get3A_409 = arith.index_cast %get3A_408 : i32 to index
    %get3A_410 = arith.constant 32 : index
    %get3A_411 = tpu.vector_load %arg9[%get3A_409, %get3A_410] {strides = array<i32>} : memref<32x128xf32, #tpu.memory_space<vmem>>, vector<16xf32>,
    %add3A_412 = arith.addf %add3A_407, %get3A_411 : vector<16xf32>
    %get3A_413 = arith.constant 13 : i32
    %get3A_414 = arith.index_cast %get3A_413 : i32 to index
    %get3A_415 = arith.constant 32 : index
    %get3A_416 = tpu.vector_load %arg9[%get3A_414, %get3A_415] {strides = array<i32>} : memref<32x128xf32, #tpu.memory_space<vmem>>, vector<16xf32>,
    %add3A_417 = arith.addf %add3A_412, %get3A_416 : vector<16xf32>
    %get3A_418 = arith.constant 14 : i32
    %get3A_419 = arith.index_cast %get3A_418 : i32 to index
    %get3A_420 = arith.constant 32 : index
    %get3A_421 = tpu.vector_load %arg9[%get3A_419, %get3A_420] {strides = array<i32>} : memref<32x128xf32, #tpu.memory_space<vmem>>, vector<16xf32>,
    %add3A_422 = arith.addf %add3A_417, %get3A_421 : vector<16xf32>
    %get3A_423 = arith.constant 15 : i32
    %get3A_424 = arith.index_cast %get3A_423 : i32 to index
    %get3A_425 = arith.constant 32 : index
    %get3A_426 = tpu.vector_load %arg9[%get3A_424, %get3A_425] {strides = array<i32>} : memref<32x128xf32, #tpu.memory_space<vmem>>, vector<16xf32>,
    %add3A_427 = arith.addf %add3A_422, %get3A_426 : vector<16xf32>
    %get3A_428 = arith.constant 16 : i32
    %get3A_429 = arith.index_cast %get3A_428 : i32 to index
    %get3A_430 = arith.constant 32 : index
    %get3A_431 = tpu.vector_load %arg9[%get3A_429, %get3A_430] {strides = array<i32>} : memref<32x128xf32, #tpu.memory_space<vmem>>, vector<16xf32>,
    %add3A_432 = arith.addf %add3A_427, %get3A_431 : vector<16xf32>
    %get3A_433 = arith.constant 17 : i32
    %get3A_434 = arith.index_cast %get3A_433 : i32 to index
    %get3A_435 = arith.constant 32 : index
    %get3A_436 = tpu.vector_load %arg9[%get3A_434, %get3A_435] {strides = array<i32>} : memref<32x128xf32, #tpu.memory_space<vmem>>, vector<16xf32>,
    %add3A_437 = arith.addf %add3A_432, %get3A_436 : vector<16xf32>
    %get3A_438 = arith.constant 18 : i32
    %get3A_439 = arith.index_cast %get3A_438 : i32 to index
    %get3A_440 = arith.constant 32 : index
    %get3A_441 = tpu.vector_load %arg9[%get3A_439, %get3A_440] {strides = array<i32>} : memref<32x128xf32, #tpu.memory_space<vmem>>, vector<16xf32>,
    %add3A_442 = arith.addf %add3A_437, %get3A_441 : vector<16xf32>
    %get3A_443 = arith.constant 19 : i32
    %get3A_444 = arith.index_cast %get3A_443 : i32 to index
    %get3A_445 = arith.constant 32 : index
    %get3A_446 = tpu.vector_load %arg9[%get3A_444, %get3A_445] {strides = array<i32>} : memref<32x128xf32, #tpu.memory_space<vmem>>, vector<16xf32>,
    %add3A_447 = arith.addf %add3A_442, %get3A_446 : vector<16xf32>
    %get3A_448 = arith.constant 20 : i32
    %get3A_449 = arith.index_cast %get3A_448 : i32 to index
    %get3A_450 = arith.constant 32 : index
    %get3A_451 = tpu.vector_load %arg9[%get3A_449, %get3A_450] {strides = array<i32>} : memref<32x128xf32, #tpu.memory_space<vmem>>, vector<16xf32>,
    %add3A_452 = arith.addf %add3A_447, %get3A_451 : vector<16xf32>
    %get3A_453 = arith.constant 21 : i32
    %get3A_454 = arith.index_cast %get3A_453 : i32 to index
    %get3A_455 = arith.constant 32 : index
    %get3A_456 = tpu.vector_load %arg9[%get3A_454, %get3A_455] {strides = array<i32>} : memref<32x128xf32, #tpu.memory_space<vmem>>, vector<16xf32>,
    %add3A_457 = arith.addf %add3A_452, %get3A_456 : vector<16xf32>
    %get3A_458 = arith.constant 22 : i32
    %get3A_459 = arith.index_cast %get3A_458 : i32 to index
    %get3A_460 = arith.constant 32 : index
    %get3A_461 = tpu.vector_load %arg9[%get3A_459, %get3A_460] {strides = array<i32>} : memref<32x128xf32, #tpu.memory_space<vmem>>, vector<16xf32>,
    %add3A_462 = arith.addf %add3A_457, %get3A_461 : vector<16xf32>
    %get3A_463 = arith.constant 23 : i32
    %get3A_464 = arith.index_cast %get3A_463 : i32 to index
    %get3A_465 = arith.constant 32 : index
    %get3A_466 = tpu.vector_load %arg9[%get3A_464, %get3A_465] {strides = array<i32>} : memref<32x128xf32, #tpu.memory_space<vmem>>, vector<16xf32>,
    %add3A_467 = arith.addf %add3A_462, %get3A_466 : vector<16xf32>
    %get3A_468 = arith.constant 24 : i32
    %get3A_469 = arith.index_cast %get3A_468 : i32 to index
    %get3A_470 = arith.constant 32 : index
    %get3A_471 = tpu.vector_load %arg9[%get3A_469, %get3A_470] {strides = array<i32>} : memref<32x128xf32, #tpu.memory_space<vmem>>, vector<16xf32>,
    %add3A_472 = arith.addf %add3A_467, %get3A_471 : vector<16xf32>
    %get3A_473 = arith.constant 25 : i32
    %get3A_474 = arith.index_cast %get3A_473 : i32 to index
    %get3A_475 = arith.constant 32 : index
    %get3A_476 = tpu.vector_load %arg9[%get3A_474, %get3A_475] {strides = array<i32>} : memref<32x128xf32, #tpu.memory_space<vmem>>, vector<16xf32>,
    %add3A_477 = arith.addf %add3A_472, %get3A_476 : vector<16xf32>
    %get3A_478 = arith.constant 26 : i32
    %get3A_479 = arith.index_cast %get3A_478 : i32 to index
    %get3A_480 = arith.constant 32 : index
    %get3A_481 = tpu.vector_load %arg9[%get3A_479, %get3A_480] {strides = array<i32>} : memref<32x128xf32, #tpu.memory_space<vmem>>, vector<16xf32>,
    %add3A_482 = arith.addf %add3A_477, %get3A_481 : vector<16xf32>
    %get3A_483 = arith.constant 27 : i32
    %get3A_484 = arith.index_cast %get3A_483 : i32 to index
    %get3A_485 = arith.constant 32 : index
    %get3A_486 = tpu.vector_load %arg9[%get3A_484, %get3A_485] {strides = array<i32>} : memref<32x128xf32, #tpu.memory_space<vmem>>, vector<16xf32>,
    %add3A_487 = arith.addf %add3A_482, %get3A_486 : vector<16xf32>
    %get3A_488 = arith.constant 28 : i32
    %get3A_489 = arith.index_cast %get3A_488 : i32 to index
    %get3A_490 = arith.constant 32 : index
    %get3A_491 = tpu.vector_load %arg9[%get3A_489, %get3A_490] {strides = array<i32>} : memref<32x128xf32, #tpu.memory_space<vmem>>, vector<16xf32>,
    %add3A_492 = arith.addf %add3A_487, %get3A_491 : vector<16xf32>
    %get3A_493 = arith.constant 29 : i32
    %get3A_494 = arith.index_cast %get3A_493 : i32 to index
    %get3A_495 = arith.constant 32 : index
    %get3A_496 = tpu.vector_load %arg9[%get3A_494, %get3A_495] {strides = array<i32>} : memref<32x128xf32, #tpu.memory_space<vmem>>, vector<16xf32>,
    %add3A_497 = arith.addf %add3A_492, %get3A_496 : vector<16xf32>
    %get3A_498 = arith.constant 30 : i32
    %get3A_499 = arith.index_cast %get3A_498 : i32 to index
    %get3A_500 = arith.constant 32 : index
    %get3A_501 = tpu.vector_load %arg9[%get3A_499, %get3A_500] {strides = array<i32>} : memref<32x128xf32, #tpu.memory_space<vmem>>, vector<16xf32>,
    %add3A_502 = arith.addf %add3A_497, %get3A_501 : vector<16xf32>
    %get3A_503 = arith.constant 31 : i32
    %get3A_504 = arith.index_cast %get3A_503 : i32 to index
    %get3A_505 = arith.constant 32 : index
    %get3A_506 = tpu.vector_load %arg9[%get3A_504, %get3A_505] {strides = array<i32>} : memref<32x128xf32, #tpu.memory_space<vmem>>, vector<16xf32>,
    %add3A_507 = arith.addf %add3A_502, %get3A_506 : vector<16xf32>
    %add3A_508 = arith.constant 32 : i32
    %add3A_509 = arith.addi %mul3A_2, %add3A_508 : i32
    %add3A_510 = vector.broadcast %add3A_509 : i32 to vector<16xi32>
    %add3A_511 = arith.addi %add3A_510, %iota3A : vector<16xi32>
    %mul3A_512 = arith.constant 4097 : i32
    %mul3A_513 = vector.broadcast %mul3A_512 : i32 to vector<16xi32>
    %mul3A_514 = arith.muli %add3A_511, %mul3A_513 : vector<16xi32>
    %swap3A_515 = arith.constant 16 : i32
    %swap3A_516 = arith.index_cast %swap3A_515 : i32 to index
    %swap3A_517 = arith.constant 32 : index
    %swap3A_518 = tpu.vector_load %arg7[%swap3A_516, %swap3A_517] {strides = array<i32>} : memref<17x128xi32, #tpu.memory_space<vmem>>, vector<16xi32>,
    tpu.vector_store %arg7[%swap3A_516, %swap3A_517], %mul3A_514 {strides = array<i32>} : memref<17x128xi32, #tpu.memory_space<vmem>>, vector<16xi32>,
    %swap3A_519 = arith.constant 16 : i32
    %swap3A_520 = arith.index_cast %swap3A_519 : i32 to index
    %swap3A_521 = arith.constant 32 : index
    %swap3A_522 = tpu.vector_load %arg8[%swap3A_520, %swap3A_521] {strides = array<i32>} : memref<17x128xf32, #tpu.memory_space<vmem>>, vector<16xf32>,
    tpu.vector_store %arg8[%swap3A_520, %swap3A_521], %add3A_507 {strides = array<i32>} : memref<17x128xf32, #tpu.memory_space<vmem>>, vector<16xf32>,
    %get3A_523 = arith.constant 0 : i32
    %get3A_524 = arith.index_cast %get3A_523 : i32 to index
    %get3A_525 = arith.constant 48 : index
    %get3A_526 = tpu.vector_load %arg9[%get3A_524, %get3A_525] {strides = array<i32>} : memref<32x128xf32, #tpu.memory_space<vmem>>, vector<16xf32>,
    %get3A_527 = arith.constant 1 : i32
    %get3A_528 = arith.index_cast %get3A_527 : i32 to index
    %get3A_529 = arith.constant 48 : index
    %get3A_530 = tpu.vector_load %arg9[%get3A_528, %get3A_529] {strides = array<i32>} : memref<32x128xf32, #tpu.memory_space<vmem>>, vector<16xf32>,
    %add3A_531 = arith.addf %get3A_526, %get3A_530 : vector<16xf32>
    %get3A_532 = arith.constant 2 : i32
    %get3A_533 = arith.index_cast %get3A_532 : i32 to index
    %get3A_534 = arith.constant 48 : index
    %get3A_535 = tpu.vector_load %arg9[%get3A_533, %get3A_534] {strides = array<i32>} : memref<32x128xf32, #tpu.memory_space<vmem>>, vector<16xf32>,
    %add3A_536 = arith.addf %add3A_531, %get3A_535 : vector<16xf32>
    %get3A_537 = arith.constant 3 : i32
    %get3A_538 = arith.index_cast %get3A_537 : i32 to index
    %get3A_539 = arith.constant 48 : index
    %get3A_540 = tpu.vector_load %arg9[%get3A_538, %get3A_539] {strides = array<i32>} : memref<32x128xf32, #tpu.memory_space<vmem>>, vector<16xf32>,
    %add3A_541 = arith.addf %add3A_536, %get3A_540 : vector<16xf32>
    %get3A_542 = arith.constant 4 : i32
    %get3A_543 = arith.index_cast %get3A_542 : i32 to index
    %get3A_544 = arith.constant 48 : index
    %get3A_545 = tpu.vector_load %arg9[%get3A_543, %get3A_544] {strides = array<i32>} : memref<32x128xf32, #tpu.memory_space<vmem>>, vector<16xf32>,
    %add3A_546 = arith.addf %add3A_541, %get3A_545 : vector<16xf32>
    %get3A_547 = arith.constant 5 : i32
    %get3A_548 = arith.index_cast %get3A_547 : i32 to index
    %get3A_549 = arith.constant 48 : index
    %get3A_550 = tpu.vector_load %arg9[%get3A_548, %get3A_549] {strides = array<i32>} : memref<32x128xf32, #tpu.memory_space<vmem>>, vector<16xf32>,
    %add3A_551 = arith.addf %add3A_546, %get3A_550 : vector<16xf32>
    %get3A_552 = arith.constant 6 : i32
    %get3A_553 = arith.index_cast %get3A_552 : i32 to index
    %get3A_554 = arith.constant 48 : index
    %get3A_555 = tpu.vector_load %arg9[%get3A_553, %get3A_554] {strides = array<i32>} : memref<32x128xf32, #tpu.memory_space<vmem>>, vector<16xf32>,
    %add3A_556 = arith.addf %add3A_551, %get3A_555 : vector<16xf32>
    %get3A_557 = arith.constant 7 : i32
    %get3A_558 = arith.index_cast %get3A_557 : i32 to index
    %get3A_559 = arith.constant 48 : index
    %get3A_560 = tpu.vector_load %arg9[%get3A_558, %get3A_559] {strides = array<i32>} : memref<32x128xf32, #tpu.memory_space<vmem>>, vector<16xf32>,
    %add3A_561 = arith.addf %add3A_556, %get3A_560 : vector<16xf32>
    %get3A_562 = arith.constant 8 : i32
    %get3A_563 = arith.index_cast %get3A_562 : i32 to index
    %get3A_564 = arith.constant 48 : index
    %get3A_565 = tpu.vector_load %arg9[%get3A_563, %get3A_564] {strides = array<i32>} : memref<32x128xf32, #tpu.memory_space<vmem>>, vector<16xf32>,
    %add3A_566 = arith.addf %add3A_561, %get3A_565 : vector<16xf32>
    %get3A_567 = arith.constant 9 : i32
    %get3A_568 = arith.index_cast %get3A_567 : i32 to index
    %get3A_569 = arith.constant 48 : index
    %get3A_570 = tpu.vector_load %arg9[%get3A_568, %get3A_569] {strides = array<i32>} : memref<32x128xf32, #tpu.memory_space<vmem>>, vector<16xf32>,
    %add3A_571 = arith.addf %add3A_566, %get3A_570 : vector<16xf32>
    %get3A_572 = arith.constant 10 : i32
    %get3A_573 = arith.index_cast %get3A_572 : i32 to index
    %get3A_574 = arith.constant 48 : index
    %get3A_575 = tpu.vector_load %arg9[%get3A_573, %get3A_574] {strides = array<i32>} : memref<32x128xf32, #tpu.memory_space<vmem>>, vector<16xf32>,
    %add3A_576 = arith.addf %add3A_571, %get3A_575 : vector<16xf32>
    %get3A_577 = arith.constant 11 : i32
    %get3A_578 = arith.index_cast %get3A_577 : i32 to index
    %get3A_579 = arith.constant 48 : index
    %get3A_580 = tpu.vector_load %arg9[%get3A_578, %get3A_579] {strides = array<i32>} : memref<32x128xf32, #tpu.memory_space<vmem>>, vector<16xf32>,
    %add3A_581 = arith.addf %add3A_576, %get3A_580 : vector<16xf32>
    %get3A_582 = arith.constant 12 : i32
    %get3A_583 = arith.index_cast %get3A_582 : i32 to index
    %get3A_584 = arith.constant 48 : index
    %get3A_585 = tpu.vector_load %arg9[%get3A_583, %get3A_584] {strides = array<i32>} : memref<32x128xf32, #tpu.memory_space<vmem>>, vector<16xf32>,
    %add3A_586 = arith.addf %add3A_581, %get3A_585 : vector<16xf32>
    %get3A_587 = arith.constant 13 : i32
    %get3A_588 = arith.index_cast %get3A_587 : i32 to index
    %get3A_589 = arith.constant 48 : index
    %get3A_590 = tpu.vector_load %arg9[%get3A_588, %get3A_589] {strides = array<i32>} : memref<32x128xf32, #tpu.memory_space<vmem>>, vector<16xf32>,
    %add3A_591 = arith.addf %add3A_586, %get3A_590 : vector<16xf32>
    %get3A_592 = arith.constant 14 : i32
    %get3A_593 = arith.index_cast %get3A_592 : i32 to index
    %get3A_594 = arith.constant 48 : index
    %get3A_595 = tpu.vector_load %arg9[%get3A_593, %get3A_594] {strides = array<i32>} : memref<32x128xf32, #tpu.memory_space<vmem>>, vector<16xf32>,
    %add3A_596 = arith.addf %add3A_591, %get3A_595 : vector<16xf32>
    %get3A_597 = arith.constant 15 : i32
    %get3A_598 = arith.index_cast %get3A_597 : i32 to index
    %get3A_599 = arith.constant 48 : index
    %get3A_600 = tpu.vector_load %arg9[%get3A_598, %get3A_599] {strides = array<i32>} : memref<32x128xf32, #tpu.memory_space<vmem>>, vector<16xf32>,
    %add3A_601 = arith.addf %add3A_596, %get3A_600 : vector<16xf32>
    %get3A_602 = arith.constant 16 : i32
    %get3A_603 = arith.index_cast %get3A_602 : i32 to index
    %get3A_604 = arith.constant 48 : index
    %get3A_605 = tpu.vector_load %arg9[%get3A_603, %get3A_604] {strides = array<i32>} : memref<32x128xf32, #tpu.memory_space<vmem>>, vector<16xf32>,
    %add3A_606 = arith.addf %add3A_601, %get3A_605 : vector<16xf32>
    %get3A_607 = arith.constant 17 : i32
    %get3A_608 = arith.index_cast %get3A_607 : i32 to index
    %get3A_609 = arith.constant 48 : index
    %get3A_610 = tpu.vector_load %arg9[%get3A_608, %get3A_609] {strides = array<i32>} : memref<32x128xf32, #tpu.memory_space<vmem>>, vector<16xf32>,
    %add3A_611 = arith.addf %add3A_606, %get3A_610 : vector<16xf32>
    %get3A_612 = arith.constant 18 : i32
    %get3A_613 = arith.index_cast %get3A_612 : i32 to index
    %get3A_614 = arith.constant 48 : index
    %get3A_615 = tpu.vector_load %arg9[%get3A_613, %get3A_614] {strides = array<i32>} : memref<32x128xf32, #tpu.memory_space<vmem>>, vector<16xf32>,
    %add3A_616 = arith.addf %add3A_611, %get3A_615 : vector<16xf32>
    %get3A_617 = arith.constant 19 : i32
    %get3A_618 = arith.index_cast %get3A_617 : i32 to index
    %get3A_619 = arith.constant 48 : index
    %get3A_620 = tpu.vector_load %arg9[%get3A_618, %get3A_619] {strides = array<i32>} : memref<32x128xf32, #tpu.memory_space<vmem>>, vector<16xf32>,
    %add3A_621 = arith.addf %add3A_616, %get3A_620 : vector<16xf32>
    %get3A_622 = arith.constant 20 : i32
    %get3A_623 = arith.index_cast %get3A_622 : i32 to index
    %get3A_624 = arith.constant 48 : index
    %get3A_625 = tpu.vector_load %arg9[%get3A_623, %get3A_624] {strides = array<i32>} : memref<32x128xf32, #tpu.memory_space<vmem>>, vector<16xf32>,
    %add3A_626 = arith.addf %add3A_621, %get3A_625 : vector<16xf32>
    %get3A_627 = arith.constant 21 : i32
    %get3A_628 = arith.index_cast %get3A_627 : i32 to index
    %get3A_629 = arith.constant 48 : index
    %get3A_630 = tpu.vector_load %arg9[%get3A_628, %get3A_629] {strides = array<i32>} : memref<32x128xf32, #tpu.memory_space<vmem>>, vector<16xf32>,
    %add3A_631 = arith.addf %add3A_626, %get3A_630 : vector<16xf32>
    %get3A_632 = arith.constant 22 : i32
    %get3A_633 = arith.index_cast %get3A_632 : i32 to index
    %get3A_634 = arith.constant 48 : index
    %get3A_635 = tpu.vector_load %arg9[%get3A_633, %get3A_634] {strides = array<i32>} : memref<32x128xf32, #tpu.memory_space<vmem>>, vector<16xf32>,
    %add3A_636 = arith.addf %add3A_631, %get3A_635 : vector<16xf32>
    %get3A_637 = arith.constant 23 : i32
    %get3A_638 = arith.index_cast %get3A_637 : i32 to index
    %get3A_639 = arith.constant 48 : index
    %get3A_640 = tpu.vector_load %arg9[%get3A_638, %get3A_639] {strides = array<i32>} : memref<32x128xf32, #tpu.memory_space<vmem>>, vector<16xf32>,
    %add3A_641 = arith.addf %add3A_636, %get3A_640 : vector<16xf32>
    %get3A_642 = arith.constant 24 : i32
    %get3A_643 = arith.index_cast %get3A_642 : i32 to index
    %get3A_644 = arith.constant 48 : index
    %get3A_645 = tpu.vector_load %arg9[%get3A_643, %get3A_644] {strides = array<i32>} : memref<32x128xf32, #tpu.memory_space<vmem>>, vector<16xf32>,
    %add3A_646 = arith.addf %add3A_641, %get3A_645 : vector<16xf32>
    %get3A_647 = arith.constant 25 : i32
    %get3A_648 = arith.index_cast %get3A_647 : i32 to index
    %get3A_649 = arith.constant 48 : index
    %get3A_650 = tpu.vector_load %arg9[%get3A_648, %get3A_649] {strides = array<i32>} : memref<32x128xf32, #tpu.memory_space<vmem>>, vector<16xf32>,
    %add3A_651 = arith.addf %add3A_646, %get3A_650 : vector<16xf32>
    %get3A_652 = arith.constant 26 : i32
    %get3A_653 = arith.index_cast %get3A_652 : i32 to index
    %get3A_654 = arith.constant 48 : index
    %get3A_655 = tpu.vector_load %arg9[%get3A_653, %get3A_654] {strides = array<i32>} : memref<32x128xf32, #tpu.memory_space<vmem>>, vector<16xf32>,
    %add3A_656 = arith.addf %add3A_651, %get3A_655 : vector<16xf32>
    %get3A_657 = arith.constant 27 : i32
    %get3A_658 = arith.index_cast %get3A_657 : i32 to index
    %get3A_659 = arith.constant 48 : index
    %get3A_660 = tpu.vector_load %arg9[%get3A_658, %get3A_659] {strides = array<i32>} : memref<32x128xf32, #tpu.memory_space<vmem>>, vector<16xf32>,
    %add3A_661 = arith.addf %add3A_656, %get3A_660 : vector<16xf32>
    %get3A_662 = arith.constant 28 : i32
    %get3A_663 = arith.index_cast %get3A_662 : i32 to index
    %get3A_664 = arith.constant 48 : index
    %get3A_665 = tpu.vector_load %arg9[%get3A_663, %get3A_664] {strides = array<i32>} : memref<32x128xf32, #tpu.memory_space<vmem>>, vector<16xf32>,
    %add3A_666 = arith.addf %add3A_661, %get3A_665 : vector<16xf32>
    %get3A_667 = arith.constant 29 : i32
    %get3A_668 = arith.index_cast %get3A_667 : i32 to index
    %get3A_669 = arith.constant 48 : index
    %get3A_670 = tpu.vector_load %arg9[%get3A_668, %get3A_669] {strides = array<i32>} : memref<32x128xf32, #tpu.memory_space<vmem>>, vector<16xf32>,
    %add3A_671 = arith.addf %add3A_666, %get3A_670 : vector<16xf32>
    %get3A_672 = arith.constant 30 : i32
    %get3A_673 = arith.index_cast %get3A_672 : i32 to index
    %get3A_674 = arith.constant 48 : index
    %get3A_675 = tpu.vector_load %arg9[%get3A_673, %get3A_674] {strides = array<i32>} : memref<32x128xf32, #tpu.memory_space<vmem>>, vector<16xf32>,
    %add3A_676 = arith.addf %add3A_671, %get3A_675 : vector<16xf32>
    %get3A_677 = arith.constant 31 : i32
    %get3A_678 = arith.index_cast %get3A_677 : i32 to index
    %get3A_679 = arith.constant 48 : index
    %get3A_680 = tpu.vector_load %arg9[%get3A_678, %get3A_679] {strides = array<i32>} : memref<32x128xf32, #tpu.memory_space<vmem>>, vector<16xf32>,
    %add3A_681 = arith.addf %add3A_676, %get3A_680 : vector<16xf32>
    %add3A_682 = arith.constant 48 : i32
    %add3A_683 = arith.addi %mul3A_2, %add3A_682 : i32
    %add3A_684 = vector.broadcast %add3A_683 : i32 to vector<16xi32>
    %add3A_685 = arith.addi %add3A_684, %iota3A : vector<16xi32>
    %mul3A_686 = arith.constant 4097 : i32
    %mul3A_687 = vector.broadcast %mul3A_686 : i32 to vector<16xi32>
    %mul3A_688 = arith.muli %add3A_685, %mul3A_687 : vector<16xi32>
    %swap3A_689 = arith.constant 16 : i32
    %swap3A_690 = arith.index_cast %swap3A_689 : i32 to index
    %swap3A_691 = arith.constant 48 : index
    %swap3A_692 = tpu.vector_load %arg7[%swap3A_690, %swap3A_691] {strides = array<i32>} : memref<17x128xi32, #tpu.memory_space<vmem>>, vector<16xi32>,
    tpu.vector_store %arg7[%swap3A_690, %swap3A_691], %mul3A_688 {strides = array<i32>} : memref<17x128xi32, #tpu.memory_space<vmem>>, vector<16xi32>,
    %swap3A_693 = arith.constant 16 : i32
    %swap3A_694 = arith.index_cast %swap3A_693 : i32 to index
    %swap3A_695 = arith.constant 48 : index
    %swap3A_696 = tpu.vector_load %arg8[%swap3A_694, %swap3A_695] {strides = array<i32>} : memref<17x128xf32, #tpu.memory_space<vmem>>, vector<16xf32>,
    tpu.vector_store %arg8[%swap3A_694, %swap3A_695], %add3A_681 {strides = array<i32>} : memref<17x128xf32, #tpu.memory_space<vmem>>, vector<16xf32>,
    %get3A_697 = arith.constant 0 : i32
    %get3A_698 = arith.index_cast %get3A_697 : i32 to index
    %get3A_699 = arith.constant 64 : index
    %get3A_700 = tpu.vector_load %arg9[%get3A_698, %get3A_699] {strides = array<i32>} : memref<32x128xf32, #tpu.memory_space<vmem>>, vector<16xf32>,
    %get3A_701 = arith.constant 1 : i32
    %get3A_702 = arith.index_cast %get3A_701 : i32 to index
    %get3A_703 = arith.constant 64 : index
    %get3A_704 = tpu.vector_load %arg9[%get3A_702, %get3A_703] {strides = array<i32>} : memref<32x128xf32, #tpu.memory_space<vmem>>, vector<16xf32>,
    %add3A_705 = arith.addf %get3A_700, %get3A_704 : vector<16xf32>
    %get3A_706 = arith.constant 2 : i32
    %get3A_707 = arith.index_cast %get3A_706 : i32 to index
    %get3A_708 = arith.constant 64 : index
    %get3A_709 = tpu.vector_load %arg9[%get3A_707, %get3A_708] {strides = array<i32>} : memref<32x128xf32, #tpu.memory_space<vmem>>, vector<16xf32>,
    %add3A_710 = arith.addf %add3A_705, %get3A_709 : vector<16xf32>
    %get3A_711 = arith.constant 3 : i32
    %get3A_712 = arith.index_cast %get3A_711 : i32 to index
    %get3A_713 = arith.constant 64 : index
    %get3A_714 = tpu.vector_load %arg9[%get3A_712, %get3A_713] {strides = array<i32>} : memref<32x128xf32, #tpu.memory_space<vmem>>, vector<16xf32>,
    %add3A_715 = arith.addf %add3A_710, %get3A_714 : vector<16xf32>
    %get3A_716 = arith.constant 4 : i32
    %get3A_717 = arith.index_cast %get3A_716 : i32 to index
    %get3A_718 = arith.constant 64 : index
    %get3A_719 = tpu.vector_load %arg9[%get3A_717, %get3A_718] {strides = array<i32>} : memref<32x128xf32, #tpu.memory_space<vmem>>, vector<16xf32>,
    %add3A_720 = arith.addf %add3A_715, %get3A_719 : vector<16xf32>
    %get3A_721 = arith.constant 5 : i32
    %get3A_722 = arith.index_cast %get3A_721 : i32 to index
    %get3A_723 = arith.constant 64 : index
    %get3A_724 = tpu.vector_load %arg9[%get3A_722, %get3A_723] {strides = array<i32>} : memref<32x128xf32, #tpu.memory_space<vmem>>, vector<16xf32>,
    %add3A_725 = arith.addf %add3A_720, %get3A_724 : vector<16xf32>
    %get3A_726 = arith.constant 6 : i32
    %get3A_727 = arith.index_cast %get3A_726 : i32 to index
    %get3A_728 = arith.constant 64 : index
    %get3A_729 = tpu.vector_load %arg9[%get3A_727, %get3A_728] {strides = array<i32>} : memref<32x128xf32, #tpu.memory_space<vmem>>, vector<16xf32>,
    %add3A_730 = arith.addf %add3A_725, %get3A_729 : vector<16xf32>
    %get3A_731 = arith.constant 7 : i32
    %get3A_732 = arith.index_cast %get3A_731 : i32 to index
    %get3A_733 = arith.constant 64 : index
    %get3A_734 = tpu.vector_load %arg9[%get3A_732, %get3A_733] {strides = array<i32>} : memref<32x128xf32, #tpu.memory_space<vmem>>, vector<16xf32>,
    %add3A_735 = arith.addf %add3A_730, %get3A_734 : vector<16xf32>
    %get3A_736 = arith.constant 8 : i32
    %get3A_737 = arith.index_cast %get3A_736 : i32 to index
    %get3A_738 = arith.constant 64 : index
    %get3A_739 = tpu.vector_load %arg9[%get3A_737, %get3A_738] {strides = array<i32>} : memref<32x128xf32, #tpu.memory_space<vmem>>, vector<16xf32>,
    %add3A_740 = arith.addf %add3A_735, %get3A_739 : vector<16xf32>
    %get3A_741 = arith.constant 9 : i32
    %get3A_742 = arith.index_cast %get3A_741 : i32 to index
    %get3A_743 = arith.constant 64 : index
    %get3A_744 = tpu.vector_load %arg9[%get3A_742, %get3A_743] {strides = array<i32>} : memref<32x128xf32, #tpu.memory_space<vmem>>, vector<16xf32>,
    %add3A_745 = arith.addf %add3A_740, %get3A_744 : vector<16xf32>
    %get3A_746 = arith.constant 10 : i32
    %get3A_747 = arith.index_cast %get3A_746 : i32 to index
    %get3A_748 = arith.constant 64 : index
    %get3A_749 = tpu.vector_load %arg9[%get3A_747, %get3A_748] {strides = array<i32>} : memref<32x128xf32, #tpu.memory_space<vmem>>, vector<16xf32>,
    %add3A_750 = arith.addf %add3A_745, %get3A_749 : vector<16xf32>
    %get3A_751 = arith.constant 11 : i32
    %get3A_752 = arith.index_cast %get3A_751 : i32 to index
    %get3A_753 = arith.constant 64 : index
    %get3A_754 = tpu.vector_load %arg9[%get3A_752, %get3A_753] {strides = array<i32>} : memref<32x128xf32, #tpu.memory_space<vmem>>, vector<16xf32>,
    %add3A_755 = arith.addf %add3A_750, %get3A_754 : vector<16xf32>
    %get3A_756 = arith.constant 12 : i32
    %get3A_757 = arith.index_cast %get3A_756 : i32 to index
    %get3A_758 = arith.constant 64 : index
    %get3A_759 = tpu.vector_load %arg9[%get3A_757, %get3A_758] {strides = array<i32>} : memref<32x128xf32, #tpu.memory_space<vmem>>, vector<16xf32>,
    %add3A_760 = arith.addf %add3A_755, %get3A_759 : vector<16xf32>
    %get3A_761 = arith.constant 13 : i32
    %get3A_762 = arith.index_cast %get3A_761 : i32 to index
    %get3A_763 = arith.constant 64 : index
    %get3A_764 = tpu.vector_load %arg9[%get3A_762, %get3A_763] {strides = array<i32>} : memref<32x128xf32, #tpu.memory_space<vmem>>, vector<16xf32>,
    %add3A_765 = arith.addf %add3A_760, %get3A_764 : vector<16xf32>
    %get3A_766 = arith.constant 14 : i32
    %get3A_767 = arith.index_cast %get3A_766 : i32 to index
    %get3A_768 = arith.constant 64 : index
    %get3A_769 = tpu.vector_load %arg9[%get3A_767, %get3A_768] {strides = array<i32>} : memref<32x128xf32, #tpu.memory_space<vmem>>, vector<16xf32>,
    %add3A_770 = arith.addf %add3A_765, %get3A_769 : vector<16xf32>
    %get3A_771 = arith.constant 15 : i32
    %get3A_772 = arith.index_cast %get3A_771 : i32 to index
    %get3A_773 = arith.constant 64 : index
    %get3A_774 = tpu.vector_load %arg9[%get3A_772, %get3A_773] {strides = array<i32>} : memref<32x128xf32, #tpu.memory_space<vmem>>, vector<16xf32>,
    %add3A_775 = arith.addf %add3A_770, %get3A_774 : vector<16xf32>
    %get3A_776 = arith.constant 16 : i32
    %get3A_777 = arith.index_cast %get3A_776 : i32 to index
    %get3A_778 = arith.constant 64 : index
    %get3A_779 = tpu.vector_load %arg9[%get3A_777, %get3A_778] {strides = array<i32>} : memref<32x128xf32, #tpu.memory_space<vmem>>, vector<16xf32>,
    %add3A_780 = arith.addf %add3A_775, %get3A_779 : vector<16xf32>
    %get3A_781 = arith.constant 17 : i32
    %get3A_782 = arith.index_cast %get3A_781 : i32 to index
    %get3A_783 = arith.constant 64 : index
    %get3A_784 = tpu.vector_load %arg9[%get3A_782, %get3A_783] {strides = array<i32>} : memref<32x128xf32, #tpu.memory_space<vmem>>, vector<16xf32>,
    %add3A_785 = arith.addf %add3A_780, %get3A_784 : vector<16xf32>
    %get3A_786 = arith.constant 18 : i32
    %get3A_787 = arith.index_cast %get3A_786 : i32 to index
    %get3A_788 = arith.constant 64 : index
    %get3A_789 = tpu.vector_load %arg9[%get3A_787, %get3A_788] {strides = array<i32>} : memref<32x128xf32, #tpu.memory_space<vmem>>, vector<16xf32>,
    %add3A_790 = arith.addf %add3A_785, %get3A_789 : vector<16xf32>
    %get3A_791 = arith.constant 19 : i32
    %get3A_792 = arith.index_cast %get3A_791 : i32 to index
    %get3A_793 = arith.constant 64 : index
    %get3A_794 = tpu.vector_load %arg9[%get3A_792, %get3A_793] {strides = array<i32>} : memref<32x128xf32, #tpu.memory_space<vmem>>, vector<16xf32>,
    %add3A_795 = arith.addf %add3A_790, %get3A_794 : vector<16xf32>
    %get3A_796 = arith.constant 20 : i32
    %get3A_797 = arith.index_cast %get3A_796 : i32 to index
    %get3A_798 = arith.constant 64 : index
    %get3A_799 = tpu.vector_load %arg9[%get3A_797, %get3A_798] {strides = array<i32>} : memref<32x128xf32, #tpu.memory_space<vmem>>, vector<16xf32>,
    %add3A_800 = arith.addf %add3A_795, %get3A_799 : vector<16xf32>
    %get3A_801 = arith.constant 21 : i32
    %get3A_802 = arith.index_cast %get3A_801 : i32 to index
    %get3A_803 = arith.constant 64 : index
    %get3A_804 = tpu.vector_load %arg9[%get3A_802, %get3A_803] {strides = array<i32>} : memref<32x128xf32, #tpu.memory_space<vmem>>, vector<16xf32>,
    %add3A_805 = arith.addf %add3A_800, %get3A_804 : vector<16xf32>
    %get3A_806 = arith.constant 22 : i32
    %get3A_807 = arith.index_cast %get3A_806 : i32 to index
    %get3A_808 = arith.constant 64 : index
    %get3A_809 = tpu.vector_load %arg9[%get3A_807, %get3A_808] {strides = array<i32>} : memref<32x128xf32, #tpu.memory_space<vmem>>, vector<16xf32>,
    %add3A_810 = arith.addf %add3A_805, %get3A_809 : vector<16xf32>
    %get3A_811 = arith.constant 23 : i32
    %get3A_812 = arith.index_cast %get3A_811 : i32 to index
    %get3A_813 = arith.constant 64 : index
    %get3A_814 = tpu.vector_load %arg9[%get3A_812, %get3A_813] {strides = array<i32>} : memref<32x128xf32, #tpu.memory_space<vmem>>, vector<16xf32>,
    %add3A_815 = arith.addf %add3A_810, %get3A_814 : vector<16xf32>
    %get3A_816 = arith.constant 24 : i32
    %get3A_817 = arith.index_cast %get3A_816 : i32 to index
    %get3A_818 = arith.constant 64 : index
    %get3A_819 = tpu.vector_load %arg9[%get3A_817, %get3A_818] {strides = array<i32>} : memref<32x128xf32, #tpu.memory_space<vmem>>, vector<16xf32>,
    %add3A_820 = arith.addf %add3A_815, %get3A_819 : vector<16xf32>
    %get3A_821 = arith.constant 25 : i32
    %get3A_822 = arith.index_cast %get3A_821 : i32 to index
    %get3A_823 = arith.constant 64 : index
    %get3A_824 = tpu.vector_load %arg9[%get3A_822, %get3A_823] {strides = array<i32>} : memref<32x128xf32, #tpu.memory_space<vmem>>, vector<16xf32>,
    %add3A_825 = arith.addf %add3A_820, %get3A_824 : vector<16xf32>
    %get3A_826 = arith.constant 26 : i32
    %get3A_827 = arith.index_cast %get3A_826 : i32 to index
    %get3A_828 = arith.constant 64 : index
    %get3A_829 = tpu.vector_load %arg9[%get3A_827, %get3A_828] {strides = array<i32>} : memref<32x128xf32, #tpu.memory_space<vmem>>, vector<16xf32>,
    %add3A_830 = arith.addf %add3A_825, %get3A_829 : vector<16xf32>
    %get3A_831 = arith.constant 27 : i32
    %get3A_832 = arith.index_cast %get3A_831 : i32 to index
    %get3A_833 = arith.constant 64 : index
    %get3A_834 = tpu.vector_load %arg9[%get3A_832, %get3A_833] {strides = array<i32>} : memref<32x128xf32, #tpu.memory_space<vmem>>, vector<16xf32>,
    %add3A_835 = arith.addf %add3A_830, %get3A_834 : vector<16xf32>
    %get3A_836 = arith.constant 28 : i32
    %get3A_837 = arith.index_cast %get3A_836 : i32 to index
    %get3A_838 = arith.constant 64 : index
    %get3A_839 = tpu.vector_load %arg9[%get3A_837, %get3A_838] {strides = array<i32>} : memref<32x128xf32, #tpu.memory_space<vmem>>, vector<16xf32>,
    %add3A_840 = arith.addf %add3A_835, %get3A_839 : vector<16xf32>
    %get3A_841 = arith.constant 29 : i32
    %get3A_842 = arith.index_cast %get3A_841 : i32 to index
    %get3A_843 = arith.constant 64 : index
    %get3A_844 = tpu.vector_load %arg9[%get3A_842, %get3A_843] {strides = array<i32>} : memref<32x128xf32, #tpu.memory_space<vmem>>, vector<16xf32>,
    %add3A_845 = arith.addf %add3A_840, %get3A_844 : vector<16xf32>
    %get3A_846 = arith.constant 30 : i32
    %get3A_847 = arith.index_cast %get3A_846 : i32 to index
    %get3A_848 = arith.constant 64 : index
    %get3A_849 = tpu.vector_load %arg9[%get3A_847, %get3A_848] {strides = array<i32>} : memref<32x128xf32, #tpu.memory_space<vmem>>, vector<16xf32>,
    %add3A_850 = arith.addf %add3A_845, %get3A_849 : vector<16xf32>
    %get3A_851 = arith.constant 31 : i32
    %get3A_852 = arith.index_cast %get3A_851 : i32 to index
    %get3A_853 = arith.constant 64 : index
    %get3A_854 = tpu.vector_load %arg9[%get3A_852, %get3A_853] {strides = array<i32>} : memref<32x128xf32, #tpu.memory_space<vmem>>, vector<16xf32>,
    %add3A_855 = arith.addf %add3A_850, %get3A_854 : vector<16xf32>
    %add3A_856 = arith.constant 64 : i32
    %add3A_857 = arith.addi %mul3A_2, %add3A_856 : i32
    %add3A_858 = vector.broadcast %add3A_857 : i32 to vector<16xi32>
    %add3A_859 = arith.addi %add3A_858, %iota3A : vector<16xi32>
    %mul3A_860 = arith.constant 4097 : i32
    %mul3A_861 = vector.broadcast %mul3A_860 : i32 to vector<16xi32>
    %mul3A_862 = arith.muli %add3A_859, %mul3A_861 : vector<16xi32>
    %swap3A_863 = arith.constant 16 : i32
    %swap3A_864 = arith.index_cast %swap3A_863 : i32 to index
    %swap3A_865 = arith.constant 64 : index
    %swap3A_866 = tpu.vector_load %arg7[%swap3A_864, %swap3A_865] {strides = array<i32>} : memref<17x128xi32, #tpu.memory_space<vmem>>, vector<16xi32>,
    tpu.vector_store %arg7[%swap3A_864, %swap3A_865], %mul3A_862 {strides = array<i32>} : memref<17x128xi32, #tpu.memory_space<vmem>>, vector<16xi32>,
    %swap3A_867 = arith.constant 16 : i32
    %swap3A_868 = arith.index_cast %swap3A_867 : i32 to index
    %swap3A_869 = arith.constant 64 : index
    %swap3A_870 = tpu.vector_load %arg8[%swap3A_868, %swap3A_869] {strides = array<i32>} : memref<17x128xf32, #tpu.memory_space<vmem>>, vector<16xf32>,
    tpu.vector_store %arg8[%swap3A_868, %swap3A_869], %add3A_855 {strides = array<i32>} : memref<17x128xf32, #tpu.memory_space<vmem>>, vector<16xf32>,
    %get3A_871 = arith.constant 0 : i32
    %get3A_872 = arith.index_cast %get3A_871 : i32 to index
    %get3A_873 = arith.constant 80 : index
    %get3A_874 = tpu.vector_load %arg9[%get3A_872, %get3A_873] {strides = array<i32>} : memref<32x128xf32, #tpu.memory_space<vmem>>, vector<16xf32>,
    %get3A_875 = arith.constant 1 : i32
    %get3A_876 = arith.index_cast %get3A_875 : i32 to index
    %get3A_877 = arith.constant 80 : index
    %get3A_878 = tpu.vector_load %arg9[%get3A_876, %get3A_877] {strides = array<i32>} : memref<32x128xf32, #tpu.memory_space<vmem>>, vector<16xf32>,
    %add3A_879 = arith.addf %get3A_874, %get3A_878 : vector<16xf32>
    %get3A_880 = arith.constant 2 : i32
    %get3A_881 = arith.index_cast %get3A_880 : i32 to index
    %get3A_882 = arith.constant 80 : index
    %get3A_883 = tpu.vector_load %arg9[%get3A_881, %get3A_882] {strides = array<i32>} : memref<32x128xf32, #tpu.memory_space<vmem>>, vector<16xf32>,
    %add3A_884 = arith.addf %add3A_879, %get3A_883 : vector<16xf32>
    %get3A_885 = arith.constant 3 : i32
    %get3A_886 = arith.index_cast %get3A_885 : i32 to index
    %get3A_887 = arith.constant 80 : index
    %get3A_888 = tpu.vector_load %arg9[%get3A_886, %get3A_887] {strides = array<i32>} : memref<32x128xf32, #tpu.memory_space<vmem>>, vector<16xf32>,
    %add3A_889 = arith.addf %add3A_884, %get3A_888 : vector<16xf32>
    %get3A_890 = arith.constant 4 : i32
    %get3A_891 = arith.index_cast %get3A_890 : i32 to index
    %get3A_892 = arith.constant 80 : index
    %get3A_893 = tpu.vector_load %arg9[%get3A_891, %get3A_892] {strides = array<i32>} : memref<32x128xf32, #tpu.memory_space<vmem>>, vector<16xf32>,
    %add3A_894 = arith.addf %add3A_889, %get3A_893 : vector<16xf32>
    %get3A_895 = arith.constant 5 : i32
    %get3A_896 = arith.index_cast %get3A_895 : i32 to index
    %get3A_897 = arith.constant 80 : index
    %get3A_898 = tpu.vector_load %arg9[%get3A_896, %get3A_897] {strides = array<i32>} : memref<32x128xf32, #tpu.memory_space<vmem>>, vector<16xf32>,
    %add3A_899 = arith.addf %add3A_894, %get3A_898 : vector<16xf32>
    %get3A_900 = arith.constant 6 : i32
    %get3A_901 = arith.index_cast %get3A_900 : i32 to index
    %get3A_902 = arith.constant 80 : index
    %get3A_903 = tpu.vector_load %arg9[%get3A_901, %get3A_902] {strides = array<i32>} : memref<32x128xf32, #tpu.memory_space<vmem>>, vector<16xf32>,
    %add3A_904 = arith.addf %add3A_899, %get3A_903 : vector<16xf32>
    %get3A_905 = arith.constant 7 : i32
    %get3A_906 = arith.index_cast %get3A_905 : i32 to index
    %get3A_907 = arith.constant 80 : index
    %get3A_908 = tpu.vector_load %arg9[%get3A_906, %get3A_907] {strides = array<i32>} : memref<32x128xf32, #tpu.memory_space<vmem>>, vector<16xf32>,
    %add3A_909 = arith.addf %add3A_904, %get3A_908 : vector<16xf32>
    %get3A_910 = arith.constant 8 : i32
    %get3A_911 = arith.index_cast %get3A_910 : i32 to index
    %get3A_912 = arith.constant 80 : index
    %get3A_913 = tpu.vector_load %arg9[%get3A_911, %get3A_912] {strides = array<i32>} : memref<32x128xf32, #tpu.memory_space<vmem>>, vector<16xf32>,
    %add3A_914 = arith.addf %add3A_909, %get3A_913 : vector<16xf32>
    %get3A_915 = arith.constant 9 : i32
    %get3A_916 = arith.index_cast %get3A_915 : i32 to index
    %get3A_917 = arith.constant 80 : index
    %get3A_918 = tpu.vector_load %arg9[%get3A_916, %get3A_917] {strides = array<i32>} : memref<32x128xf32, #tpu.memory_space<vmem>>, vector<16xf32>,
    %add3A_919 = arith.addf %add3A_914, %get3A_918 : vector<16xf32>
    %get3A_920 = arith.constant 10 : i32
    %get3A_921 = arith.index_cast %get3A_920 : i32 to index
    %get3A_922 = arith.constant 80 : index
    %get3A_923 = tpu.vector_load %arg9[%get3A_921, %get3A_922] {strides = array<i32>} : memref<32x128xf32, #tpu.memory_space<vmem>>, vector<16xf32>,
    %add3A_924 = arith.addf %add3A_919, %get3A_923 : vector<16xf32>
    %get3A_925 = arith.constant 11 : i32
    %get3A_926 = arith.index_cast %get3A_925 : i32 to index
    %get3A_927 = arith.constant 80 : index
    %get3A_928 = tpu.vector_load %arg9[%get3A_926, %get3A_927] {strides = array<i32>} : memref<32x128xf32, #tpu.memory_space<vmem>>, vector<16xf32>,
    %add3A_929 = arith.addf %add3A_924, %get3A_928 : vector<16xf32>
    %get3A_930 = arith.constant 12 : i32
    %get3A_931 = arith.index_cast %get3A_930 : i32 to index
    %get3A_932 = arith.constant 80 : index
    %get3A_933 = tpu.vector_load %arg9[%get3A_931, %get3A_932] {strides = array<i32>} : memref<32x128xf32, #tpu.memory_space<vmem>>, vector<16xf32>,
    %add3A_934 = arith.addf %add3A_929, %get3A_933 : vector<16xf32>
    %get3A_935 = arith.constant 13 : i32
    %get3A_936 = arith.index_cast %get3A_935 : i32 to index
    %get3A_937 = arith.constant 80 : index
    %get3A_938 = tpu.vector_load %arg9[%get3A_936, %get3A_937] {strides = array<i32>} : memref<32x128xf32, #tpu.memory_space<vmem>>, vector<16xf32>,
    %add3A_939 = arith.addf %add3A_934, %get3A_938 : vector<16xf32>
    %get3A_940 = arith.constant 14 : i32
    %get3A_941 = arith.index_cast %get3A_940 : i32 to index
    %get3A_942 = arith.constant 80 : index
    %get3A_943 = tpu.vector_load %arg9[%get3A_941, %get3A_942] {strides = array<i32>} : memref<32x128xf32, #tpu.memory_space<vmem>>, vector<16xf32>,
    %add3A_944 = arith.addf %add3A_939, %get3A_943 : vector<16xf32>
    %get3A_945 = arith.constant 15 : i32
    %get3A_946 = arith.index_cast %get3A_945 : i32 to index
    %get3A_947 = arith.constant 80 : index
    %get3A_948 = tpu.vector_load %arg9[%get3A_946, %get3A_947] {strides = array<i32>} : memref<32x128xf32, #tpu.memory_space<vmem>>, vector<16xf32>,
    %add3A_949 = arith.addf %add3A_944, %get3A_948 : vector<16xf32>
    %get3A_950 = arith.constant 16 : i32
    %get3A_951 = arith.index_cast %get3A_950 : i32 to index
    %get3A_952 = arith.constant 80 : index
    %get3A_953 = tpu.vector_load %arg9[%get3A_951, %get3A_952] {strides = array<i32>} : memref<32x128xf32, #tpu.memory_space<vmem>>, vector<16xf32>,
    %add3A_954 = arith.addf %add3A_949, %get3A_953 : vector<16xf32>
    %get3A_955 = arith.constant 17 : i32
    %get3A_956 = arith.index_cast %get3A_955 : i32 to index
    %get3A_957 = arith.constant 80 : index
    %get3A_958 = tpu.vector_load %arg9[%get3A_956, %get3A_957] {strides = array<i32>} : memref<32x128xf32, #tpu.memory_space<vmem>>, vector<16xf32>,
    %add3A_959 = arith.addf %add3A_954, %get3A_958 : vector<16xf32>
    %get3A_960 = arith.constant 18 : i32
    %get3A_961 = arith.index_cast %get3A_960 : i32 to index
    %get3A_962 = arith.constant 80 : index
    %get3A_963 = tpu.vector_load %arg9[%get3A_961, %get3A_962] {strides = array<i32>} : memref<32x128xf32, #tpu.memory_space<vmem>>, vector<16xf32>,
    %add3A_964 = arith.addf %add3A_959, %get3A_963 : vector<16xf32>
    %get3A_965 = arith.constant 19 : i32
    %get3A_966 = arith.index_cast %get3A_965 : i32 to index
    %get3A_967 = arith.constant 80 : index
    %get3A_968 = tpu.vector_load %arg9[%get3A_966, %get3A_967] {strides = array<i32>} : memref<32x128xf32, #tpu.memory_space<vmem>>, vector<16xf32>,
    %add3A_969 = arith.addf %add3A_964, %get3A_968 : vector<16xf32>
    %get3A_970 = arith.constant 20 : i32
    %get3A_971 = arith.index_cast %get3A_970 : i32 to index
    %get3A_972 = arith.constant 80 : index
    %get3A_973 = tpu.vector_load %arg9[%get3A_971, %get3A_972] {strides = array<i32>} : memref<32x128xf32, #tpu.memory_space<vmem>>, vector<16xf32>,
    %add3A_974 = arith.addf %add3A_969, %get3A_973 : vector<16xf32>
    %get3A_975 = arith.constant 21 : i32
    %get3A_976 = arith.index_cast %get3A_975 : i32 to index
    %get3A_977 = arith.constant 80 : index
    %get3A_978 = tpu.vector_load %arg9[%get3A_976, %get3A_977] {strides = array<i32>} : memref<32x128xf32, #tpu.memory_space<vmem>>, vector<16xf32>,
    %add3A_979 = arith.addf %add3A_974, %get3A_978 : vector<16xf32>
    %get3A_980 = arith.constant 22 : i32
    %get3A_981 = arith.index_cast %get3A_980 : i32 to index
    %get3A_982 = arith.constant 80 : index
    %get3A_983 = tpu.vector_load %arg9[%get3A_981, %get3A_982] {strides = array<i32>} : memref<32x128xf32, #tpu.memory_space<vmem>>, vector<16xf32>,
    %add3A_984 = arith.addf %add3A_979, %get3A_983 : vector<16xf32>
    %get3A_985 = arith.constant 23 : i32
    %get3A_986 = arith.index_cast %get3A_985 : i32 to index
    %get3A_987 = arith.constant 80 : index
    %get3A_988 = tpu.vector_load %arg9[%get3A_986, %get3A_987] {strides = array<i32>} : memref<32x128xf32, #tpu.memory_space<vmem>>, vector<16xf32>,
    %add3A_989 = arith.addf %add3A_984, %get3A_988 : vector<16xf32>
    %get3A_990 = arith.constant 24 : i32
    %get3A_991 = arith.index_cast %get3A_990 : i32 to index
    %get3A_992 = arith.constant 80 : index
    %get3A_993 = tpu.vector_load %arg9[%get3A_991, %get3A_992] {strides = array<i32>} : memref<32x128xf32, #tpu.memory_space<vmem>>, vector<16xf32>,
    %add3A_994 = arith.addf %add3A_989, %get3A_993 : vector<16xf32>
    %get3A_995 = arith.constant 25 : i32
    %get3A_996 = arith.index_cast %get3A_995 : i32 to index
    %get3A_997 = arith.constant 80 : index
    %get3A_998 = tpu.vector_load %arg9[%get3A_996, %get3A_997] {strides = array<i32>} : memref<32x128xf32, #tpu.memory_space<vmem>>, vector<16xf32>,
    %add3A_999 = arith.addf %add3A_994, %get3A_998 : vector<16xf32>
    %get3A_1000 = arith.constant 26 : i32
    %get3A_1001 = arith.index_cast %get3A_1000 : i32 to index
    %get3A_1002 = arith.constant 80 : index
    %get3A_1003 = tpu.vector_load %arg9[%get3A_1001, %get3A_1002] {strides = array<i32>} : memref<32x128xf32, #tpu.memory_space<vmem>>, vector<16xf32>,
    %add3A_1004 = arith.addf %add3A_999, %get3A_1003 : vector<16xf32>
    %get3A_1005 = arith.constant 27 : i32
    %get3A_1006 = arith.index_cast %get3A_1005 : i32 to index
    %get3A_1007 = arith.constant 80 : index
    %get3A_1008 = tpu.vector_load %arg9[%get3A_1006, %get3A_1007] {strides = array<i32>} : memref<32x128xf32, #tpu.memory_space<vmem>>, vector<16xf32>,
    %add3A_1009 = arith.addf %add3A_1004, %get3A_1008 : vector<16xf32>
    %get3A_1010 = arith.constant 28 : i32
    %get3A_1011 = arith.index_cast %get3A_1010 : i32 to index
    %get3A_1012 = arith.constant 80 : index
    %get3A_1013 = tpu.vector_load %arg9[%get3A_1011, %get3A_1012] {strides = array<i32>} : memref<32x128xf32, #tpu.memory_space<vmem>>, vector<16xf32>,
    %add3A_1014 = arith.addf %add3A_1009, %get3A_1013 : vector<16xf32>
    %get3A_1015 = arith.constant 29 : i32
    %get3A_1016 = arith.index_cast %get3A_1015 : i32 to index
    %get3A_1017 = arith.constant 80 : index
    %get3A_1018 = tpu.vector_load %arg9[%get3A_1016, %get3A_1017] {strides = array<i32>} : memref<32x128xf32, #tpu.memory_space<vmem>>, vector<16xf32>,
    %add3A_1019 = arith.addf %add3A_1014, %get3A_1018 : vector<16xf32>
    %get3A_1020 = arith.constant 30 : i32
    %get3A_1021 = arith.index_cast %get3A_1020 : i32 to index
    %get3A_1022 = arith.constant 80 : index
    %get3A_1023 = tpu.vector_load %arg9[%get3A_1021, %get3A_1022] {strides = array<i32>} : memref<32x128xf32, #tpu.memory_space<vmem>>, vector<16xf32>,
    %add3A_1024 = arith.addf %add3A_1019, %get3A_1023 : vector<16xf32>
    %get3A_1025 = arith.constant 31 : i32
    %get3A_1026 = arith.index_cast %get3A_1025 : i32 to index
    %get3A_1027 = arith.constant 80 : index
    %get3A_1028 = tpu.vector_load %arg9[%get3A_1026, %get3A_1027] {strides = array<i32>} : memref<32x128xf32, #tpu.memory_space<vmem>>, vector<16xf32>,
    %add3A_1029 = arith.addf %add3A_1024, %get3A_1028 : vector<16xf32>
    %add3A_1030 = arith.constant 80 : i32
    %add3A_1031 = arith.addi %mul3A_2, %add3A_1030 : i32
    %add3A_1032 = vector.broadcast %add3A_1031 : i32 to vector<16xi32>
    %add3A_1033 = arith.addi %add3A_1032, %iota3A : vector<16xi32>
    %mul3A_1034 = arith.constant 4097 : i32
    %mul3A_1035 = vector.broadcast %mul3A_1034 : i32 to vector<16xi32>
    %mul3A_1036 = arith.muli %add3A_1033, %mul3A_1035 : vector<16xi32>
    %swap3A_1037 = arith.constant 16 : i32
    %swap3A_1038 = arith.index_cast %swap3A_1037 : i32 to index
    %swap3A_1039 = arith.constant 80 : index
    %swap3A_1040 = tpu.vector_load %arg7[%swap3A_1038, %swap3A_1039] {strides = array<i32>} : memref<17x128xi32, #tpu.memory_space<vmem>>, vector<16xi32>,
    tpu.vector_store %arg7[%swap3A_1038, %swap3A_1039], %mul3A_1036 {strides = array<i32>} : memref<17x128xi32, #tpu.memory_space<vmem>>, vector<16xi32>,
    %swap3A_1041 = arith.constant 16 : i32
    %swap3A_1042 = arith.index_cast %swap3A_1041 : i32 to index
    %swap3A_1043 = arith.constant 80 : index
    %swap3A_1044 = tpu.vector_load %arg8[%swap3A_1042, %swap3A_1043] {strides = array<i32>} : memref<17x128xf32, #tpu.memory_space<vmem>>, vector<16xf32>,
    tpu.vector_store %arg8[%swap3A_1042, %swap3A_1043], %add3A_1029 {strides = array<i32>} : memref<17x128xf32, #tpu.memory_space<vmem>>, vector<16xf32>,
    %get3A_1045 = arith.constant 0 : i32
    %get3A_1046 = arith.index_cast %get3A_1045 : i32 to index
    %get3A_1047 = arith.constant 96 : index
    %get3A_1048 = tpu.vector_load %arg9[%get3A_1046, %get3A_1047] {strides = array<i32>} : memref<32x128xf32, #tpu.memory_space<vmem>>, vector<16xf32>,
    %get3A_1049 = arith.constant 1 : i32
    %get3A_1050 = arith.index_cast %get3A_1049 : i32 to index
    %get3A_1051 = arith.constant 96 : index
    %get3A_1052 = tpu.vector_load %arg9[%get3A_1050, %get3A_1051] {strides = array<i32>} : memref<32x128xf32, #tpu.memory_space<vmem>>, vector<16xf32>,
    %add3A_1053 = arith.addf %get3A_1048, %get3A_1052 : vector<16xf32>
    %get3A_1054 = arith.constant 2 : i32
    %get3A_1055 = arith.index_cast %get3A_1054 : i32 to index
    %get3A_1056 = arith.constant 96 : index
    %get3A_1057 = tpu.vector_load %arg9[%get3A_1055, %get3A_1056] {strides = array<i32>} : memref<32x128xf32, #tpu.memory_space<vmem>>, vector<16xf32>,
    %add3A_1058 = arith.addf %add3A_1053, %get3A_1057 : vector<16xf32>
    %get3A_1059 = arith.constant 3 : i32
    %get3A_1060 = arith.index_cast %get3A_1059 : i32 to index
    %get3A_1061 = arith.constant 96 : index
    %get3A_1062 = tpu.vector_load %arg9[%get3A_1060, %get3A_1061] {strides = array<i32>} : memref<32x128xf32, #tpu.memory_space<vmem>>, vector<16xf32>,
    %add3A_1063 = arith.addf %add3A_1058, %get3A_1062 : vector<16xf32>
    %get3A_1064 = arith.constant 4 : i32
    %get3A_1065 = arith.index_cast %get3A_1064 : i32 to index
    %get3A_1066 = arith.constant 96 : index
    %get3A_1067 = tpu.vector_load %arg9[%get3A_1065, %get3A_1066] {strides = array<i32>} : memref<32x128xf32, #tpu.memory_space<vmem>>, vector<16xf32>,
    %add3A_1068 = arith.addf %add3A_1063, %get3A_1067 : vector<16xf32>
    %get3A_1069 = arith.constant 5 : i32
    %get3A_1070 = arith.index_cast %get3A_1069 : i32 to index
    %get3A_1071 = arith.constant 96 : index
    %get3A_1072 = tpu.vector_load %arg9[%get3A_1070, %get3A_1071] {strides = array<i32>} : memref<32x128xf32, #tpu.memory_space<vmem>>, vector<16xf32>,
    %add3A_1073 = arith.addf %add3A_1068, %get3A_1072 : vector<16xf32>
    %get3A_1074 = arith.constant 6 : i32
    %get3A_1075 = arith.index_cast %get3A_1074 : i32 to index
    %get3A_1076 = arith.constant 96 : index
    %get3A_1077 = tpu.vector_load %arg9[%get3A_1075, %get3A_1076] {strides = array<i32>} : memref<32x128xf32, #tpu.memory_space<vmem>>, vector<16xf32>,
    %add3A_1078 = arith.addf %add3A_1073, %get3A_1077 : vector<16xf32>
    %get3A_1079 = arith.constant 7 : i32
    %get3A_1080 = arith.index_cast %get3A_1079 : i32 to index
    %get3A_1081 = arith.constant 96 : index
    %get3A_1082 = tpu.vector_load %arg9[%get3A_1080, %get3A_1081] {strides = array<i32>} : memref<32x128xf32, #tpu.memory_space<vmem>>, vector<16xf32>,
    %add3A_1083 = arith.addf %add3A_1078, %get3A_1082 : vector<16xf32>
    %get3A_1084 = arith.constant 8 : i32
    %get3A_1085 = arith.index_cast %get3A_1084 : i32 to index
    %get3A_1086 = arith.constant 96 : index
    %get3A_1087 = tpu.vector_load %arg9[%get3A_1085, %get3A_1086] {strides = array<i32>} : memref<32x128xf32, #tpu.memory_space<vmem>>, vector<16xf32>,
    %add3A_1088 = arith.addf %add3A_1083, %get3A_1087 : vector<16xf32>
    %get3A_1089 = arith.constant 9 : i32
    %get3A_1090 = arith.index_cast %get3A_1089 : i32 to index
    %get3A_1091 = arith.constant 96 : index
    %get3A_1092 = tpu.vector_load %arg9[%get3A_1090, %get3A_1091] {strides = array<i32>} : memref<32x128xf32, #tpu.memory_space<vmem>>, vector<16xf32>,
    %add3A_1093 = arith.addf %add3A_1088, %get3A_1092 : vector<16xf32>
    %get3A_1094 = arith.constant 10 : i32
    %get3A_1095 = arith.index_cast %get3A_1094 : i32 to index
    %get3A_1096 = arith.constant 96 : index
    %get3A_1097 = tpu.vector_load %arg9[%get3A_1095, %get3A_1096] {strides = array<i32>} : memref<32x128xf32, #tpu.memory_space<vmem>>, vector<16xf32>,
    %add3A_1098 = arith.addf %add3A_1093, %get3A_1097 : vector<16xf32>
    %get3A_1099 = arith.constant 11 : i32
    %get3A_1100 = arith.index_cast %get3A_1099 : i32 to index
    %get3A_1101 = arith.constant 96 : index
    %get3A_1102 = tpu.vector_load %arg9[%get3A_1100, %get3A_1101] {strides = array<i32>} : memref<32x128xf32, #tpu.memory_space<vmem>>, vector<16xf32>,
    %add3A_1103 = arith.addf %add3A_1098, %get3A_1102 : vector<16xf32>
    %get3A_1104 = arith.constant 12 : i32
    %get3A_1105 = arith.index_cast %get3A_1104 : i32 to index
    %get3A_1106 = arith.constant 96 : index
    %get3A_1107 = tpu.vector_load %arg9[%get3A_1105, %get3A_1106] {strides = array<i32>} : memref<32x128xf32, #tpu.memory_space<vmem>>, vector<16xf32>,
    %add3A_1108 = arith.addf %add3A_1103, %get3A_1107 : vector<16xf32>
    %get3A_1109 = arith.constant 13 : i32
    %get3A_1110 = arith.index_cast %get3A_1109 : i32 to index
    %get3A_1111 = arith.constant 96 : index
    %get3A_1112 = tpu.vector_load %arg9[%get3A_1110, %get3A_1111] {strides = array<i32>} : memref<32x128xf32, #tpu.memory_space<vmem>>, vector<16xf32>,
    %add3A_1113 = arith.addf %add3A_1108, %get3A_1112 : vector<16xf32>
    %get3A_1114 = arith.constant 14 : i32
    %get3A_1115 = arith.index_cast %get3A_1114 : i32 to index
    %get3A_1116 = arith.constant 96 : index
    %get3A_1117 = tpu.vector_load %arg9[%get3A_1115, %get3A_1116] {strides = array<i32>} : memref<32x128xf32, #tpu.memory_space<vmem>>, vector<16xf32>,
    %add3A_1118 = arith.addf %add3A_1113, %get3A_1117 : vector<16xf32>
    %get3A_1119 = arith.constant 15 : i32
    %get3A_1120 = arith.index_cast %get3A_1119 : i32 to index
    %get3A_1121 = arith.constant 96 : index
    %get3A_1122 = tpu.vector_load %arg9[%get3A_1120, %get3A_1121] {strides = array<i32>} : memref<32x128xf32, #tpu.memory_space<vmem>>, vector<16xf32>,
    %add3A_1123 = arith.addf %add3A_1118, %get3A_1122 : vector<16xf32>
    %get3A_1124 = arith.constant 16 : i32
    %get3A_1125 = arith.index_cast %get3A_1124 : i32 to index
    %get3A_1126 = arith.constant 96 : index
    %get3A_1127 = tpu.vector_load %arg9[%get3A_1125, %get3A_1126] {strides = array<i32>} : memref<32x128xf32, #tpu.memory_space<vmem>>, vector<16xf32>,
    %add3A_1128 = arith.addf %add3A_1123, %get3A_1127 : vector<16xf32>
    %get3A_1129 = arith.constant 17 : i32
    %get3A_1130 = arith.index_cast %get3A_1129 : i32 to index
    %get3A_1131 = arith.constant 96 : index
    %get3A_1132 = tpu.vector_load %arg9[%get3A_1130, %get3A_1131] {strides = array<i32>} : memref<32x128xf32, #tpu.memory_space<vmem>>, vector<16xf32>,
    %add3A_1133 = arith.addf %add3A_1128, %get3A_1132 : vector<16xf32>
    %get3A_1134 = arith.constant 18 : i32
    %get3A_1135 = arith.index_cast %get3A_1134 : i32 to index
    %get3A_1136 = arith.constant 96 : index
    %get3A_1137 = tpu.vector_load %arg9[%get3A_1135, %get3A_1136] {strides = array<i32>} : memref<32x128xf32, #tpu.memory_space<vmem>>, vector<16xf32>,
    %add3A_1138 = arith.addf %add3A_1133, %get3A_1137 : vector<16xf32>
    %get3A_1139 = arith.constant 19 : i32
    %get3A_1140 = arith.index_cast %get3A_1139 : i32 to index
    %get3A_1141 = arith.constant 96 : index
    %get3A_1142 = tpu.vector_load %arg9[%get3A_1140, %get3A_1141] {strides = array<i32>} : memref<32x128xf32, #tpu.memory_space<vmem>>, vector<16xf32>,
    %add3A_1143 = arith.addf %add3A_1138, %get3A_1142 : vector<16xf32>
    %get3A_1144 = arith.constant 20 : i32
    %get3A_1145 = arith.index_cast %get3A_1144 : i32 to index
    %get3A_1146 = arith.constant 96 : index
    %get3A_1147 = tpu.vector_load %arg9[%get3A_1145, %get3A_1146] {strides = array<i32>} : memref<32x128xf32, #tpu.memory_space<vmem>>, vector<16xf32>,
    %add3A_1148 = arith.addf %add3A_1143, %get3A_1147 : vector<16xf32>
    %get3A_1149 = arith.constant 21 : i32
    %get3A_1150 = arith.index_cast %get3A_1149 : i32 to index
    %get3A_1151 = arith.constant 96 : index
    %get3A_1152 = tpu.vector_load %arg9[%get3A_1150, %get3A_1151] {strides = array<i32>} : memref<32x128xf32, #tpu.memory_space<vmem>>, vector<16xf32>,
    %add3A_1153 = arith.addf %add3A_1148, %get3A_1152 : vector<16xf32>
    %get3A_1154 = arith.constant 22 : i32
    %get3A_1155 = arith.index_cast %get3A_1154 : i32 to index
    %get3A_1156 = arith.constant 96 : index
    %get3A_1157 = tpu.vector_load %arg9[%get3A_1155, %get3A_1156] {strides = array<i32>} : memref<32x128xf32, #tpu.memory_space<vmem>>, vector<16xf32>,
    %add3A_1158 = arith.addf %add3A_1153, %get3A_1157 : vector<16xf32>
    %get3A_1159 = arith.constant 23 : i32
    %get3A_1160 = arith.index_cast %get3A_1159 : i32 to index
    %get3A_1161 = arith.constant 96 : index
    %get3A_1162 = tpu.vector_load %arg9[%get3A_1160, %get3A_1161] {strides = array<i32>} : memref<32x128xf32, #tpu.memory_space<vmem>>, vector<16xf32>,
    %add3A_1163 = arith.addf %add3A_1158, %get3A_1162 : vector<16xf32>
    %get3A_1164 = arith.constant 24 : i32
    %get3A_1165 = arith.index_cast %get3A_1164 : i32 to index
    %get3A_1166 = arith.constant 96 : index
    %get3A_1167 = tpu.vector_load %arg9[%get3A_1165, %get3A_1166] {strides = array<i32>} : memref<32x128xf32, #tpu.memory_space<vmem>>, vector<16xf32>,
    %add3A_1168 = arith.addf %add3A_1163, %get3A_1167 : vector<16xf32>
    %get3A_1169 = arith.constant 25 : i32
    %get3A_1170 = arith.index_cast %get3A_1169 : i32 to index
    %get3A_1171 = arith.constant 96 : index
    %get3A_1172 = tpu.vector_load %arg9[%get3A_1170, %get3A_1171] {strides = array<i32>} : memref<32x128xf32, #tpu.memory_space<vmem>>, vector<16xf32>,
    %add3A_1173 = arith.addf %add3A_1168, %get3A_1172 : vector<16xf32>
    %get3A_1174 = arith.constant 26 : i32
    %get3A_1175 = arith.index_cast %get3A_1174 : i32 to index
    %get3A_1176 = arith.constant 96 : index
    %get3A_1177 = tpu.vector_load %arg9[%get3A_1175, %get3A_1176] {strides = array<i32>} : memref<32x128xf32, #tpu.memory_space<vmem>>, vector<16xf32>,
    %add3A_1178 = arith.addf %add3A_1173, %get3A_1177 : vector<16xf32>
    %get3A_1179 = arith.constant 27 : i32
    %get3A_1180 = arith.index_cast %get3A_1179 : i32 to index
    %get3A_1181 = arith.constant 96 : index
    %get3A_1182 = tpu.vector_load %arg9[%get3A_1180, %get3A_1181] {strides = array<i32>} : memref<32x128xf32, #tpu.memory_space<vmem>>, vector<16xf32>,
    %add3A_1183 = arith.addf %add3A_1178, %get3A_1182 : vector<16xf32>
    %get3A_1184 = arith.constant 28 : i32
    %get3A_1185 = arith.index_cast %get3A_1184 : i32 to index
    %get3A_1186 = arith.constant 96 : index
    %get3A_1187 = tpu.vector_load %arg9[%get3A_1185, %get3A_1186] {strides = array<i32>} : memref<32x128xf32, #tpu.memory_space<vmem>>, vector<16xf32>,
    %add3A_1188 = arith.addf %add3A_1183, %get3A_1187 : vector<16xf32>
    %get3A_1189 = arith.constant 29 : i32
    %get3A_1190 = arith.index_cast %get3A_1189 : i32 to index
    %get3A_1191 = arith.constant 96 : index
    %get3A_1192 = tpu.vector_load %arg9[%get3A_1190, %get3A_1191] {strides = array<i32>} : memref<32x128xf32, #tpu.memory_space<vmem>>, vector<16xf32>,
    %add3A_1193 = arith.addf %add3A_1188, %get3A_1192 : vector<16xf32>
    %get3A_1194 = arith.constant 30 : i32
    %get3A_1195 = arith.index_cast %get3A_1194 : i32 to index
    %get3A_1196 = arith.constant 96 : index
    %get3A_1197 = tpu.vector_load %arg9[%get3A_1195, %get3A_1196] {strides = array<i32>} : memref<32x128xf32, #tpu.memory_space<vmem>>, vector<16xf32>,
    %add3A_1198 = arith.addf %add3A_1193, %get3A_1197 : vector<16xf32>
    %get3A_1199 = arith.constant 31 : i32
    %get3A_1200 = arith.index_cast %get3A_1199 : i32 to index
    %get3A_1201 = arith.constant 96 : index
    %get3A_1202 = tpu.vector_load %arg9[%get3A_1200, %get3A_1201] {strides = array<i32>} : memref<32x128xf32, #tpu.memory_space<vmem>>, vector<16xf32>,
    %add3A_1203 = arith.addf %add3A_1198, %get3A_1202 : vector<16xf32>
    %add3A_1204 = arith.constant 96 : i32
    %add3A_1205 = arith.addi %mul3A_2, %add3A_1204 : i32
    %add3A_1206 = vector.broadcast %add3A_1205 : i32 to vector<16xi32>
    %add3A_1207 = arith.addi %add3A_1206, %iota3A : vector<16xi32>
    %mul3A_1208 = arith.constant 4097 : i32
    %mul3A_1209 = vector.broadcast %mul3A_1208 : i32 to vector<16xi32>
    %mul3A_1210 = arith.muli %add3A_1207, %mul3A_1209 : vector<16xi32>
    %swap3A_1211 = arith.constant 16 : i32
    %swap3A_1212 = arith.index_cast %swap3A_1211 : i32 to index
    %swap3A_1213 = arith.constant 96 : index
    %swap3A_1214 = tpu.vector_load %arg7[%swap3A_1212, %swap3A_1213] {strides = array<i32>} : memref<17x128xi32, #tpu.memory_space<vmem>>, vector<16xi32>,
    tpu.vector_store %arg7[%swap3A_1212, %swap3A_1213], %mul3A_1210 {strides = array<i32>} : memref<17x128xi32, #tpu.memory_space<vmem>>, vector<16xi32>,
    %swap3A_1215 = arith.constant 16 : i32
    %swap3A_1216 = arith.index_cast %swap3A_1215 : i32 to index
    %swap3A_1217 = arith.constant 96 : index
    %swap3A_1218 = tpu.vector_load %arg8[%swap3A_1216, %swap3A_1217] {strides = array<i32>} : memref<17x128xf32, #tpu.memory_space<vmem>>, vector<16xf32>,
    tpu.vector_store %arg8[%swap3A_1216, %swap3A_1217], %add3A_1203 {strides = array<i32>} : memref<17x128xf32, #tpu.memory_space<vmem>>, vector<16xf32>,
    %get3A_1219 = arith.constant 0 : i32
    %get3A_1220 = arith.index_cast %get3A_1219 : i32 to index
    %get3A_1221 = arith.constant 112 : index
    %get3A_1222 = tpu.vector_load %arg9[%get3A_1220, %get3A_1221] {strides = array<i32>} : memref<32x128xf32, #tpu.memory_space<vmem>>, vector<16xf32>,
    %get3A_1223 = arith.constant 1 : i32
    %get3A_1224 = arith.index_cast %get3A_1223 : i32 to index
    %get3A_1225 = arith.constant 112 : index
    %get3A_1226 = tpu.vector_load %arg9[%get3A_1224, %get3A_1225] {strides = array<i32>} : memref<32x128xf32, #tpu.memory_space<vmem>>, vector<16xf32>,
    %add3A_1227 = arith.addf %get3A_1222, %get3A_1226 : vector<16xf32>
    %get3A_1228 = arith.constant 2 : i32
    %get3A_1229 = arith.index_cast %get3A_1228 : i32 to index
    %get3A_1230 = arith.constant 112 : index
    %get3A_1231 = tpu.vector_load %arg9[%get3A_1229, %get3A_1230] {strides = array<i32>} : memref<32x128xf32, #tpu.memory_space<vmem>>, vector<16xf32>,
    %add3A_1232 = arith.addf %add3A_1227, %get3A_1231 : vector<16xf32>
    %get3A_1233 = arith.constant 3 : i32
    %get3A_1234 = arith.index_cast %get3A_1233 : i32 to index
    %get3A_1235 = arith.constant 112 : index
    %get3A_1236 = tpu.vector_load %arg9[%get3A_1234, %get3A_1235] {strides = array<i32>} : memref<32x128xf32, #tpu.memory_space<vmem>>, vector<16xf32>,
    %add3A_1237 = arith.addf %add3A_1232, %get3A_1236 : vector<16xf32>
    %get3A_1238 = arith.constant 4 : i32
    %get3A_1239 = arith.index_cast %get3A_1238 : i32 to index
    %get3A_1240 = arith.constant 112 : index
    %get3A_1241 = tpu.vector_load %arg9[%get3A_1239, %get3A_1240] {strides = array<i32>} : memref<32x128xf32, #tpu.memory_space<vmem>>, vector<16xf32>,
    %add3A_1242 = arith.addf %add3A_1237, %get3A_1241 : vector<16xf32>
    %get3A_1243 = arith.constant 5 : i32
    %get3A_1244 = arith.index_cast %get3A_1243 : i32 to index
    %get3A_1245 = arith.constant 112 : index
    %get3A_1246 = tpu.vector_load %arg9[%get3A_1244, %get3A_1245] {strides = array<i32>} : memref<32x128xf32, #tpu.memory_space<vmem>>, vector<16xf32>,
    %add3A_1247 = arith.addf %add3A_1242, %get3A_1246 : vector<16xf32>
    %get3A_1248 = arith.constant 6 : i32
    %get3A_1249 = arith.index_cast %get3A_1248 : i32 to index
    %get3A_1250 = arith.constant 112 : index
    %get3A_1251 = tpu.vector_load %arg9[%get3A_1249, %get3A_1250] {strides = array<i32>} : memref<32x128xf32, #tpu.memory_space<vmem>>, vector<16xf32>,
    %add3A_1252 = arith.addf %add3A_1247, %get3A_1251 : vector<16xf32>
    %get3A_1253 = arith.constant 7 : i32
    %get3A_1254 = arith.index_cast %get3A_1253 : i32 to index
    %get3A_1255 = arith.constant 112 : index
    %get3A_1256 = tpu.vector_load %arg9[%get3A_1254, %get3A_1255] {strides = array<i32>} : memref<32x128xf32, #tpu.memory_space<vmem>>, vector<16xf32>,
    %add3A_1257 = arith.addf %add3A_1252, %get3A_1256 : vector<16xf32>
    %get3A_1258 = arith.constant 8 : i32
    %get3A_1259 = arith.index_cast %get3A_1258 : i32 to index
    %get3A_1260 = arith.constant 112 : index
    %get3A_1261 = tpu.vector_load %arg9[%get3A_1259, %get3A_1260] {strides = array<i32>} : memref<32x128xf32, #tpu.memory_space<vmem>>, vector<16xf32>,
    %add3A_1262 = arith.addf %add3A_1257, %get3A_1261 : vector<16xf32>
    %get3A_1263 = arith.constant 9 : i32
    %get3A_1264 = arith.index_cast %get3A_1263 : i32 to index
    %get3A_1265 = arith.constant 112 : index
    %get3A_1266 = tpu.vector_load %arg9[%get3A_1264, %get3A_1265] {strides = array<i32>} : memref<32x128xf32, #tpu.memory_space<vmem>>, vector<16xf32>,
    %add3A_1267 = arith.addf %add3A_1262, %get3A_1266 : vector<16xf32>
    %get3A_1268 = arith.constant 10 : i32
    %get3A_1269 = arith.index_cast %get3A_1268 : i32 to index
    %get3A_1270 = arith.constant 112 : index
    %get3A_1271 = tpu.vector_load %arg9[%get3A_1269, %get3A_1270] {strides = array<i32>} : memref<32x128xf32, #tpu.memory_space<vmem>>, vector<16xf32>,
    %add3A_1272 = arith.addf %add3A_1267, %get3A_1271 : vector<16xf32>
    %get3A_1273 = arith.constant 11 : i32
    %get3A_1274 = arith.index_cast %get3A_1273 : i32 to index
    %get3A_1275 = arith.constant 112 : index
    %get3A_1276 = tpu.vector_load %arg9[%get3A_1274, %get3A_1275] {strides = array<i32>} : memref<32x128xf32, #tpu.memory_space<vmem>>, vector<16xf32>,
    %add3A_1277 = arith.addf %add3A_1272, %get3A_1276 : vector<16xf32>
    %get3A_1278 = arith.constant 12 : i32
    %get3A_1279 = arith.index_cast %get3A_1278 : i32 to index
    %get3A_1280 = arith.constant 112 : index
    %get3A_1281 = tpu.vector_load %arg9[%get3A_1279, %get3A_1280] {strides = array<i32>} : memref<32x128xf32, #tpu.memory_space<vmem>>, vector<16xf32>,
    %add3A_1282 = arith.addf %add3A_1277, %get3A_1281 : vector<16xf32>
    %get3A_1283 = arith.constant 13 : i32
    %get3A_1284 = arith.index_cast %get3A_1283 : i32 to index
    %get3A_1285 = arith.constant 112 : index
    %get3A_1286 = tpu.vector_load %arg9[%get3A_1284, %get3A_1285] {strides = array<i32>} : memref<32x128xf32, #tpu.memory_space<vmem>>, vector<16xf32>,
    %add3A_1287 = arith.addf %add3A_1282, %get3A_1286 : vector<16xf32>
    %get3A_1288 = arith.constant 14 : i32
    %get3A_1289 = arith.index_cast %get3A_1288 : i32 to index
    %get3A_1290 = arith.constant 112 : index
    %get3A_1291 = tpu.vector_load %arg9[%get3A_1289, %get3A_1290] {strides = array<i32>} : memref<32x128xf32, #tpu.memory_space<vmem>>, vector<16xf32>,
    %add3A_1292 = arith.addf %add3A_1287, %get3A_1291 : vector<16xf32>
    %get3A_1293 = arith.constant 15 : i32
    %get3A_1294 = arith.index_cast %get3A_1293 : i32 to index
    %get3A_1295 = arith.constant 112 : index
    %get3A_1296 = tpu.vector_load %arg9[%get3A_1294, %get3A_1295] {strides = array<i32>} : memref<32x128xf32, #tpu.memory_space<vmem>>, vector<16xf32>,
    %add3A_1297 = arith.addf %add3A_1292, %get3A_1296 : vector<16xf32>
    %get3A_1298 = arith.constant 16 : i32
    %get3A_1299 = arith.index_cast %get3A_1298 : i32 to index
    %get3A_1300 = arith.constant 112 : index
    %get3A_1301 = tpu.vector_load %arg9[%get3A_1299, %get3A_1300] {strides = array<i32>} : memref<32x128xf32, #tpu.memory_space<vmem>>, vector<16xf32>,
    %add3A_1302 = arith.addf %add3A_1297, %get3A_1301 : vector<16xf32>
    %get3A_1303 = arith.constant 17 : i32
    %get3A_1304 = arith.index_cast %get3A_1303 : i32 to index
    %get3A_1305 = arith.constant 112 : index
    %get3A_1306 = tpu.vector_load %arg9[%get3A_1304, %get3A_1305] {strides = array<i32>} : memref<32x128xf32, #tpu.memory_space<vmem>>, vector<16xf32>,
    %add3A_1307 = arith.addf %add3A_1302, %get3A_1306 : vector<16xf32>
    %get3A_1308 = arith.constant 18 : i32
    %get3A_1309 = arith.index_cast %get3A_1308 : i32 to index
    %get3A_1310 = arith.constant 112 : index
    %get3A_1311 = tpu.vector_load %arg9[%get3A_1309, %get3A_1310] {strides = array<i32>} : memref<32x128xf32, #tpu.memory_space<vmem>>, vector<16xf32>,
    %add3A_1312 = arith.addf %add3A_1307, %get3A_1311 : vector<16xf32>
    %get3A_1313 = arith.constant 19 : i32
    %get3A_1314 = arith.index_cast %get3A_1313 : i32 to index
    %get3A_1315 = arith.constant 112 : index
    %get3A_1316 = tpu.vector_load %arg9[%get3A_1314, %get3A_1315] {strides = array<i32>} : memref<32x128xf32, #tpu.memory_space<vmem>>, vector<16xf32>,
    %add3A_1317 = arith.addf %add3A_1312, %get3A_1316 : vector<16xf32>
    %get3A_1318 = arith.constant 20 : i32
    %get3A_1319 = arith.index_cast %get3A_1318 : i32 to index
    %get3A_1320 = arith.constant 112 : index
    %get3A_1321 = tpu.vector_load %arg9[%get3A_1319, %get3A_1320] {strides = array<i32>} : memref<32x128xf32, #tpu.memory_space<vmem>>, vector<16xf32>,
    %add3A_1322 = arith.addf %add3A_1317, %get3A_1321 : vector<16xf32>
    %get3A_1323 = arith.constant 21 : i32
    %get3A_1324 = arith.index_cast %get3A_1323 : i32 to index
    %get3A_1325 = arith.constant 112 : index
    %get3A_1326 = tpu.vector_load %arg9[%get3A_1324, %get3A_1325] {strides = array<i32>} : memref<32x128xf32, #tpu.memory_space<vmem>>, vector<16xf32>,
    %add3A_1327 = arith.addf %add3A_1322, %get3A_1326 : vector<16xf32>
    %get3A_1328 = arith.constant 22 : i32
    %get3A_1329 = arith.index_cast %get3A_1328 : i32 to index
    %get3A_1330 = arith.constant 112 : index
    %get3A_1331 = tpu.vector_load %arg9[%get3A_1329, %get3A_1330] {strides = array<i32>} : memref<32x128xf32, #tpu.memory_space<vmem>>, vector<16xf32>,
    %add3A_1332 = arith.addf %add3A_1327, %get3A_1331 : vector<16xf32>
    %get3A_1333 = arith.constant 23 : i32
    %get3A_1334 = arith.index_cast %get3A_1333 : i32 to index
    %get3A_1335 = arith.constant 112 : index
    %get3A_1336 = tpu.vector_load %arg9[%get3A_1334, %get3A_1335] {strides = array<i32>} : memref<32x128xf32, #tpu.memory_space<vmem>>, vector<16xf32>,
    %add3A_1337 = arith.addf %add3A_1332, %get3A_1336 : vector<16xf32>
    %get3A_1338 = arith.constant 24 : i32
    %get3A_1339 = arith.index_cast %get3A_1338 : i32 to index
    %get3A_1340 = arith.constant 112 : index
    %get3A_1341 = tpu.vector_load %arg9[%get3A_1339, %get3A_1340] {strides = array<i32>} : memref<32x128xf32, #tpu.memory_space<vmem>>, vector<16xf32>,
    %add3A_1342 = arith.addf %add3A_1337, %get3A_1341 : vector<16xf32>
    %get3A_1343 = arith.constant 25 : i32
    %get3A_1344 = arith.index_cast %get3A_1343 : i32 to index
    %get3A_1345 = arith.constant 112 : index
    %get3A_1346 = tpu.vector_load %arg9[%get3A_1344, %get3A_1345] {strides = array<i32>} : memref<32x128xf32, #tpu.memory_space<vmem>>, vector<16xf32>,
    %add3A_1347 = arith.addf %add3A_1342, %get3A_1346 : vector<16xf32>
    %get3A_1348 = arith.constant 26 : i32
    %get3A_1349 = arith.index_cast %get3A_1348 : i32 to index
    %get3A_1350 = arith.constant 112 : index
    %get3A_1351 = tpu.vector_load %arg9[%get3A_1349, %get3A_1350] {strides = array<i32>} : memref<32x128xf32, #tpu.memory_space<vmem>>, vector<16xf32>,
    %add3A_1352 = arith.addf %add3A_1347, %get3A_1351 : vector<16xf32>
    %get3A_1353 = arith.constant 27 : i32
    %get3A_1354 = arith.index_cast %get3A_1353 : i32 to index
    %get3A_1355 = arith.constant 112 : index
    %get3A_1356 = tpu.vector_load %arg9[%get3A_1354, %get3A_1355] {strides = array<i32>} : memref<32x128xf32, #tpu.memory_space<vmem>>, vector<16xf32>,
    %add3A_1357 = arith.addf %add3A_1352, %get3A_1356 : vector<16xf32>
    %get3A_1358 = arith.constant 28 : i32
    %get3A_1359 = arith.index_cast %get3A_1358 : i32 to index
    %get3A_1360 = arith.constant 112 : index
    %get3A_1361 = tpu.vector_load %arg9[%get3A_1359, %get3A_1360] {strides = array<i32>} : memref<32x128xf32, #tpu.memory_space<vmem>>, vector<16xf32>,
    %add3A_1362 = arith.addf %add3A_1357, %get3A_1361 : vector<16xf32>
    %get3A_1363 = arith.constant 29 : i32
    %get3A_1364 = arith.index_cast %get3A_1363 : i32 to index
    %get3A_1365 = arith.constant 112 : index
    %get3A_1366 = tpu.vector_load %arg9[%get3A_1364, %get3A_1365] {strides = array<i32>} : memref<32x128xf32, #tpu.memory_space<vmem>>, vector<16xf32>,
    %add3A_1367 = arith.addf %add3A_1362, %get3A_1366 : vector<16xf32>
    %get3A_1368 = arith.constant 30 : i32
    %get3A_1369 = arith.index_cast %get3A_1368 : i32 to index
    %get3A_1370 = arith.constant 112 : index
    %get3A_1371 = tpu.vector_load %arg9[%get3A_1369, %get3A_1370] {strides = array<i32>} : memref<32x128xf32, #tpu.memory_space<vmem>>, vector<16xf32>,
    %add3A_1372 = arith.addf %add3A_1367, %get3A_1371 : vector<16xf32>
    %get3A_1373 = arith.constant 31 : i32
    %get3A_1374 = arith.index_cast %get3A_1373 : i32 to index
    %get3A_1375 = arith.constant 112 : index
    %get3A_1376 = tpu.vector_load %arg9[%get3A_1374, %get3A_1375] {strides = array<i32>} : memref<32x128xf32, #tpu.memory_space<vmem>>, vector<16xf32>,
    %add3A_1377 = arith.addf %add3A_1372, %get3A_1376 : vector<16xf32>
    %add3A_1378 = arith.constant 112 : i32
    %add3A_1379 = arith.addi %mul3A_2, %add3A_1378 : i32
    %add3A_1380 = vector.broadcast %add3A_1379 : i32 to vector<16xi32>
    %add3A_1381 = arith.addi %add3A_1380, %iota3A : vector<16xi32>
    %mul3A_1382 = arith.constant 4097 : i32
    %mul3A_1383 = vector.broadcast %mul3A_1382 : i32 to vector<16xi32>
    %mul3A_1384 = arith.muli %add3A_1381, %mul3A_1383 : vector<16xi32>
    %swap3A_1385 = arith.constant 16 : i32
    %swap3A_1386 = arith.index_cast %swap3A_1385 : i32 to index
    %swap3A_1387 = arith.constant 112 : index
    %swap3A_1388 = tpu.vector_load %arg7[%swap3A_1386, %swap3A_1387] {strides = array<i32>} : memref<17x128xi32, #tpu.memory_space<vmem>>, vector<16xi32>,
    tpu.vector_store %arg7[%swap3A_1386, %swap3A_1387], %mul3A_1384 {strides = array<i32>} : memref<17x128xi32, #tpu.memory_space<vmem>>, vector<16xi32>,
    %swap3A_1389 = arith.constant 16 : i32
    %swap3A_1390 = arith.index_cast %swap3A_1389 : i32 to index
    %swap3A_1391 = arith.constant 112 : index
    %swap3A_1392 = tpu.vector_load %arg8[%swap3A_1390, %swap3A_1391] {strides = array<i32>} : memref<17x128xf32, #tpu.memory_space<vmem>>, vector<16xf32>,
    tpu.vector_store %arg8[%swap3A_1390, %swap3A_1391], %add3A_1377 {strides = array<i32>} : memref<17x128xf32, #tpu.memory_space<vmem>>, vector<16xf32>,
    %dma_start3A = arith.constant 0 : i32
    %dma_start3A_1393 = arith.constant 0 : i32
    %dma_start3A_1394 = arith.constant 0 : i32
    %dma_start3A_1395 = tpu.memref_slice %arg8[%dma_start3A, %dma_start3A_1394] : memref<17x128xf32, #tpu.memory_space<vmem>> -> memref<1x128xf32, #tpu.memory_space<vmem>>
    %dma_start3A_1396 = tpu.memref_squeeze %dma_start3A_1395 : memref<1x128xf32, #tpu.memory_space<vmem>> -> memref<128xf32, #tpu.memory_space<vmem>>
    %dma_start3A_1397 = arith.constant 0 : i32
    %dma_start3A_1398 = tpu.memref_slice %arg7[%dma_start3A_1393, %dma_start3A_1397] : memref<17x128xi32, #tpu.memory_space<vmem>> -> memref<1x128xi32, #tpu.memory_space<vmem>>
    %dma_start3A_1399 = tpu.memref_squeeze %dma_start3A_1398 : memref<1x128xi32, #tpu.memory_space<vmem>> -> memref<128xi32, #tpu.memory_space<vmem>>
    %dma_start3A_1400 = arith.constant 0 : i32
    %dma_start3A_1401 = tpu.memref_slice %arg2[%dma_start3A_1400] : memref<16777216xf32, #tpu.memory_space<hbm>> -> memref<16777216xf32, #tpu.memory_space<hbm>>
    tpu.enqueue_indirect_dma source(%dma_start3A_1396 : memref<128xf32, #tpu.memory_space<vmem>>) target(%dma_start3A_1401 : memref<16777216xf32, #tpu.memory_space<hbm>>) offsets(%dma_start3A_1399 : memref<128xi32, #tpu.memory_space<vmem>>) semaphore(%arg10 : memref<!tpu.dma_semaphore, #tpu.memory_space<semaphore_mem>>)
    %dma_start3A_1402 = arith.constant 1 : i32
    %dma_start3A_1403 = arith.constant 1 : i32
    %dma_start3A_1404 = arith.constant 0 : i32
    %dma_start3A_1405 = tpu.memref_slice %arg8[%dma_start3A_1402, %dma_start3A_1404] : memref<17x128xf32, #tpu.memory_space<vmem>> -> memref<1x128xf32, #tpu.memory_space<vmem>>
    %dma_start3A_1406 = tpu.memref_squeeze %dma_start3A_1405 : memref<1x128xf32, #tpu.memory_space<vmem>> -> memref<128xf32, #tpu.memory_space<vmem>>
    %dma_start3A_1407 = arith.constant 0 : i32
    %dma_start3A_1408 = tpu.memref_slice %arg7[%dma_start3A_1403, %dma_start3A_1407] : memref<17x128xi32, #tpu.memory_space<vmem>> -> memref<1x128xi32, #tpu.memory_space<vmem>>
    %dma_start3A_1409 = tpu.memref_squeeze %dma_start3A_1408 : memref<1x128xi32, #tpu.memory_space<vmem>> -> memref<128xi32, #tpu.memory_space<vmem>>
    %dma_start3A_1410 = arith.constant 0 : i32
    %dma_start3A_1411 = tpu.memref_slice %arg2[%dma_start3A_1410] : memref<16777216xf32, #tpu.memory_space<hbm>> -> memref<16777216xf32, #tpu.memory_space<hbm>>
    tpu.enqueue_indirect_dma source(%dma_start3A_1406 : memref<128xf32, #tpu.memory_space<vmem>>) target(%dma_start3A_1411 : memref<16777216xf32, #tpu.memory_space<hbm>>) offsets(%dma_start3A_1409 : memref<128xi32, #tpu.memory_space<vmem>>) semaphore(%arg10 : memref<!tpu.dma_semaphore, #tpu.memory_space<semaphore_mem>>)
    %dma_start3A_1412 = arith.constant 2 : i32
    %dma_start3A_1413 = arith.constant 2 : i32
    %dma_start3A_1414 = arith.constant 0 : i32
    %dma_start3A_1415 = tpu.memref_slice %arg8[%dma_start3A_1412, %dma_start3A_1414] : memref<17x128xf32, #tpu.memory_space<vmem>> -> memref<1x128xf32, #tpu.memory_space<vmem>>
    %dma_start3A_1416 = tpu.memref_squeeze %dma_start3A_1415 : memref<1x128xf32, #tpu.memory_space<vmem>> -> memref<128xf32, #tpu.memory_space<vmem>>
    %dma_start3A_1417 = arith.constant 0 : i32
    %dma_start3A_1418 = tpu.memref_slice %arg7[%dma_start3A_1413, %dma_start3A_1417] : memref<17x128xi32, #tpu.memory_space<vmem>> -> memref<1x128xi32, #tpu.memory_space<vmem>>
    %dma_start3A_1419 = tpu.memref_squeeze %dma_start3A_1418 : memref<1x128xi32, #tpu.memory_space<vmem>> -> memref<128xi32, #tpu.memory_space<vmem>>
    %dma_start3A_1420 = arith.constant 0 : i32
    %dma_start3A_1421 = tpu.memref_slice %arg2[%dma_start3A_1420] : memref<16777216xf32, #tpu.memory_space<hbm>> -> memref<16777216xf32, #tpu.memory_space<hbm>>
    tpu.enqueue_indirect_dma source(%dma_start3A_1416 : memref<128xf32, #tpu.memory_space<vmem>>) target(%dma_start3A_1421 : memref<16777216xf32, #tpu.memory_space<hbm>>) offsets(%dma_start3A_1419 : memref<128xi32, #tpu.memory_space<vmem>>) semaphore(%arg10 : memref<!tpu.dma_semaphore, #tpu.memory_space<semaphore_mem>>)
    %dma_start3A_1422 = arith.constant 3 : i32
    %dma_start3A_1423 = arith.constant 3 : i32
    %dma_start3A_1424 = arith.constant 0 : i32
    %dma_start3A_1425 = tpu.memref_slice %arg8[%dma_start3A_1422, %dma_start3A_1424] : memref<17x128xf32, #tpu.memory_space<vmem>> -> memref<1x128xf32, #tpu.memory_space<vmem>>
    %dma_start3A_1426 = tpu.memref_squeeze %dma_start3A_1425 : memref<1x128xf32, #tpu.memory_space<vmem>> -> memref<128xf32, #tpu.memory_space<vmem>>
    %dma_start3A_1427 = arith.constant 0 : i32
    %dma_start3A_1428 = tpu.memref_slice %arg7[%dma_start3A_1423, %dma_start3A_1427] : memref<17x128xi32, #tpu.memory_space<vmem>> -> memref<1x128xi32, #tpu.memory_space<vmem>>
    %dma_start3A_1429 = tpu.memref_squeeze %dma_start3A_1428 : memref<1x128xi32, #tpu.memory_space<vmem>> -> memref<128xi32, #tpu.memory_space<vmem>>
    %dma_start3A_1430 = arith.constant 0 : i32
    %dma_start3A_1431 = tpu.memref_slice %arg2[%dma_start3A_1430] : memref<16777216xf32, #tpu.memory_space<hbm>> -> memref<16777216xf32, #tpu.memory_space<hbm>>
    tpu.enqueue_indirect_dma source(%dma_start3A_1426 : memref<128xf32, #tpu.memory_space<vmem>>) target(%dma_start3A_1431 : memref<16777216xf32, #tpu.memory_space<hbm>>) offsets(%dma_start3A_1429 : memref<128xi32, #tpu.memory_space<vmem>>) semaphore(%arg10 : memref<!tpu.dma_semaphore, #tpu.memory_space<semaphore_mem>>)
    %dma_start3A_1432 = arith.constant 4 : i32
    %dma_start3A_1433 = arith.constant 4 : i32
    %dma_start3A_1434 = arith.constant 0 : i32
    %dma_start3A_1435 = tpu.memref_slice %arg8[%dma_start3A_1432, %dma_start3A_1434] : memref<17x128xf32, #tpu.memory_space<vmem>> -> memref<1x128xf32, #tpu.memory_space<vmem>>
    %dma_start3A_1436 = tpu.memref_squeeze %dma_start3A_1435 : memref<1x128xf32, #tpu.memory_space<vmem>> -> memref<128xf32, #tpu.memory_space<vmem>>
    %dma_start3A_1437 = arith.constant 0 : i32
    %dma_start3A_1438 = tpu.memref_slice %arg7[%dma_start3A_1433, %dma_start3A_1437] : memref<17x128xi32, #tpu.memory_space<vmem>> -> memref<1x128xi32, #tpu.memory_space<vmem>>
    %dma_start3A_1439 = tpu.memref_squeeze %dma_start3A_1438 : memref<1x128xi32, #tpu.memory_space<vmem>> -> memref<128xi32, #tpu.memory_space<vmem>>
    %dma_start3A_1440 = arith.constant 0 : i32
    %dma_start3A_1441 = tpu.memref_slice %arg2[%dma_start3A_1440] : memref<16777216xf32, #tpu.memory_space<hbm>> -> memref<16777216xf32, #tpu.memory_space<hbm>>
    tpu.enqueue_indirect_dma source(%dma_start3A_1436 : memref<128xf32, #tpu.memory_space<vmem>>) target(%dma_start3A_1441 : memref<16777216xf32, #tpu.memory_space<hbm>>) offsets(%dma_start3A_1439 : memref<128xi32, #tpu.memory_space<vmem>>) semaphore(%arg10 : memref<!tpu.dma_semaphore, #tpu.memory_space<semaphore_mem>>)
    %dma_start3A_1442 = arith.constant 5 : i32
    %dma_start3A_1443 = arith.constant 5 : i32
    %dma_start3A_1444 = arith.constant 0 : i32
    %dma_start3A_1445 = tpu.memref_slice %arg8[%dma_start3A_1442, %dma_start3A_1444] : memref<17x128xf32, #tpu.memory_space<vmem>> -> memref<1x128xf32, #tpu.memory_space<vmem>>
    %dma_start3A_1446 = tpu.memref_squeeze %dma_start3A_1445 : memref<1x128xf32, #tpu.memory_space<vmem>> -> memref<128xf32, #tpu.memory_space<vmem>>
    %dma_start3A_1447 = arith.constant 0 : i32
    %dma_start3A_1448 = tpu.memref_slice %arg7[%dma_start3A_1443, %dma_start3A_1447] : memref<17x128xi32, #tpu.memory_space<vmem>> -> memref<1x128xi32, #tpu.memory_space<vmem>>
    %dma_start3A_1449 = tpu.memref_squeeze %dma_start3A_1448 : memref<1x128xi32, #tpu.memory_space<vmem>> -> memref<128xi32, #tpu.memory_space<vmem>>
    %dma_start3A_1450 = arith.constant 0 : i32
    %dma_start3A_1451 = tpu.memref_slice %arg2[%dma_start3A_1450] : memref<16777216xf32, #tpu.memory_space<hbm>> -> memref<16777216xf32, #tpu.memory_space<hbm>>
    tpu.enqueue_indirect_dma source(%dma_start3A_1446 : memref<128xf32, #tpu.memory_space<vmem>>) target(%dma_start3A_1451 : memref<16777216xf32, #tpu.memory_space<hbm>>) offsets(%dma_start3A_1449 : memref<128xi32, #tpu.memory_space<vmem>>) semaphore(%arg10 : memref<!tpu.dma_semaphore, #tpu.memory_space<semaphore_mem>>)
    %dma_start3A_1452 = arith.constant 6 : i32
    %dma_start3A_1453 = arith.constant 6 : i32
    %dma_start3A_1454 = arith.constant 0 : i32
    %dma_start3A_1455 = tpu.memref_slice %arg8[%dma_start3A_1452, %dma_start3A_1454] : memref<17x128xf32, #tpu.memory_space<vmem>> -> memref<1x128xf32, #tpu.memory_space<vmem>>
    %dma_start3A_1456 = tpu.memref_squeeze %dma_start3A_1455 : memref<1x128xf32, #tpu.memory_space<vmem>> -> memref<128xf32, #tpu.memory_space<vmem>>
    %dma_start3A_1457 = arith.constant 0 : i32
    %dma_start3A_1458 = tpu.memref_slice %arg7[%dma_start3A_1453, %dma_start3A_1457] : memref<17x128xi32, #tpu.memory_space<vmem>> -> memref<1x128xi32, #tpu.memory_space<vmem>>
    %dma_start3A_1459 = tpu.memref_squeeze %dma_start3A_1458 : memref<1x128xi32, #tpu.memory_space<vmem>> -> memref<128xi32, #tpu.memory_space<vmem>>
    %dma_start3A_1460 = arith.constant 0 : i32
    %dma_start3A_1461 = tpu.memref_slice %arg2[%dma_start3A_1460] : memref<16777216xf32, #tpu.memory_space<hbm>> -> memref<16777216xf32, #tpu.memory_space<hbm>>
    tpu.enqueue_indirect_dma source(%dma_start3A_1456 : memref<128xf32, #tpu.memory_space<vmem>>) target(%dma_start3A_1461 : memref<16777216xf32, #tpu.memory_space<hbm>>) offsets(%dma_start3A_1459 : memref<128xi32, #tpu.memory_space<vmem>>) semaphore(%arg10 : memref<!tpu.dma_semaphore, #tpu.memory_space<semaphore_mem>>)
    %dma_start3A_1462 = arith.constant 7 : i32
    %dma_start3A_1463 = arith.constant 7 : i32
    %dma_start3A_1464 = arith.constant 0 : i32
    %dma_start3A_1465 = tpu.memref_slice %arg8[%dma_start3A_1462, %dma_start3A_1464] : memref<17x128xf32, #tpu.memory_space<vmem>> -> memref<1x128xf32, #tpu.memory_space<vmem>>
    %dma_start3A_1466 = tpu.memref_squeeze %dma_start3A_1465 : memref<1x128xf32, #tpu.memory_space<vmem>> -> memref<128xf32, #tpu.memory_space<vmem>>
    %dma_start3A_1467 = arith.constant 0 : i32
    %dma_start3A_1468 = tpu.memref_slice %arg7[%dma_start3A_1463, %dma_start3A_1467] : memref<17x128xi32, #tpu.memory_space<vmem>> -> memref<1x128xi32, #tpu.memory_space<vmem>>
    %dma_start3A_1469 = tpu.memref_squeeze %dma_start3A_1468 : memref<1x128xi32, #tpu.memory_space<vmem>> -> memref<128xi32, #tpu.memory_space<vmem>>
    %dma_start3A_1470 = arith.constant 0 : i32
    %dma_start3A_1471 = tpu.memref_slice %arg2[%dma_start3A_1470] : memref<16777216xf32, #tpu.memory_space<hbm>> -> memref<16777216xf32, #tpu.memory_space<hbm>>
    tpu.enqueue_indirect_dma source(%dma_start3A_1466 : memref<128xf32, #tpu.memory_space<vmem>>) target(%dma_start3A_1471 : memref<16777216xf32, #tpu.memory_space<hbm>>) offsets(%dma_start3A_1469 : memref<128xi32, #tpu.memory_space<vmem>>) semaphore(%arg10 : memref<!tpu.dma_semaphore, #tpu.memory_space<semaphore_mem>>)
    %dma_start3A_1472 = arith.constant 8 : i32
    %dma_start3A_1473 = arith.constant 8 : i32
    %dma_start3A_1474 = arith.constant 0 : i32
    %dma_start3A_1475 = tpu.memref_slice %arg8[%dma_start3A_1472, %dma_start3A_1474] : memref<17x128xf32, #tpu.memory_space<vmem>> -> memref<1x128xf32, #tpu.memory_space<vmem>>
    %dma_start3A_1476 = tpu.memref_squeeze %dma_start3A_1475 : memref<1x128xf32, #tpu.memory_space<vmem>> -> memref<128xf32, #tpu.memory_space<vmem>>
    %dma_start3A_1477 = arith.constant 0 : i32
    %dma_start3A_1478 = tpu.memref_slice %arg7[%dma_start3A_1473, %dma_start3A_1477] : memref<17x128xi32, #tpu.memory_space<vmem>> -> memref<1x128xi32, #tpu.memory_space<vmem>>
    %dma_start3A_1479 = tpu.memref_squeeze %dma_start3A_1478 : memref<1x128xi32, #tpu.memory_space<vmem>> -> memref<128xi32, #tpu.memory_space<vmem>>
    %dma_start3A_1480 = arith.constant 0 : i32
    %dma_start3A_1481 = tpu.memref_slice %arg2[%dma_start3A_1480] : memref<16777216xf32, #tpu.memory_space<hbm>> -> memref<16777216xf32, #tpu.memory_space<hbm>>
    tpu.enqueue_indirect_dma source(%dma_start3A_1476 : memref<128xf32, #tpu.memory_space<vmem>>) target(%dma_start3A_1481 : memref<16777216xf32, #tpu.memory_space<hbm>>) offsets(%dma_start3A_1479 : memref<128xi32, #tpu.memory_space<vmem>>) semaphore(%arg10 : memref<!tpu.dma_semaphore, #tpu.memory_space<semaphore_mem>>)
    %dma_start3A_1482 = arith.constant 9 : i32
    %dma_start3A_1483 = arith.constant 9 : i32
    %dma_start3A_1484 = arith.constant 0 : i32
    %dma_start3A_1485 = tpu.memref_slice %arg8[%dma_start3A_1482, %dma_start3A_1484] : memref<17x128xf32, #tpu.memory_space<vmem>> -> memref<1x128xf32, #tpu.memory_space<vmem>>
    %dma_start3A_1486 = tpu.memref_squeeze %dma_start3A_1485 : memref<1x128xf32, #tpu.memory_space<vmem>> -> memref<128xf32, #tpu.memory_space<vmem>>
    %dma_start3A_1487 = arith.constant 0 : i32
    %dma_start3A_1488 = tpu.memref_slice %arg7[%dma_start3A_1483, %dma_start3A_1487] : memref<17x128xi32, #tpu.memory_space<vmem>> -> memref<1x128xi32, #tpu.memory_space<vmem>>
    %dma_start3A_1489 = tpu.memref_squeeze %dma_start3A_1488 : memref<1x128xi32, #tpu.memory_space<vmem>> -> memref<128xi32, #tpu.memory_space<vmem>>
    %dma_start3A_1490 = arith.constant 0 : i32
    %dma_start3A_1491 = tpu.memref_slice %arg2[%dma_start3A_1490] : memref<16777216xf32, #tpu.memory_space<hbm>> -> memref<16777216xf32, #tpu.memory_space<hbm>>
    tpu.enqueue_indirect_dma source(%dma_start3A_1486 : memref<128xf32, #tpu.memory_space<vmem>>) target(%dma_start3A_1491 : memref<16777216xf32, #tpu.memory_space<hbm>>) offsets(%dma_start3A_1489 : memref<128xi32, #tpu.memory_space<vmem>>) semaphore(%arg10 : memref<!tpu.dma_semaphore, #tpu.memory_space<semaphore_mem>>)
    %dma_start3A_1492 = arith.constant 10 : i32
    %dma_start3A_1493 = arith.constant 10 : i32
    %dma_start3A_1494 = arith.constant 0 : i32
    %dma_start3A_1495 = tpu.memref_slice %arg8[%dma_start3A_1492, %dma_start3A_1494] : memref<17x128xf32, #tpu.memory_space<vmem>> -> memref<1x128xf32, #tpu.memory_space<vmem>>
    %dma_start3A_1496 = tpu.memref_squeeze %dma_start3A_1495 : memref<1x128xf32, #tpu.memory_space<vmem>> -> memref<128xf32, #tpu.memory_space<vmem>>
    %dma_start3A_1497 = arith.constant 0 : i32
    %dma_start3A_1498 = tpu.memref_slice %arg7[%dma_start3A_1493, %dma_start3A_1497] : memref<17x128xi32, #tpu.memory_space<vmem>> -> memref<1x128xi32, #tpu.memory_space<vmem>>
    %dma_start3A_1499 = tpu.memref_squeeze %dma_start3A_1498 : memref<1x128xi32, #tpu.memory_space<vmem>> -> memref<128xi32, #tpu.memory_space<vmem>>
    %dma_start3A_1500 = arith.constant 0 : i32
    %dma_start3A_1501 = tpu.memref_slice %arg2[%dma_start3A_1500] : memref<16777216xf32, #tpu.memory_space<hbm>> -> memref<16777216xf32, #tpu.memory_space<hbm>>
    tpu.enqueue_indirect_dma source(%dma_start3A_1496 : memref<128xf32, #tpu.memory_space<vmem>>) target(%dma_start3A_1501 : memref<16777216xf32, #tpu.memory_space<hbm>>) offsets(%dma_start3A_1499 : memref<128xi32, #tpu.memory_space<vmem>>) semaphore(%arg10 : memref<!tpu.dma_semaphore, #tpu.memory_space<semaphore_mem>>)
    %dma_start3A_1502 = arith.constant 11 : i32
    %dma_start3A_1503 = arith.constant 11 : i32
    %dma_start3A_1504 = arith.constant 0 : i32
    %dma_start3A_1505 = tpu.memref_slice %arg8[%dma_start3A_1502, %dma_start3A_1504] : memref<17x128xf32, #tpu.memory_space<vmem>> -> memref<1x128xf32, #tpu.memory_space<vmem>>
    %dma_start3A_1506 = tpu.memref_squeeze %dma_start3A_1505 : memref<1x128xf32, #tpu.memory_space<vmem>> -> memref<128xf32, #tpu.memory_space<vmem>>
    %dma_start3A_1507 = arith.constant 0 : i32
    %dma_start3A_1508 = tpu.memref_slice %arg7[%dma_start3A_1503, %dma_start3A_1507] : memref<17x128xi32, #tpu.memory_space<vmem>> -> memref<1x128xi32, #tpu.memory_space<vmem>>
    %dma_start3A_1509 = tpu.memref_squeeze %dma_start3A_1508 : memref<1x128xi32, #tpu.memory_space<vmem>> -> memref<128xi32, #tpu.memory_space<vmem>>
    %dma_start3A_1510 = arith.constant 0 : i32
    %dma_start3A_1511 = tpu.memref_slice %arg2[%dma_start3A_1510] : memref<16777216xf32, #tpu.memory_space<hbm>> -> memref<16777216xf32, #tpu.memory_space<hbm>>
    tpu.enqueue_indirect_dma source(%dma_start3A_1506 : memref<128xf32, #tpu.memory_space<vmem>>) target(%dma_start3A_1511 : memref<16777216xf32, #tpu.memory_space<hbm>>) offsets(%dma_start3A_1509 : memref<128xi32, #tpu.memory_space<vmem>>) semaphore(%arg10 : memref<!tpu.dma_semaphore, #tpu.memory_space<semaphore_mem>>)
    %dma_start3A_1512 = arith.constant 12 : i32
    %dma_start3A_1513 = arith.constant 12 : i32
    %dma_start3A_1514 = arith.constant 0 : i32
    %dma_start3A_1515 = tpu.memref_slice %arg8[%dma_start3A_1512, %dma_start3A_1514] : memref<17x128xf32, #tpu.memory_space<vmem>> -> memref<1x128xf32, #tpu.memory_space<vmem>>
    %dma_start3A_1516 = tpu.memref_squeeze %dma_start3A_1515 : memref<1x128xf32, #tpu.memory_space<vmem>> -> memref<128xf32, #tpu.memory_space<vmem>>
    %dma_start3A_1517 = arith.constant 0 : i32
    %dma_start3A_1518 = tpu.memref_slice %arg7[%dma_start3A_1513, %dma_start3A_1517] : memref<17x128xi32, #tpu.memory_space<vmem>> -> memref<1x128xi32, #tpu.memory_space<vmem>>
    %dma_start3A_1519 = tpu.memref_squeeze %dma_start3A_1518 : memref<1x128xi32, #tpu.memory_space<vmem>> -> memref<128xi32, #tpu.memory_space<vmem>>
    %dma_start3A_1520 = arith.constant 0 : i32
    %dma_start3A_1521 = tpu.memref_slice %arg2[%dma_start3A_1520] : memref<16777216xf32, #tpu.memory_space<hbm>> -> memref<16777216xf32, #tpu.memory_space<hbm>>
    tpu.enqueue_indirect_dma source(%dma_start3A_1516 : memref<128xf32, #tpu.memory_space<vmem>>) target(%dma_start3A_1521 : memref<16777216xf32, #tpu.memory_space<hbm>>) offsets(%dma_start3A_1519 : memref<128xi32, #tpu.memory_space<vmem>>) semaphore(%arg10 : memref<!tpu.dma_semaphore, #tpu.memory_space<semaphore_mem>>)
    %dma_start3A_1522 = arith.constant 13 : i32
    %dma_start3A_1523 = arith.constant 13 : i32
    %dma_start3A_1524 = arith.constant 0 : i32
    %dma_start3A_1525 = tpu.memref_slice %arg8[%dma_start3A_1522, %dma_start3A_1524] : memref<17x128xf32, #tpu.memory_space<vmem>> -> memref<1x128xf32, #tpu.memory_space<vmem>>
    %dma_start3A_1526 = tpu.memref_squeeze %dma_start3A_1525 : memref<1x128xf32, #tpu.memory_space<vmem>> -> memref<128xf32, #tpu.memory_space<vmem>>
    %dma_start3A_1527 = arith.constant 0 : i32
    %dma_start3A_1528 = tpu.memref_slice %arg7[%dma_start3A_1523, %dma_start3A_1527] : memref<17x128xi32, #tpu.memory_space<vmem>> -> memref<1x128xi32, #tpu.memory_space<vmem>>
    %dma_start3A_1529 = tpu.memref_squeeze %dma_start3A_1528 : memref<1x128xi32, #tpu.memory_space<vmem>> -> memref<128xi32, #tpu.memory_space<vmem>>
    %dma_start3A_1530 = arith.constant 0 : i32
    %dma_start3A_1531 = tpu.memref_slice %arg2[%dma_start3A_1530] : memref<16777216xf32, #tpu.memory_space<hbm>> -> memref<16777216xf32, #tpu.memory_space<hbm>>
    tpu.enqueue_indirect_dma source(%dma_start3A_1526 : memref<128xf32, #tpu.memory_space<vmem>>) target(%dma_start3A_1531 : memref<16777216xf32, #tpu.memory_space<hbm>>) offsets(%dma_start3A_1529 : memref<128xi32, #tpu.memory_space<vmem>>) semaphore(%arg10 : memref<!tpu.dma_semaphore, #tpu.memory_space<semaphore_mem>>)
    %dma_start3A_1532 = arith.constant 14 : i32
    %dma_start3A_1533 = arith.constant 14 : i32
    %dma_start3A_1534 = arith.constant 0 : i32
    %dma_start3A_1535 = tpu.memref_slice %arg8[%dma_start3A_1532, %dma_start3A_1534] : memref<17x128xf32, #tpu.memory_space<vmem>> -> memref<1x128xf32, #tpu.memory_space<vmem>>
    %dma_start3A_1536 = tpu.memref_squeeze %dma_start3A_1535 : memref<1x128xf32, #tpu.memory_space<vmem>> -> memref<128xf32, #tpu.memory_space<vmem>>
    %dma_start3A_1537 = arith.constant 0 : i32
    %dma_start3A_1538 = tpu.memref_slice %arg7[%dma_start3A_1533, %dma_start3A_1537] : memref<17x128xi32, #tpu.memory_space<vmem>> -> memref<1x128xi32, #tpu.memory_space<vmem>>
    %dma_start3A_1539 = tpu.memref_squeeze %dma_start3A_1538 : memref<1x128xi32, #tpu.memory_space<vmem>> -> memref<128xi32, #tpu.memory_space<vmem>>
    %dma_start3A_1540 = arith.constant 0 : i32
    %dma_start3A_1541 = tpu.memref_slice %arg2[%dma_start3A_1540] : memref<16777216xf32, #tpu.memory_space<hbm>> -> memref<16777216xf32, #tpu.memory_space<hbm>>
    tpu.enqueue_indirect_dma source(%dma_start3A_1536 : memref<128xf32, #tpu.memory_space<vmem>>) target(%dma_start3A_1541 : memref<16777216xf32, #tpu.memory_space<hbm>>) offsets(%dma_start3A_1539 : memref<128xi32, #tpu.memory_space<vmem>>) semaphore(%arg10 : memref<!tpu.dma_semaphore, #tpu.memory_space<semaphore_mem>>)
    %dma_start3A_1542 = arith.constant 15 : i32
    %dma_start3A_1543 = arith.constant 15 : i32
    %dma_start3A_1544 = arith.constant 0 : i32
    %dma_start3A_1545 = tpu.memref_slice %arg8[%dma_start3A_1542, %dma_start3A_1544] : memref<17x128xf32, #tpu.memory_space<vmem>> -> memref<1x128xf32, #tpu.memory_space<vmem>>
    %dma_start3A_1546 = tpu.memref_squeeze %dma_start3A_1545 : memref<1x128xf32, #tpu.memory_space<vmem>> -> memref<128xf32, #tpu.memory_space<vmem>>
    %dma_start3A_1547 = arith.constant 0 : i32
    %dma_start3A_1548 = tpu.memref_slice %arg7[%dma_start3A_1543, %dma_start3A_1547] : memref<17x128xi32, #tpu.memory_space<vmem>> -> memref<1x128xi32, #tpu.memory_space<vmem>>
    %dma_start3A_1549 = tpu.memref_squeeze %dma_start3A_1548 : memref<1x128xi32, #tpu.memory_space<vmem>> -> memref<128xi32, #tpu.memory_space<vmem>>
    %dma_start3A_1550 = arith.constant 0 : i32
    %dma_start3A_1551 = tpu.memref_slice %arg2[%dma_start3A_1550] : memref<16777216xf32, #tpu.memory_space<hbm>> -> memref<16777216xf32, #tpu.memory_space<hbm>>
    tpu.enqueue_indirect_dma source(%dma_start3A_1546 : memref<128xf32, #tpu.memory_space<vmem>>) target(%dma_start3A_1551 : memref<16777216xf32, #tpu.memory_space<hbm>>) offsets(%dma_start3A_1549 : memref<128xi32, #tpu.memory_space<vmem>>) semaphore(%arg10 : memref<!tpu.dma_semaphore, #tpu.memory_space<semaphore_mem>>)
    %dma_start3A_1552 = arith.constant 16 : i32
    %dma_start3A_1553 = arith.constant 16 : i32
    %dma_start3A_1554 = arith.constant 0 : i32
    %dma_start3A_1555 = tpu.memref_slice %arg8[%dma_start3A_1552, %dma_start3A_1554] : memref<17x128xf32, #tpu.memory_space<vmem>> -> memref<1x128xf32, #tpu.memory_space<vmem>>
    %dma_start3A_1556 = tpu.memref_squeeze %dma_start3A_1555 : memref<1x128xf32, #tpu.memory_space<vmem>> -> memref<128xf32, #tpu.memory_space<vmem>>
    %dma_start3A_1557 = arith.constant 0 : i32
    %dma_start3A_1558 = tpu.memref_slice %arg7[%dma_start3A_1553, %dma_start3A_1557] : memref<17x128xi32, #tpu.memory_space<vmem>> -> memref<1x128xi32, #tpu.memory_space<vmem>>
    %dma_start3A_1559 = tpu.memref_squeeze %dma_start3A_1558 : memref<1x128xi32, #tpu.memory_space<vmem>> -> memref<128xi32, #tpu.memory_space<vmem>>
    %dma_start3A_1560 = arith.constant 0 : i32
    %dma_start3A_1561 = tpu.memref_slice %arg2[%dma_start3A_1560] : memref<16777216xf32, #tpu.memory_space<hbm>> -> memref<16777216xf32, #tpu.memory_space<hbm>>
    tpu.enqueue_indirect_dma source(%dma_start3A_1556 : memref<128xf32, #tpu.memory_space<vmem>>) target(%dma_start3A_1561 : memref<16777216xf32, #tpu.memory_space<hbm>>) offsets(%dma_start3A_1559 : memref<128xi32, #tpu.memory_space<vmem>>) semaphore(%arg10 : memref<!tpu.dma_semaphore, #tpu.memory_space<semaphore_mem>>)
    %dma_wait3A = arith.constant 0 : i32
    %dma_wait3A_1562 = arith.constant 0 : i32
    %dma_wait3A_1563 = arith.constant 0 : i32
    %dma_wait3A_1564 = tpu.memref_slice %arg8[%dma_wait3A, %dma_wait3A_1563] : memref<17x128xf32, #tpu.memory_space<vmem>> -> memref<1x128xf32, #tpu.memory_space<vmem>>
    %dma_wait3A_1565 = tpu.memref_squeeze %dma_wait3A_1564 : memref<1x128xf32, #tpu.memory_space<vmem>> -> memref<128xf32, #tpu.memory_space<vmem>>
    %dma_wait3A_1566 = arith.constant 0 : i32
    %dma_wait3A_1567 = tpu.memref_slice %arg7[%dma_wait3A_1562, %dma_wait3A_1566] : memref<17x128xi32, #tpu.memory_space<vmem>> -> memref<1x128xi32, #tpu.memory_space<vmem>>
    %dma_wait3A_1568 = tpu.memref_squeeze %dma_wait3A_1567 : memref<1x128xi32, #tpu.memory_space<vmem>> -> memref<128xi32, #tpu.memory_space<vmem>>
    %dma_wait3A_1569 = arith.constant 0 : i32
    %dma_wait3A_1570 = tpu.memref_slice %arg2[%dma_wait3A_1569] : memref<16777216xf32, #tpu.memory_space<hbm>> -> memref<16777216xf32, #tpu.memory_space<hbm>>
    tpu.wait_indirect_dma semaphore(%arg10 : memref<!tpu.dma_semaphore, #tpu.memory_space<semaphore_mem>>) src(%dma_wait3A_1565 : memref<128xf32, #tpu.memory_space<vmem>>) dst(%dma_wait3A_1570 : memref<16777216xf32, #tpu.memory_space<hbm>>)
    %dma_wait3A_1571 = arith.constant 1 : i32
    %dma_wait3A_1572 = arith.constant 1 : i32
    %dma_wait3A_1573 = arith.constant 0 : i32
    %dma_wait3A_1574 = tpu.memref_slice %arg8[%dma_wait3A_1571, %dma_wait3A_1573] : memref<17x128xf32, #tpu.memory_space<vmem>> -> memref<1x128xf32, #tpu.memory_space<vmem>>
    %dma_wait3A_1575 = tpu.memref_squeeze %dma_wait3A_1574 : memref<1x128xf32, #tpu.memory_space<vmem>> -> memref<128xf32, #tpu.memory_space<vmem>>
    %dma_wait3A_1576 = arith.constant 0 : i32
    %dma_wait3A_1577 = tpu.memref_slice %arg7[%dma_wait3A_1572, %dma_wait3A_1576] : memref<17x128xi32, #tpu.memory_space<vmem>> -> memref<1x128xi32, #tpu.memory_space<vmem>>
    %dma_wait3A_1578 = tpu.memref_squeeze %dma_wait3A_1577 : memref<1x128xi32, #tpu.memory_space<vmem>> -> memref<128xi32, #tpu.memory_space<vmem>>
    %dma_wait3A_1579 = arith.constant 0 : i32
    %dma_wait3A_1580 = tpu.memref_slice %arg2[%dma_wait3A_1579] : memref<16777216xf32, #tpu.memory_space<hbm>> -> memref<16777216xf32, #tpu.memory_space<hbm>>
    tpu.wait_indirect_dma semaphore(%arg10 : memref<!tpu.dma_semaphore, #tpu.memory_space<semaphore_mem>>) src(%dma_wait3A_1575 : memref<128xf32, #tpu.memory_space<vmem>>) dst(%dma_wait3A_1580 : memref<16777216xf32, #tpu.memory_space<hbm>>)
    %dma_wait3A_1581 = arith.constant 2 : i32
    %dma_wait3A_1582 = arith.constant 2 : i32
    %dma_wait3A_1583 = arith.constant 0 : i32
    %dma_wait3A_1584 = tpu.memref_slice %arg8[%dma_wait3A_1581, %dma_wait3A_1583] : memref<17x128xf32, #tpu.memory_space<vmem>> -> memref<1x128xf32, #tpu.memory_space<vmem>>
    %dma_wait3A_1585 = tpu.memref_squeeze %dma_wait3A_1584 : memref<1x128xf32, #tpu.memory_space<vmem>> -> memref<128xf32, #tpu.memory_space<vmem>>
    %dma_wait3A_1586 = arith.constant 0 : i32
    %dma_wait3A_1587 = tpu.memref_slice %arg7[%dma_wait3A_1582, %dma_wait3A_1586] : memref<17x128xi32, #tpu.memory_space<vmem>> -> memref<1x128xi32, #tpu.memory_space<vmem>>
    %dma_wait3A_1588 = tpu.memref_squeeze %dma_wait3A_1587 : memref<1x128xi32, #tpu.memory_space<vmem>> -> memref<128xi32, #tpu.memory_space<vmem>>
    %dma_wait3A_1589 = arith.constant 0 : i32
    %dma_wait3A_1590 = tpu.memref_slice %arg2[%dma_wait3A_1589] : memref<16777216xf32, #tpu.memory_space<hbm>> -> memref<16777216xf32, #tpu.memory_space<hbm>>
    tpu.wait_indirect_dma semaphore(%arg10 : memref<!tpu.dma_semaphore, #tpu.memory_space<semaphore_mem>>) src(%dma_wait3A_1585 : memref<128xf32, #tpu.memory_space<vmem>>) dst(%dma_wait3A_1590 : memref<16777216xf32, #tpu.memory_space<hbm>>)
    %dma_wait3A_1591 = arith.constant 3 : i32
    %dma_wait3A_1592 = arith.constant 3 : i32
    %dma_wait3A_1593 = arith.constant 0 : i32
    %dma_wait3A_1594 = tpu.memref_slice %arg8[%dma_wait3A_1591, %dma_wait3A_1593] : memref<17x128xf32, #tpu.memory_space<vmem>> -> memref<1x128xf32, #tpu.memory_space<vmem>>
    %dma_wait3A_1595 = tpu.memref_squeeze %dma_wait3A_1594 : memref<1x128xf32, #tpu.memory_space<vmem>> -> memref<128xf32, #tpu.memory_space<vmem>>
    %dma_wait3A_1596 = arith.constant 0 : i32
    %dma_wait3A_1597 = tpu.memref_slice %arg7[%dma_wait3A_1592, %dma_wait3A_1596] : memref<17x128xi32, #tpu.memory_space<vmem>> -> memref<1x128xi32, #tpu.memory_space<vmem>>
    %dma_wait3A_1598 = tpu.memref_squeeze %dma_wait3A_1597 : memref<1x128xi32, #tpu.memory_space<vmem>> -> memref<128xi32, #tpu.memory_space<vmem>>
    %dma_wait3A_1599 = arith.constant 0 : i32
    %dma_wait3A_1600 = tpu.memref_slice %arg2[%dma_wait3A_1599] : memref<16777216xf32, #tpu.memory_space<hbm>> -> memref<16777216xf32, #tpu.memory_space<hbm>>
    tpu.wait_indirect_dma semaphore(%arg10 : memref<!tpu.dma_semaphore, #tpu.memory_space<semaphore_mem>>) src(%dma_wait3A_1595 : memref<128xf32, #tpu.memory_space<vmem>>) dst(%dma_wait3A_1600 : memref<16777216xf32, #tpu.memory_space<hbm>>)
    %dma_wait3A_1601 = arith.constant 4 : i32
    %dma_wait3A_1602 = arith.constant 4 : i32
    %dma_wait3A_1603 = arith.constant 0 : i32
    %dma_wait3A_1604 = tpu.memref_slice %arg8[%dma_wait3A_1601, %dma_wait3A_1603] : memref<17x128xf32, #tpu.memory_space<vmem>> -> memref<1x128xf32, #tpu.memory_space<vmem>>
    %dma_wait3A_1605 = tpu.memref_squeeze %dma_wait3A_1604 : memref<1x128xf32, #tpu.memory_space<vmem>> -> memref<128xf32, #tpu.memory_space<vmem>>
    %dma_wait3A_1606 = arith.constant 0 : i32
    %dma_wait3A_1607 = tpu.memref_slice %arg7[%dma_wait3A_1602, %dma_wait3A_1606] : memref<17x128xi32, #tpu.memory_space<vmem>> -> memref<1x128xi32, #tpu.memory_space<vmem>>
    %dma_wait3A_1608 = tpu.memref_squeeze %dma_wait3A_1607 : memref<1x128xi32, #tpu.memory_space<vmem>> -> memref<128xi32, #tpu.memory_space<vmem>>
    %dma_wait3A_1609 = arith.constant 0 : i32
    %dma_wait3A_1610 = tpu.memref_slice %arg2[%dma_wait3A_1609] : memref<16777216xf32, #tpu.memory_space<hbm>> -> memref<16777216xf32, #tpu.memory_space<hbm>>
    tpu.wait_indirect_dma semaphore(%arg10 : memref<!tpu.dma_semaphore, #tpu.memory_space<semaphore_mem>>) src(%dma_wait3A_1605 : memref<128xf32, #tpu.memory_space<vmem>>) dst(%dma_wait3A_1610 : memref<16777216xf32, #tpu.memory_space<hbm>>)
    %dma_wait3A_1611 = arith.constant 5 : i32
    %dma_wait3A_1612 = arith.constant 5 : i32
    %dma_wait3A_1613 = arith.constant 0 : i32
    %dma_wait3A_1614 = tpu.memref_slice %arg8[%dma_wait3A_1611, %dma_wait3A_1613] : memref<17x128xf32, #tpu.memory_space<vmem>> -> memref<1x128xf32, #tpu.memory_space<vmem>>
    %dma_wait3A_1615 = tpu.memref_squeeze %dma_wait3A_1614 : memref<1x128xf32, #tpu.memory_space<vmem>> -> memref<128xf32, #tpu.memory_space<vmem>>
    %dma_wait3A_1616 = arith.constant 0 : i32
    %dma_wait3A_1617 = tpu.memref_slice %arg7[%dma_wait3A_1612, %dma_wait3A_1616] : memref<17x128xi32, #tpu.memory_space<vmem>> -> memref<1x128xi32, #tpu.memory_space<vmem>>
    %dma_wait3A_1618 = tpu.memref_squeeze %dma_wait3A_1617 : memref<1x128xi32, #tpu.memory_space<vmem>> -> memref<128xi32, #tpu.memory_space<vmem>>
    %dma_wait3A_1619 = arith.constant 0 : i32
    %dma_wait3A_1620 = tpu.memref_slice %arg2[%dma_wait3A_1619] : memref<16777216xf32, #tpu.memory_space<hbm>> -> memref<16777216xf32, #tpu.memory_space<hbm>>
    tpu.wait_indirect_dma semaphore(%arg10 : memref<!tpu.dma_semaphore, #tpu.memory_space<semaphore_mem>>) src(%dma_wait3A_1615 : memref<128xf32, #tpu.memory_space<vmem>>) dst(%dma_wait3A_1620 : memref<16777216xf32, #tpu.memory_space<hbm>>)
    %dma_wait3A_1621 = arith.constant 6 : i32
    %dma_wait3A_1622 = arith.constant 6 : i32
    %dma_wait3A_1623 = arith.constant 0 : i32
    %dma_wait3A_1624 = tpu.memref_slice %arg8[%dma_wait3A_1621, %dma_wait3A_1623] : memref<17x128xf32, #tpu.memory_space<vmem>> -> memref<1x128xf32, #tpu.memory_space<vmem>>
    %dma_wait3A_1625 = tpu.memref_squeeze %dma_wait3A_1624 : memref<1x128xf32, #tpu.memory_space<vmem>> -> memref<128xf32, #tpu.memory_space<vmem>>
    %dma_wait3A_1626 = arith.constant 0 : i32
    %dma_wait3A_1627 = tpu.memref_slice %arg7[%dma_wait3A_1622, %dma_wait3A_1626] : memref<17x128xi32, #tpu.memory_space<vmem>> -> memref<1x128xi32, #tpu.memory_space<vmem>>
    %dma_wait3A_1628 = tpu.memref_squeeze %dma_wait3A_1627 : memref<1x128xi32, #tpu.memory_space<vmem>> -> memref<128xi32, #tpu.memory_space<vmem>>
    %dma_wait3A_1629 = arith.constant 0 : i32
    %dma_wait3A_1630 = tpu.memref_slice %arg2[%dma_wait3A_1629] : memref<16777216xf32, #tpu.memory_space<hbm>> -> memref<16777216xf32, #tpu.memory_space<hbm>>
    tpu.wait_indirect_dma semaphore(%arg10 : memref<!tpu.dma_semaphore, #tpu.memory_space<semaphore_mem>>) src(%dma_wait3A_1625 : memref<128xf32, #tpu.memory_space<vmem>>) dst(%dma_wait3A_1630 : memref<16777216xf32, #tpu.memory_space<hbm>>)
    %dma_wait3A_1631 = arith.constant 7 : i32
    %dma_wait3A_1632 = arith.constant 7 : i32
    %dma_wait3A_1633 = arith.constant 0 : i32
    %dma_wait3A_1634 = tpu.memref_slice %arg8[%dma_wait3A_1631, %dma_wait3A_1633] : memref<17x128xf32, #tpu.memory_space<vmem>> -> memref<1x128xf32, #tpu.memory_space<vmem>>
    %dma_wait3A_1635 = tpu.memref_squeeze %dma_wait3A_1634 : memref<1x128xf32, #tpu.memory_space<vmem>> -> memref<128xf32, #tpu.memory_space<vmem>>
    %dma_wait3A_1636 = arith.constant 0 : i32
    %dma_wait3A_1637 = tpu.memref_slice %arg7[%dma_wait3A_1632, %dma_wait3A_1636] : memref<17x128xi32, #tpu.memory_space<vmem>> -> memref<1x128xi32, #tpu.memory_space<vmem>>
    %dma_wait3A_1638 = tpu.memref_squeeze %dma_wait3A_1637 : memref<1x128xi32, #tpu.memory_space<vmem>> -> memref<128xi32, #tpu.memory_space<vmem>>
    %dma_wait3A_1639 = arith.constant 0 : i32
    %dma_wait3A_1640 = tpu.memref_slice %arg2[%dma_wait3A_1639] : memref<16777216xf32, #tpu.memory_space<hbm>> -> memref<16777216xf32, #tpu.memory_space<hbm>>
    tpu.wait_indirect_dma semaphore(%arg10 : memref<!tpu.dma_semaphore, #tpu.memory_space<semaphore_mem>>) src(%dma_wait3A_1635 : memref<128xf32, #tpu.memory_space<vmem>>) dst(%dma_wait3A_1640 : memref<16777216xf32, #tpu.memory_space<hbm>>)
    %dma_wait3A_1641 = arith.constant 8 : i32
    %dma_wait3A_1642 = arith.constant 8 : i32
    %dma_wait3A_1643 = arith.constant 0 : i32
    %dma_wait3A_1644 = tpu.memref_slice %arg8[%dma_wait3A_1641, %dma_wait3A_1643] : memref<17x128xf32, #tpu.memory_space<vmem>> -> memref<1x128xf32, #tpu.memory_space<vmem>>
    %dma_wait3A_1645 = tpu.memref_squeeze %dma_wait3A_1644 : memref<1x128xf32, #tpu.memory_space<vmem>> -> memref<128xf32, #tpu.memory_space<vmem>>
    %dma_wait3A_1646 = arith.constant 0 : i32
    %dma_wait3A_1647 = tpu.memref_slice %arg7[%dma_wait3A_1642, %dma_wait3A_1646] : memref<17x128xi32, #tpu.memory_space<vmem>> -> memref<1x128xi32, #tpu.memory_space<vmem>>
    %dma_wait3A_1648 = tpu.memref_squeeze %dma_wait3A_1647 : memref<1x128xi32, #tpu.memory_space<vmem>> -> memref<128xi32, #tpu.memory_space<vmem>>
    %dma_wait3A_1649 = arith.constant 0 : i32
    %dma_wait3A_1650 = tpu.memref_slice %arg2[%dma_wait3A_1649] : memref<16777216xf32, #tpu.memory_space<hbm>> -> memref<16777216xf32, #tpu.memory_space<hbm>>
    tpu.wait_indirect_dma semaphore(%arg10 : memref<!tpu.dma_semaphore, #tpu.memory_space<semaphore_mem>>) src(%dma_wait3A_1645 : memref<128xf32, #tpu.memory_space<vmem>>) dst(%dma_wait3A_1650 : memref<16777216xf32, #tpu.memory_space<hbm>>)
    %dma_wait3A_1651 = arith.constant 9 : i32
    %dma_wait3A_1652 = arith.constant 9 : i32
    %dma_wait3A_1653 = arith.constant 0 : i32
    %dma_wait3A_1654 = tpu.memref_slice %arg8[%dma_wait3A_1651, %dma_wait3A_1653] : memref<17x128xf32, #tpu.memory_space<vmem>> -> memref<1x128xf32, #tpu.memory_space<vmem>>
    %dma_wait3A_1655 = tpu.memref_squeeze %dma_wait3A_1654 : memref<1x128xf32, #tpu.memory_space<vmem>> -> memref<128xf32, #tpu.memory_space<vmem>>
    %dma_wait3A_1656 = arith.constant 0 : i32
    %dma_wait3A_1657 = tpu.memref_slice %arg7[%dma_wait3A_1652, %dma_wait3A_1656] : memref<17x128xi32, #tpu.memory_space<vmem>> -> memref<1x128xi32, #tpu.memory_space<vmem>>
    %dma_wait3A_1658 = tpu.memref_squeeze %dma_wait3A_1657 : memref<1x128xi32, #tpu.memory_space<vmem>> -> memref<128xi32, #tpu.memory_space<vmem>>
    %dma_wait3A_1659 = arith.constant 0 : i32
    %dma_wait3A_1660 = tpu.memref_slice %arg2[%dma_wait3A_1659] : memref<16777216xf32, #tpu.memory_space<hbm>> -> memref<16777216xf32, #tpu.memory_space<hbm>>
    tpu.wait_indirect_dma semaphore(%arg10 : memref<!tpu.dma_semaphore, #tpu.memory_space<semaphore_mem>>) src(%dma_wait3A_1655 : memref<128xf32, #tpu.memory_space<vmem>>) dst(%dma_wait3A_1660 : memref<16777216xf32, #tpu.memory_space<hbm>>)
    %dma_wait3A_1661 = arith.constant 10 : i32
    %dma_wait3A_1662 = arith.constant 10 : i32
    %dma_wait3A_1663 = arith.constant 0 : i32
    %dma_wait3A_1664 = tpu.memref_slice %arg8[%dma_wait3A_1661, %dma_wait3A_1663] : memref<17x128xf32, #tpu.memory_space<vmem>> -> memref<1x128xf32, #tpu.memory_space<vmem>>
    %dma_wait3A_1665 = tpu.memref_squeeze %dma_wait3A_1664 : memref<1x128xf32, #tpu.memory_space<vmem>> -> memref<128xf32, #tpu.memory_space<vmem>>
    %dma_wait3A_1666 = arith.constant 0 : i32
    %dma_wait3A_1667 = tpu.memref_slice %arg7[%dma_wait3A_1662, %dma_wait3A_1666] : memref<17x128xi32, #tpu.memory_space<vmem>> -> memref<1x128xi32, #tpu.memory_space<vmem>>
    %dma_wait3A_1668 = tpu.memref_squeeze %dma_wait3A_1667 : memref<1x128xi32, #tpu.memory_space<vmem>> -> memref<128xi32, #tpu.memory_space<vmem>>
    %dma_wait3A_1669 = arith.constant 0 : i32
    %dma_wait3A_1670 = tpu.memref_slice %arg2[%dma_wait3A_1669] : memref<16777216xf32, #tpu.memory_space<hbm>> -> memref<16777216xf32, #tpu.memory_space<hbm>>
    tpu.wait_indirect_dma semaphore(%arg10 : memref<!tpu.dma_semaphore, #tpu.memory_space<semaphore_mem>>) src(%dma_wait3A_1665 : memref<128xf32, #tpu.memory_space<vmem>>) dst(%dma_wait3A_1670 : memref<16777216xf32, #tpu.memory_space<hbm>>)
    %dma_wait3A_1671 = arith.constant 11 : i32
    %dma_wait3A_1672 = arith.constant 11 : i32
    %dma_wait3A_1673 = arith.constant 0 : i32
    %dma_wait3A_1674 = tpu.memref_slice %arg8[%dma_wait3A_1671, %dma_wait3A_1673] : memref<17x128xf32, #tpu.memory_space<vmem>> -> memref<1x128xf32, #tpu.memory_space<vmem>>
    %dma_wait3A_1675 = tpu.memref_squeeze %dma_wait3A_1674 : memref<1x128xf32, #tpu.memory_space<vmem>> -> memref<128xf32, #tpu.memory_space<vmem>>
    %dma_wait3A_1676 = arith.constant 0 : i32
    %dma_wait3A_1677 = tpu.memref_slice %arg7[%dma_wait3A_1672, %dma_wait3A_1676] : memref<17x128xi32, #tpu.memory_space<vmem>> -> memref<1x128xi32, #tpu.memory_space<vmem>>
    %dma_wait3A_1678 = tpu.memref_squeeze %dma_wait3A_1677 : memref<1x128xi32, #tpu.memory_space<vmem>> -> memref<128xi32, #tpu.memory_space<vmem>>
    %dma_wait3A_1679 = arith.constant 0 : i32
    %dma_wait3A_1680 = tpu.memref_slice %arg2[%dma_wait3A_1679] : memref<16777216xf32, #tpu.memory_space<hbm>> -> memref<16777216xf32, #tpu.memory_space<hbm>>
    tpu.wait_indirect_dma semaphore(%arg10 : memref<!tpu.dma_semaphore, #tpu.memory_space<semaphore_mem>>) src(%dma_wait3A_1675 : memref<128xf32, #tpu.memory_space<vmem>>) dst(%dma_wait3A_1680 : memref<16777216xf32, #tpu.memory_space<hbm>>)
    %dma_wait3A_1681 = arith.constant 12 : i32
    %dma_wait3A_1682 = arith.constant 12 : i32
    %dma_wait3A_1683 = arith.constant 0 : i32
    %dma_wait3A_1684 = tpu.memref_slice %arg8[%dma_wait3A_1681, %dma_wait3A_1683] : memref<17x128xf32, #tpu.memory_space<vmem>> -> memref<1x128xf32, #tpu.memory_space<vmem>>
    %dma_wait3A_1685 = tpu.memref_squeeze %dma_wait3A_1684 : memref<1x128xf32, #tpu.memory_space<vmem>> -> memref<128xf32, #tpu.memory_space<vmem>>
    %dma_wait3A_1686 = arith.constant 0 : i32
    %dma_wait3A_1687 = tpu.memref_slice %arg7[%dma_wait3A_1682, %dma_wait3A_1686] : memref<17x128xi32, #tpu.memory_space<vmem>> -> memref<1x128xi32, #tpu.memory_space<vmem>>
    %dma_wait3A_1688 = tpu.memref_squeeze %dma_wait3A_1687 : memref<1x128xi32, #tpu.memory_space<vmem>> -> memref<128xi32, #tpu.memory_space<vmem>>
    %dma_wait3A_1689 = arith.constant 0 : i32
    %dma_wait3A_1690 = tpu.memref_slice %arg2[%dma_wait3A_1689] : memref<16777216xf32, #tpu.memory_space<hbm>> -> memref<16777216xf32, #tpu.memory_space<hbm>>
    tpu.wait_indirect_dma semaphore(%arg10 : memref<!tpu.dma_semaphore, #tpu.memory_space<semaphore_mem>>) src(%dma_wait3A_1685 : memref<128xf32, #tpu.memory_space<vmem>>) dst(%dma_wait3A_1690 : memref<16777216xf32, #tpu.memory_space<hbm>>)
    %dma_wait3A_1691 = arith.constant 13 : i32
    %dma_wait3A_1692 = arith.constant 13 : i32
    %dma_wait3A_1693 = arith.constant 0 : i32
    %dma_wait3A_1694 = tpu.memref_slice %arg8[%dma_wait3A_1691, %dma_wait3A_1693] : memref<17x128xf32, #tpu.memory_space<vmem>> -> memref<1x128xf32, #tpu.memory_space<vmem>>
    %dma_wait3A_1695 = tpu.memref_squeeze %dma_wait3A_1694 : memref<1x128xf32, #tpu.memory_space<vmem>> -> memref<128xf32, #tpu.memory_space<vmem>>
    %dma_wait3A_1696 = arith.constant 0 : i32
    %dma_wait3A_1697 = tpu.memref_slice %arg7[%dma_wait3A_1692, %dma_wait3A_1696] : memref<17x128xi32, #tpu.memory_space<vmem>> -> memref<1x128xi32, #tpu.memory_space<vmem>>
    %dma_wait3A_1698 = tpu.memref_squeeze %dma_wait3A_1697 : memref<1x128xi32, #tpu.memory_space<vmem>> -> memref<128xi32, #tpu.memory_space<vmem>>
    %dma_wait3A_1699 = arith.constant 0 : i32
    %dma_wait3A_1700 = tpu.memref_slice %arg2[%dma_wait3A_1699] : memref<16777216xf32, #tpu.memory_space<hbm>> -> memref<16777216xf32, #tpu.memory_space<hbm>>
    tpu.wait_indirect_dma semaphore(%arg10 : memref<!tpu.dma_semaphore, #tpu.memory_space<semaphore_mem>>) src(%dma_wait3A_1695 : memref<128xf32, #tpu.memory_space<vmem>>) dst(%dma_wait3A_1700 : memref<16777216xf32, #tpu.memory_space<hbm>>)
    %dma_wait3A_1701 = arith.constant 14 : i32
    %dma_wait3A_1702 = arith.constant 14 : i32
    %dma_wait3A_1703 = arith.constant 0 : i32
    %dma_wait3A_1704 = tpu.memref_slice %arg8[%dma_wait3A_1701, %dma_wait3A_1703] : memref<17x128xf32, #tpu.memory_space<vmem>> -> memref<1x128xf32, #tpu.memory_space<vmem>>
    %dma_wait3A_1705 = tpu.memref_squeeze %dma_wait3A_1704 : memref<1x128xf32, #tpu.memory_space<vmem>> -> memref<128xf32, #tpu.memory_space<vmem>>
    %dma_wait3A_1706 = arith.constant 0 : i32
    %dma_wait3A_1707 = tpu.memref_slice %arg7[%dma_wait3A_1702, %dma_wait3A_1706] : memref<17x128xi32, #tpu.memory_space<vmem>> -> memref<1x128xi32, #tpu.memory_space<vmem>>
    %dma_wait3A_1708 = tpu.memref_squeeze %dma_wait3A_1707 : memref<1x128xi32, #tpu.memory_space<vmem>> -> memref<128xi32, #tpu.memory_space<vmem>>
    %dma_wait3A_1709 = arith.constant 0 : i32
    %dma_wait3A_1710 = tpu.memref_slice %arg2[%dma_wait3A_1709] : memref<16777216xf32, #tpu.memory_space<hbm>> -> memref<16777216xf32, #tpu.memory_space<hbm>>
    tpu.wait_indirect_dma semaphore(%arg10 : memref<!tpu.dma_semaphore, #tpu.memory_space<semaphore_mem>>) src(%dma_wait3A_1705 : memref<128xf32, #tpu.memory_space<vmem>>) dst(%dma_wait3A_1710 : memref<16777216xf32, #tpu.memory_space<hbm>>)
    %dma_wait3A_1711 = arith.constant 15 : i32
    %dma_wait3A_1712 = arith.constant 15 : i32
    %dma_wait3A_1713 = arith.constant 0 : i32
    %dma_wait3A_1714 = tpu.memref_slice %arg8[%dma_wait3A_1711, %dma_wait3A_1713] : memref<17x128xf32, #tpu.memory_space<vmem>> -> memref<1x128xf32, #tpu.memory_space<vmem>>
    %dma_wait3A_1715 = tpu.memref_squeeze %dma_wait3A_1714 : memref<1x128xf32, #tpu.memory_space<vmem>> -> memref<128xf32, #tpu.memory_space<vmem>>
    %dma_wait3A_1716 = arith.constant 0 : i32
    %dma_wait3A_1717 = tpu.memref_slice %arg7[%dma_wait3A_1712, %dma_wait3A_1716] : memref<17x128xi32, #tpu.memory_space<vmem>> -> memref<1x128xi32, #tpu.memory_space<vmem>>
    %dma_wait3A_1718 = tpu.memref_squeeze %dma_wait3A_1717 : memref<1x128xi32, #tpu.memory_space<vmem>> -> memref<128xi32, #tpu.memory_space<vmem>>
    %dma_wait3A_1719 = arith.constant 0 : i32
    %dma_wait3A_1720 = tpu.memref_slice %arg2[%dma_wait3A_1719] : memref<16777216xf32, #tpu.memory_space<hbm>> -> memref<16777216xf32, #tpu.memory_space<hbm>>
    tpu.wait_indirect_dma semaphore(%arg10 : memref<!tpu.dma_semaphore, #tpu.memory_space<semaphore_mem>>) src(%dma_wait3A_1715 : memref<128xf32, #tpu.memory_space<vmem>>) dst(%dma_wait3A_1720 : memref<16777216xf32, #tpu.memory_space<hbm>>)
    %dma_wait3A_1721 = arith.constant 16 : i32
    %dma_wait3A_1722 = arith.constant 16 : i32
    %dma_wait3A_1723 = arith.constant 0 : i32
    %dma_wait3A_1724 = tpu.memref_slice %arg8[%dma_wait3A_1721, %dma_wait3A_1723] : memref<17x128xf32, #tpu.memory_space<vmem>> -> memref<1x128xf32, #tpu.memory_space<vmem>>
    %dma_wait3A_1725 = tpu.memref_squeeze %dma_wait3A_1724 : memref<1x128xf32, #tpu.memory_space<vmem>> -> memref<128xf32, #tpu.memory_space<vmem>>
    %dma_wait3A_1726 = arith.constant 0 : i32
    %dma_wait3A_1727 = tpu.memref_slice %arg7[%dma_wait3A_1722, %dma_wait3A_1726] : memref<17x128xi32, #tpu.memory_space<vmem>> -> memref<1x128xi32, #tpu.memory_space<vmem>>
    %dma_wait3A_1728 = tpu.memref_squeeze %dma_wait3A_1727 : memref<1x128xi32, #tpu.memory_space<vmem>> -> memref<128xi32, #tpu.memory_space<vmem>>
    %dma_wait3A_1729 = arith.constant 0 : i32
    %dma_wait3A_1730 = tpu.memref_slice %arg2[%dma_wait3A_1729] : memref<16777216xf32, #tpu.memory_space<hbm>> -> memref<16777216xf32, #tpu.memory_space<hbm>>
    tpu.wait_indirect_dma semaphore(%arg10 : memref<!tpu.dma_semaphore, #tpu.memory_space<semaphore_mem>>) src(%dma_wait3A_1725 : memref<128xf32, #tpu.memory_space<vmem>>) dst(%dma_wait3A_1730 : memref<16777216xf32, #tpu.memory_space<hbm>>)
    return
  }
}

module attributes {stable_mosaic.version = 14 : i64} {
  func.func @_knn_kernel(%arg0: i32, %arg1: memref<256x16xf32, #tpu.memory_space<vmem>>, %arg2: memref<4096x16xf32, #tpu.memory_space<vmem>>, %arg3: memref<256x1xf32, #tpu.memory_space<vmem>>, %arg4: memref<1x4096xf32, #tpu.memory_space<vmem>>, %arg5: memref<256x8xf32, #tpu.memory_space<vmem>>, %arg6: memref<256x8xi32, #tpu.memory_space<vmem>>, %arg7: memref<256x4096xf32, #tpu.memory_space<vmem>>) attributes {dimension_semantics = [#tpu.dimension_semantics<arbitrary>], iteration_bounds = array<i64: 16>, scalar_prefetch = 0 : i64, scratch_operands = 1 : i64, tpu.core_type = #tpu.core_type<tc>, window_params = [{transform_indices = @transform_0, window_bounds = array<i64: 256, 16>}, {pipeline_mode = #tpu.pipeline_mode<synchronous>, transform_indices = @transform_1, window_bounds = array<i64: 4096, 16>}, {transform_indices = @transform_2, window_bounds = array<i64: 256, 1>}, {pipeline_mode = #tpu.pipeline_mode<synchronous>, transform_indices = @transform_3, window_bounds = array<i64: 1, 4096>}, {transform_indices = @transform_4, window_bounds = array<i64: 256, 8>}, {transform_indices = @transform_5, window_bounds = array<i64: 256, 8>}]} {
    %mul3A = arith.constant 256 : i32
    %mul3A_0 = arith.muli %arg0, %mul3A : i32
    %get3A = arith.constant 0 : index
    %get3A_1 = arith.constant 0 : index
    %get3A_2 = vector.load %arg1[%get3A, %get3A_1] : memref<256x16xf32, #tpu.memory_space<vmem>>, vector<256x16xf32>
    %get3A_3 = arith.constant 0 : index
    %get3A_4 = arith.constant 0 : index
    %get3A_5 = vector.load %arg2[%get3A_3, %get3A_4] : memref<4096x16xf32, #tpu.memory_space<vmem>>, vector<4096x16xf32>
    %dot_general3A = arith.constant dense<0.000000e+00> : vector<256x4096xf32>
    %dot_general3A_6 = tpu.matmul %get3A_2, %get3A_5, %dot_general3A {dimension_numbers = #tpu.dot_dimension_numbers<[1], [1], [0], [0], [0, 0, 1, 0], [], []>, transpose_lhs_hint = false} : vector<256x16xf32>, vector<4096x16xf32>, vector<256x4096xf32> -> vector<256x4096xf32>
    %get3A_7 = arith.constant 0 : index
    %get3A_8 = arith.constant 0 : index
    %get3A_9 = vector.load %arg3[%get3A_7, %get3A_8] : memref<256x1xf32, #tpu.memory_space<vmem>>, vector<256x1xf32>
    %get3A_10 = arith.constant 0 : index
    %get3A_11 = arith.constant 0 : index
    %get3A_12 = vector.load %arg4[%get3A_10, %get3A_11] : memref<1x4096xf32, #tpu.memory_space<vmem>>, vector<1x4096xf32>
    %add3A = vector.broadcast %get3A_9 : vector<256x1xf32> to vector<256x4096xf32>
    %add3A_13 = vector.broadcast %get3A_12 : vector<1x4096xf32> to vector<256x4096xf32>
    %add3A_14 = arith.addf %add3A, %add3A_13 : vector<256x4096xf32>
    %mul3A_15 = arith.constant 2.000000e+00 : f32
    %mul3A_16 = vector.broadcast %mul3A_15 : f32 to vector<256x4096xf32>
    %mul3A_17 = arith.mulf %mul3A_16, %dot_general3A_6 : vector<256x4096xf32>
    %sub3A = arith.subf %add3A_14, %mul3A_17 : vector<256x4096xf32>
    %max3A = arith.constant 0.000000e+00 : f32
    %max3A_18 = vector.broadcast %max3A : f32 to vector<256x4096xf32>
    %max3A_19 = arith.maximumf %sub3A, %max3A_18 : vector<256x4096xf32>
    %iota3A = tpu.iota {dimensions = array<i32: 1>} : vector<256x4096xi32>
    %iota3A_20 = tpu.iota {dimensions = array<i32: 0>} : vector<256x4096xi32>
    %add3A_21 = vector.broadcast %mul3A_0 : i32 to vector<256x4096xi32>
    %add3A_22 = arith.addi %iota3A_20, %add3A_21 : vector<256x4096xi32>
    %convert_element_type3A = arith.sitofp %iota3A : vector<256x4096xi32> to vector<256x4096xf32>
    %eq3A = arith.cmpi eq, %iota3A, %add3A_22 : vector<256x4096xi32>
    %jit3A = arith.constant 0x7F800000 : f32
    %broadcast_in_dim3A = vector.broadcast %jit3A : f32 to vector<256x4096xf32>
    %select_n3A = arith.select %eq3A, %broadcast_in_dim3A, %max3A_19 : vector<256x4096xi1>, vector<256x4096xf32>
    %swap3A = arith.constant 0 : index
    %swap3A_23 = arith.constant 0 : index
    %swap3A_24 = vector.load %arg7[%swap3A, %swap3A_23] : memref<256x4096xf32, #tpu.memory_space<vmem>>, vector<256x4096xf32>
    tpu.vector_store %arg7[%swap3A, %swap3A_23], %select_n3A {strides = array<i32>} : memref<256x4096xf32, #tpu.memory_space<vmem>>, vector<256x4096xf32>,
    %get3A_25 = arith.constant 0 : index
    %get3A_26 = arith.constant 0 : index
    %get3A_27 = vector.load %arg7[%get3A_25, %get3A_26] : memref<256x4096xf32, #tpu.memory_space<vmem>>, vector<256x4096xf32>
    %reduce_min3A = arith.constant dense<0x7F800000> : vector<256xf32>
    %reduce_min3A_28 = vector.multi_reduction <minimumf>, %get3A_27, %reduce_min3A [1] : vector<256x4096xf32> to vector<256xf32>
    %broadcast_in_dim3A_29 = vector.shape_cast %reduce_min3A_28 : vector<256xf32> to vector<256x1xf32>
    %eq3A_30 = vector.broadcast %broadcast_in_dim3A_29 : vector<256x1xf32> to vector<256x4096xf32>
    %eq3A_31 = arith.cmpf oeq, %get3A_27, %eq3A_30 : vector<256x4096xf32>
    %jit3A_32 = arith.constant 4.096000e+03 : f32
    %broadcast_in_dim3A_33 = vector.broadcast %jit3A_32 : f32 to vector<256x4096xf32>
    %select_n3A_34 = arith.select %eq3A_31, %convert_element_type3A, %broadcast_in_dim3A_33 : vector<256x4096xi1>, vector<256x4096xf32>
    %reduce_min3A_35 = arith.constant dense<0x7F800000> : vector<256xf32>
    %reduce_min3A_36 = vector.multi_reduction <minimumf>, %select_n3A_34, %reduce_min3A_35 [1] : vector<256x4096xf32> to vector<256xf32>
    %broadcast_in_dim3A_37 = vector.shape_cast %reduce_min3A_36 : vector<256xf32> to vector<256x1xf32>
    %swap3A_38 = arith.constant 0 : index
    %swap3A_39 = arith.constant 0 : index
    %swap3A_40 = vector.load %arg5[%swap3A_38, %swap3A_39] : memref<256x8xf32, #tpu.memory_space<vmem>>, vector<256x1xf32>
    tpu.vector_store %arg5[%swap3A_38, %swap3A_39], %broadcast_in_dim3A_29 {strides = array<i32>} : memref<256x8xf32, #tpu.memory_space<vmem>>, vector<256x1xf32>,
    %convert_element_type3A_41 = arith.fptosi %broadcast_in_dim3A_37 : vector<256x1xf32> to vector<256x1xi32>
    %swap3A_42 = arith.constant 0 : index
    %swap3A_43 = arith.constant 0 : index
    %swap3A_44 = vector.load %arg6[%swap3A_42, %swap3A_43] : memref<256x8xi32, #tpu.memory_space<vmem>>, vector<256x1xi32>
    tpu.vector_store %arg6[%swap3A_42, %swap3A_43], %convert_element_type3A_41 {strides = array<i32>} : memref<256x8xi32, #tpu.memory_space<vmem>>, vector<256x1xi32>,
    %eq3A_45 = vector.broadcast %broadcast_in_dim3A_37 : vector<256x1xf32> to vector<256x4096xf32>
    %eq3A_46 = arith.cmpf oeq, %convert_element_type3A, %eq3A_45 : vector<256x4096xf32>
    %jit3A_47 = arith.constant 0x7F800000 : f32
    %broadcast_in_dim3A_48 = vector.broadcast %jit3A_47 : f32 to vector<256x4096xf32>
    %select_n3A_49 = arith.select %eq3A_46, %broadcast_in_dim3A_48, %get3A_27 : vector<256x4096xi1>, vector<256x4096xf32>
    %swap3A_50 = arith.constant 0 : index
    %swap3A_51 = arith.constant 0 : index
    %swap3A_52 = vector.load %arg7[%swap3A_50, %swap3A_51] : memref<256x4096xf32, #tpu.memory_space<vmem>>, vector<256x4096xf32>
    tpu.vector_store %arg7[%swap3A_50, %swap3A_51], %select_n3A_49 {strides = array<i32>} : memref<256x4096xf32, #tpu.memory_space<vmem>>, vector<256x4096xf32>,
    %get3A_53 = arith.constant 0 : index
    %get3A_54 = arith.constant 0 : index
    %get3A_55 = vector.load %arg7[%get3A_53, %get3A_54] : memref<256x4096xf32, #tpu.memory_space<vmem>>, vector<256x4096xf32>
    %reduce_min3A_56 = arith.constant dense<0x7F800000> : vector<256xf32>
    %reduce_min3A_57 = vector.multi_reduction <minimumf>, %get3A_55, %reduce_min3A_56 [1] : vector<256x4096xf32> to vector<256xf32>
    %broadcast_in_dim3A_58 = vector.shape_cast %reduce_min3A_57 : vector<256xf32> to vector<256x1xf32>
    %eq3A_59 = vector.broadcast %broadcast_in_dim3A_58 : vector<256x1xf32> to vector<256x4096xf32>
    %eq3A_60 = arith.cmpf oeq, %get3A_55, %eq3A_59 : vector<256x4096xf32>
    %jit3A_61 = arith.constant 4.096000e+03 : f32
    %broadcast_in_dim3A_62 = vector.broadcast %jit3A_61 : f32 to vector<256x4096xf32>
    %select_n3A_63 = arith.select %eq3A_60, %convert_element_type3A, %broadcast_in_dim3A_62 : vector<256x4096xi1>, vector<256x4096xf32>
    %reduce_min3A_64 = arith.constant dense<0x7F800000> : vector<256xf32>
    %reduce_min3A_65 = vector.multi_reduction <minimumf>, %select_n3A_63, %reduce_min3A_64 [1] : vector<256x4096xf32> to vector<256xf32>
    %broadcast_in_dim3A_66 = vector.shape_cast %reduce_min3A_65 : vector<256xf32> to vector<256x1xf32>
    %swap3A_67 = arith.constant 0 : index
    %swap3A_68 = arith.constant 1 : index
    %swap3A_69 = vector.load %arg5[%swap3A_67, %swap3A_68] : memref<256x8xf32, #tpu.memory_space<vmem>>, vector<256x1xf32>
    tpu.vector_store %arg5[%swap3A_67, %swap3A_68], %broadcast_in_dim3A_58 {strides = array<i32>} : memref<256x8xf32, #tpu.memory_space<vmem>>, vector<256x1xf32>,
    %convert_element_type3A_70 = arith.fptosi %broadcast_in_dim3A_66 : vector<256x1xf32> to vector<256x1xi32>
    %swap3A_71 = arith.constant 0 : index
    %swap3A_72 = arith.constant 1 : index
    %swap3A_73 = vector.load %arg6[%swap3A_71, %swap3A_72] : memref<256x8xi32, #tpu.memory_space<vmem>>, vector<256x1xi32>
    tpu.vector_store %arg6[%swap3A_71, %swap3A_72], %convert_element_type3A_70 {strides = array<i32>} : memref<256x8xi32, #tpu.memory_space<vmem>>, vector<256x1xi32>,
    %eq3A_74 = vector.broadcast %broadcast_in_dim3A_66 : vector<256x1xf32> to vector<256x4096xf32>
    %eq3A_75 = arith.cmpf oeq, %convert_element_type3A, %eq3A_74 : vector<256x4096xf32>
    %jit3A_76 = arith.constant 0x7F800000 : f32
    %broadcast_in_dim3A_77 = vector.broadcast %jit3A_76 : f32 to vector<256x4096xf32>
    %select_n3A_78 = arith.select %eq3A_75, %broadcast_in_dim3A_77, %get3A_55 : vector<256x4096xi1>, vector<256x4096xf32>
    %swap3A_79 = arith.constant 0 : index
    %swap3A_80 = arith.constant 0 : index
    %swap3A_81 = vector.load %arg7[%swap3A_79, %swap3A_80] : memref<256x4096xf32, #tpu.memory_space<vmem>>, vector<256x4096xf32>
    tpu.vector_store %arg7[%swap3A_79, %swap3A_80], %select_n3A_78 {strides = array<i32>} : memref<256x4096xf32, #tpu.memory_space<vmem>>, vector<256x4096xf32>,
    %get3A_82 = arith.constant 0 : index
    %get3A_83 = arith.constant 0 : index
    %get3A_84 = vector.load %arg7[%get3A_82, %get3A_83] : memref<256x4096xf32, #tpu.memory_space<vmem>>, vector<256x4096xf32>
    %reduce_min3A_85 = arith.constant dense<0x7F800000> : vector<256xf32>
    %reduce_min3A_86 = vector.multi_reduction <minimumf>, %get3A_84, %reduce_min3A_85 [1] : vector<256x4096xf32> to vector<256xf32>
    %broadcast_in_dim3A_87 = vector.shape_cast %reduce_min3A_86 : vector<256xf32> to vector<256x1xf32>
    %eq3A_88 = vector.broadcast %broadcast_in_dim3A_87 : vector<256x1xf32> to vector<256x4096xf32>
    %eq3A_89 = arith.cmpf oeq, %get3A_84, %eq3A_88 : vector<256x4096xf32>
    %jit3A_90 = arith.constant 4.096000e+03 : f32
    %broadcast_in_dim3A_91 = vector.broadcast %jit3A_90 : f32 to vector<256x4096xf32>
    %select_n3A_92 = arith.select %eq3A_89, %convert_element_type3A, %broadcast_in_dim3A_91 : vector<256x4096xi1>, vector<256x4096xf32>
    %reduce_min3A_93 = arith.constant dense<0x7F800000> : vector<256xf32>
    %reduce_min3A_94 = vector.multi_reduction <minimumf>, %select_n3A_92, %reduce_min3A_93 [1] : vector<256x4096xf32> to vector<256xf32>
    %broadcast_in_dim3A_95 = vector.shape_cast %reduce_min3A_94 : vector<256xf32> to vector<256x1xf32>
    %swap3A_96 = arith.constant 0 : index
    %swap3A_97 = arith.constant 2 : index
    %swap3A_98 = vector.load %arg5[%swap3A_96, %swap3A_97] : memref<256x8xf32, #tpu.memory_space<vmem>>, vector<256x1xf32>
    tpu.vector_store %arg5[%swap3A_96, %swap3A_97], %broadcast_in_dim3A_87 {strides = array<i32>} : memref<256x8xf32, #tpu.memory_space<vmem>>, vector<256x1xf32>,
    %convert_element_type3A_99 = arith.fptosi %broadcast_in_dim3A_95 : vector<256x1xf32> to vector<256x1xi32>
    %swap3A_100 = arith.constant 0 : index
    %swap3A_101 = arith.constant 2 : index
    %swap3A_102 = vector.load %arg6[%swap3A_100, %swap3A_101] : memref<256x8xi32, #tpu.memory_space<vmem>>, vector<256x1xi32>
    tpu.vector_store %arg6[%swap3A_100, %swap3A_101], %convert_element_type3A_99 {strides = array<i32>} : memref<256x8xi32, #tpu.memory_space<vmem>>, vector<256x1xi32>,
    %eq3A_103 = vector.broadcast %broadcast_in_dim3A_95 : vector<256x1xf32> to vector<256x4096xf32>
    %eq3A_104 = arith.cmpf oeq, %convert_element_type3A, %eq3A_103 : vector<256x4096xf32>
    %jit3A_105 = arith.constant 0x7F800000 : f32
    %broadcast_in_dim3A_106 = vector.broadcast %jit3A_105 : f32 to vector<256x4096xf32>
    %select_n3A_107 = arith.select %eq3A_104, %broadcast_in_dim3A_106, %get3A_84 : vector<256x4096xi1>, vector<256x4096xf32>
    %swap3A_108 = arith.constant 0 : index
    %swap3A_109 = arith.constant 0 : index
    %swap3A_110 = vector.load %arg7[%swap3A_108, %swap3A_109] : memref<256x4096xf32, #tpu.memory_space<vmem>>, vector<256x4096xf32>
    tpu.vector_store %arg7[%swap3A_108, %swap3A_109], %select_n3A_107 {strides = array<i32>} : memref<256x4096xf32, #tpu.memory_space<vmem>>, vector<256x4096xf32>,
    %get3A_111 = arith.constant 0 : index
    %get3A_112 = arith.constant 0 : index
    %get3A_113 = vector.load %arg7[%get3A_111, %get3A_112] : memref<256x4096xf32, #tpu.memory_space<vmem>>, vector<256x4096xf32>
    %reduce_min3A_114 = arith.constant dense<0x7F800000> : vector<256xf32>
    %reduce_min3A_115 = vector.multi_reduction <minimumf>, %get3A_113, %reduce_min3A_114 [1] : vector<256x4096xf32> to vector<256xf32>
    %broadcast_in_dim3A_116 = vector.shape_cast %reduce_min3A_115 : vector<256xf32> to vector<256x1xf32>
    %eq3A_117 = vector.broadcast %broadcast_in_dim3A_116 : vector<256x1xf32> to vector<256x4096xf32>
    %eq3A_118 = arith.cmpf oeq, %get3A_113, %eq3A_117 : vector<256x4096xf32>
    %jit3A_119 = arith.constant 4.096000e+03 : f32
    %broadcast_in_dim3A_120 = vector.broadcast %jit3A_119 : f32 to vector<256x4096xf32>
    %select_n3A_121 = arith.select %eq3A_118, %convert_element_type3A, %broadcast_in_dim3A_120 : vector<256x4096xi1>, vector<256x4096xf32>
    %reduce_min3A_122 = arith.constant dense<0x7F800000> : vector<256xf32>
    %reduce_min3A_123 = vector.multi_reduction <minimumf>, %select_n3A_121, %reduce_min3A_122 [1] : vector<256x4096xf32> to vector<256xf32>
    %broadcast_in_dim3A_124 = vector.shape_cast %reduce_min3A_123 : vector<256xf32> to vector<256x1xf32>
    %swap3A_125 = arith.constant 0 : index
    %swap3A_126 = arith.constant 3 : index
    %swap3A_127 = vector.load %arg5[%swap3A_125, %swap3A_126] : memref<256x8xf32, #tpu.memory_space<vmem>>, vector<256x1xf32>
    tpu.vector_store %arg5[%swap3A_125, %swap3A_126], %broadcast_in_dim3A_116 {strides = array<i32>} : memref<256x8xf32, #tpu.memory_space<vmem>>, vector<256x1xf32>,
    %convert_element_type3A_128 = arith.fptosi %broadcast_in_dim3A_124 : vector<256x1xf32> to vector<256x1xi32>
    %swap3A_129 = arith.constant 0 : index
    %swap3A_130 = arith.constant 3 : index
    %swap3A_131 = vector.load %arg6[%swap3A_129, %swap3A_130] : memref<256x8xi32, #tpu.memory_space<vmem>>, vector<256x1xi32>
    tpu.vector_store %arg6[%swap3A_129, %swap3A_130], %convert_element_type3A_128 {strides = array<i32>} : memref<256x8xi32, #tpu.memory_space<vmem>>, vector<256x1xi32>,
    %eq3A_132 = vector.broadcast %broadcast_in_dim3A_124 : vector<256x1xf32> to vector<256x4096xf32>
    %eq3A_133 = arith.cmpf oeq, %convert_element_type3A, %eq3A_132 : vector<256x4096xf32>
    %jit3A_134 = arith.constant 0x7F800000 : f32
    %broadcast_in_dim3A_135 = vector.broadcast %jit3A_134 : f32 to vector<256x4096xf32>
    %select_n3A_136 = arith.select %eq3A_133, %broadcast_in_dim3A_135, %get3A_113 : vector<256x4096xi1>, vector<256x4096xf32>
    %swap3A_137 = arith.constant 0 : index
    %swap3A_138 = arith.constant 0 : index
    %swap3A_139 = vector.load %arg7[%swap3A_137, %swap3A_138] : memref<256x4096xf32, #tpu.memory_space<vmem>>, vector<256x4096xf32>
    tpu.vector_store %arg7[%swap3A_137, %swap3A_138], %select_n3A_136 {strides = array<i32>} : memref<256x4096xf32, #tpu.memory_space<vmem>>, vector<256x4096xf32>,
    %get3A_140 = arith.constant 0 : index
    %get3A_141 = arith.constant 0 : index
    %get3A_142 = vector.load %arg7[%get3A_140, %get3A_141] : memref<256x4096xf32, #tpu.memory_space<vmem>>, vector<256x4096xf32>
    %reduce_min3A_143 = arith.constant dense<0x7F800000> : vector<256xf32>
    %reduce_min3A_144 = vector.multi_reduction <minimumf>, %get3A_142, %reduce_min3A_143 [1] : vector<256x4096xf32> to vector<256xf32>
    %broadcast_in_dim3A_145 = vector.shape_cast %reduce_min3A_144 : vector<256xf32> to vector<256x1xf32>
    %eq3A_146 = vector.broadcast %broadcast_in_dim3A_145 : vector<256x1xf32> to vector<256x4096xf32>
    %eq3A_147 = arith.cmpf oeq, %get3A_142, %eq3A_146 : vector<256x4096xf32>
    %jit3A_148 = arith.constant 4.096000e+03 : f32
    %broadcast_in_dim3A_149 = vector.broadcast %jit3A_148 : f32 to vector<256x4096xf32>
    %select_n3A_150 = arith.select %eq3A_147, %convert_element_type3A, %broadcast_in_dim3A_149 : vector<256x4096xi1>, vector<256x4096xf32>
    %reduce_min3A_151 = arith.constant dense<0x7F800000> : vector<256xf32>
    %reduce_min3A_152 = vector.multi_reduction <minimumf>, %select_n3A_150, %reduce_min3A_151 [1] : vector<256x4096xf32> to vector<256xf32>
    %broadcast_in_dim3A_153 = vector.shape_cast %reduce_min3A_152 : vector<256xf32> to vector<256x1xf32>
    %swap3A_154 = arith.constant 0 : index
    %swap3A_155 = arith.constant 4 : index
    %swap3A_156 = vector.load %arg5[%swap3A_154, %swap3A_155] : memref<256x8xf32, #tpu.memory_space<vmem>>, vector<256x1xf32>
    tpu.vector_store %arg5[%swap3A_154, %swap3A_155], %broadcast_in_dim3A_145 {strides = array<i32>} : memref<256x8xf32, #tpu.memory_space<vmem>>, vector<256x1xf32>,
    %convert_element_type3A_157 = arith.fptosi %broadcast_in_dim3A_153 : vector<256x1xf32> to vector<256x1xi32>
    %swap3A_158 = arith.constant 0 : index
    %swap3A_159 = arith.constant 4 : index
    %swap3A_160 = vector.load %arg6[%swap3A_158, %swap3A_159] : memref<256x8xi32, #tpu.memory_space<vmem>>, vector<256x1xi32>
    tpu.vector_store %arg6[%swap3A_158, %swap3A_159], %convert_element_type3A_157 {strides = array<i32>} : memref<256x8xi32, #tpu.memory_space<vmem>>, vector<256x1xi32>,
    %eq3A_161 = vector.broadcast %broadcast_in_dim3A_153 : vector<256x1xf32> to vector<256x4096xf32>
    %eq3A_162 = arith.cmpf oeq, %convert_element_type3A, %eq3A_161 : vector<256x4096xf32>
    %jit3A_163 = arith.constant 0x7F800000 : f32
    %broadcast_in_dim3A_164 = vector.broadcast %jit3A_163 : f32 to vector<256x4096xf32>
    %select_n3A_165 = arith.select %eq3A_162, %broadcast_in_dim3A_164, %get3A_142 : vector<256x4096xi1>, vector<256x4096xf32>
    %swap3A_166 = arith.constant 0 : index
    %swap3A_167 = arith.constant 0 : index
    %swap3A_168 = vector.load %arg7[%swap3A_166, %swap3A_167] : memref<256x4096xf32, #tpu.memory_space<vmem>>, vector<256x4096xf32>
    tpu.vector_store %arg7[%swap3A_166, %swap3A_167], %select_n3A_165 {strides = array<i32>} : memref<256x4096xf32, #tpu.memory_space<vmem>>, vector<256x4096xf32>,
    %get3A_169 = arith.constant 0 : index
    %get3A_170 = arith.constant 0 : index
    %get3A_171 = vector.load %arg7[%get3A_169, %get3A_170] : memref<256x4096xf32, #tpu.memory_space<vmem>>, vector<256x4096xf32>
    %reduce_min3A_172 = arith.constant dense<0x7F800000> : vector<256xf32>
    %reduce_min3A_173 = vector.multi_reduction <minimumf>, %get3A_171, %reduce_min3A_172 [1] : vector<256x4096xf32> to vector<256xf32>
    %broadcast_in_dim3A_174 = vector.shape_cast %reduce_min3A_173 : vector<256xf32> to vector<256x1xf32>
    %eq3A_175 = vector.broadcast %broadcast_in_dim3A_174 : vector<256x1xf32> to vector<256x4096xf32>
    %eq3A_176 = arith.cmpf oeq, %get3A_171, %eq3A_175 : vector<256x4096xf32>
    %jit3A_177 = arith.constant 4.096000e+03 : f32
    %broadcast_in_dim3A_178 = vector.broadcast %jit3A_177 : f32 to vector<256x4096xf32>
    %select_n3A_179 = arith.select %eq3A_176, %convert_element_type3A, %broadcast_in_dim3A_178 : vector<256x4096xi1>, vector<256x4096xf32>
    %reduce_min3A_180 = arith.constant dense<0x7F800000> : vector<256xf32>
    %reduce_min3A_181 = vector.multi_reduction <minimumf>, %select_n3A_179, %reduce_min3A_180 [1] : vector<256x4096xf32> to vector<256xf32>
    %broadcast_in_dim3A_182 = vector.shape_cast %reduce_min3A_181 : vector<256xf32> to vector<256x1xf32>
    %swap3A_183 = arith.constant 0 : index
    %swap3A_184 = arith.constant 5 : index
    %swap3A_185 = vector.load %arg5[%swap3A_183, %swap3A_184] : memref<256x8xf32, #tpu.memory_space<vmem>>, vector<256x1xf32>
    tpu.vector_store %arg5[%swap3A_183, %swap3A_184], %broadcast_in_dim3A_174 {strides = array<i32>} : memref<256x8xf32, #tpu.memory_space<vmem>>, vector<256x1xf32>,
    %convert_element_type3A_186 = arith.fptosi %broadcast_in_dim3A_182 : vector<256x1xf32> to vector<256x1xi32>
    %swap3A_187 = arith.constant 0 : index
    %swap3A_188 = arith.constant 5 : index
    %swap3A_189 = vector.load %arg6[%swap3A_187, %swap3A_188] : memref<256x8xi32, #tpu.memory_space<vmem>>, vector<256x1xi32>
    tpu.vector_store %arg6[%swap3A_187, %swap3A_188], %convert_element_type3A_186 {strides = array<i32>} : memref<256x8xi32, #tpu.memory_space<vmem>>, vector<256x1xi32>,
    %eq3A_190 = vector.broadcast %broadcast_in_dim3A_182 : vector<256x1xf32> to vector<256x4096xf32>
    %eq3A_191 = arith.cmpf oeq, %convert_element_type3A, %eq3A_190 : vector<256x4096xf32>
    %jit3A_192 = arith.constant 0x7F800000 : f32
    %broadcast_in_dim3A_193 = vector.broadcast %jit3A_192 : f32 to vector<256x4096xf32>
    %select_n3A_194 = arith.select %eq3A_191, %broadcast_in_dim3A_193, %get3A_171 : vector<256x4096xi1>, vector<256x4096xf32>
    %swap3A_195 = arith.constant 0 : index
    %swap3A_196 = arith.constant 0 : index
    %swap3A_197 = vector.load %arg7[%swap3A_195, %swap3A_196] : memref<256x4096xf32, #tpu.memory_space<vmem>>, vector<256x4096xf32>
    tpu.vector_store %arg7[%swap3A_195, %swap3A_196], %select_n3A_194 {strides = array<i32>} : memref<256x4096xf32, #tpu.memory_space<vmem>>, vector<256x4096xf32>,
    %get3A_198 = arith.constant 0 : index
    %get3A_199 = arith.constant 0 : index
    %get3A_200 = vector.load %arg7[%get3A_198, %get3A_199] : memref<256x4096xf32, #tpu.memory_space<vmem>>, vector<256x4096xf32>
    %reduce_min3A_201 = arith.constant dense<0x7F800000> : vector<256xf32>
    %reduce_min3A_202 = vector.multi_reduction <minimumf>, %get3A_200, %reduce_min3A_201 [1] : vector<256x4096xf32> to vector<256xf32>
    %broadcast_in_dim3A_203 = vector.shape_cast %reduce_min3A_202 : vector<256xf32> to vector<256x1xf32>
    %eq3A_204 = vector.broadcast %broadcast_in_dim3A_203 : vector<256x1xf32> to vector<256x4096xf32>
    %eq3A_205 = arith.cmpf oeq, %get3A_200, %eq3A_204 : vector<256x4096xf32>
    %jit3A_206 = arith.constant 4.096000e+03 : f32
    %broadcast_in_dim3A_207 = vector.broadcast %jit3A_206 : f32 to vector<256x4096xf32>
    %select_n3A_208 = arith.select %eq3A_205, %convert_element_type3A, %broadcast_in_dim3A_207 : vector<256x4096xi1>, vector<256x4096xf32>
    %reduce_min3A_209 = arith.constant dense<0x7F800000> : vector<256xf32>
    %reduce_min3A_210 = vector.multi_reduction <minimumf>, %select_n3A_208, %reduce_min3A_209 [1] : vector<256x4096xf32> to vector<256xf32>
    %broadcast_in_dim3A_211 = vector.shape_cast %reduce_min3A_210 : vector<256xf32> to vector<256x1xf32>
    %swap3A_212 = arith.constant 0 : index
    %swap3A_213 = arith.constant 6 : index
    %swap3A_214 = vector.load %arg5[%swap3A_212, %swap3A_213] : memref<256x8xf32, #tpu.memory_space<vmem>>, vector<256x1xf32>
    tpu.vector_store %arg5[%swap3A_212, %swap3A_213], %broadcast_in_dim3A_203 {strides = array<i32>} : memref<256x8xf32, #tpu.memory_space<vmem>>, vector<256x1xf32>,
    %convert_element_type3A_215 = arith.fptosi %broadcast_in_dim3A_211 : vector<256x1xf32> to vector<256x1xi32>
    %swap3A_216 = arith.constant 0 : index
    %swap3A_217 = arith.constant 6 : index
    %swap3A_218 = vector.load %arg6[%swap3A_216, %swap3A_217] : memref<256x8xi32, #tpu.memory_space<vmem>>, vector<256x1xi32>
    tpu.vector_store %arg6[%swap3A_216, %swap3A_217], %convert_element_type3A_215 {strides = array<i32>} : memref<256x8xi32, #tpu.memory_space<vmem>>, vector<256x1xi32>,
    %eq3A_219 = vector.broadcast %broadcast_in_dim3A_211 : vector<256x1xf32> to vector<256x4096xf32>
    %eq3A_220 = arith.cmpf oeq, %convert_element_type3A, %eq3A_219 : vector<256x4096xf32>
    %jit3A_221 = arith.constant 0x7F800000 : f32
    %broadcast_in_dim3A_222 = vector.broadcast %jit3A_221 : f32 to vector<256x4096xf32>
    %select_n3A_223 = arith.select %eq3A_220, %broadcast_in_dim3A_222, %get3A_200 : vector<256x4096xi1>, vector<256x4096xf32>
    %swap3A_224 = arith.constant 0 : index
    %swap3A_225 = arith.constant 0 : index
    %swap3A_226 = vector.load %arg7[%swap3A_224, %swap3A_225] : memref<256x4096xf32, #tpu.memory_space<vmem>>, vector<256x4096xf32>
    tpu.vector_store %arg7[%swap3A_224, %swap3A_225], %select_n3A_223 {strides = array<i32>} : memref<256x4096xf32, #tpu.memory_space<vmem>>, vector<256x4096xf32>,
    %get3A_227 = arith.constant 0 : index
    %get3A_228 = arith.constant 0 : index
    %get3A_229 = vector.load %arg7[%get3A_227, %get3A_228] : memref<256x4096xf32, #tpu.memory_space<vmem>>, vector<256x4096xf32>
    %reduce_min3A_230 = arith.constant dense<0x7F800000> : vector<256xf32>
    %reduce_min3A_231 = vector.multi_reduction <minimumf>, %get3A_229, %reduce_min3A_230 [1] : vector<256x4096xf32> to vector<256xf32>
    %broadcast_in_dim3A_232 = vector.shape_cast %reduce_min3A_231 : vector<256xf32> to vector<256x1xf32>
    %eq3A_233 = vector.broadcast %broadcast_in_dim3A_232 : vector<256x1xf32> to vector<256x4096xf32>
    %eq3A_234 = arith.cmpf oeq, %get3A_229, %eq3A_233 : vector<256x4096xf32>
    %jit3A_235 = arith.constant 4.096000e+03 : f32
    %broadcast_in_dim3A_236 = vector.broadcast %jit3A_235 : f32 to vector<256x4096xf32>
    %select_n3A_237 = arith.select %eq3A_234, %convert_element_type3A, %broadcast_in_dim3A_236 : vector<256x4096xi1>, vector<256x4096xf32>
    %reduce_min3A_238 = arith.constant dense<0x7F800000> : vector<256xf32>
    %reduce_min3A_239 = vector.multi_reduction <minimumf>, %select_n3A_237, %reduce_min3A_238 [1] : vector<256x4096xf32> to vector<256xf32>
    %broadcast_in_dim3A_240 = vector.shape_cast %reduce_min3A_239 : vector<256xf32> to vector<256x1xf32>
    %swap3A_241 = arith.constant 0 : index
    %swap3A_242 = arith.constant 7 : index
    %swap3A_243 = vector.load %arg5[%swap3A_241, %swap3A_242] : memref<256x8xf32, #tpu.memory_space<vmem>>, vector<256x1xf32>
    tpu.vector_store %arg5[%swap3A_241, %swap3A_242], %broadcast_in_dim3A_232 {strides = array<i32>} : memref<256x8xf32, #tpu.memory_space<vmem>>, vector<256x1xf32>,
    %convert_element_type3A_244 = arith.fptosi %broadcast_in_dim3A_240 : vector<256x1xf32> to vector<256x1xi32>
    %swap3A_245 = arith.constant 0 : index
    %swap3A_246 = arith.constant 7 : index
    %swap3A_247 = vector.load %arg6[%swap3A_245, %swap3A_246] : memref<256x8xi32, #tpu.memory_space<vmem>>, vector<256x1xi32>
    tpu.vector_store %arg6[%swap3A_245, %swap3A_246], %convert_element_type3A_244 {strides = array<i32>} : memref<256x8xi32, #tpu.memory_space<vmem>>, vector<256x1xi32>,
    return
  }
  func.func @transform_0(%arg0: i32) -> (i32, i32) {
    %c0_i32 = arith.constant 0 : i32
    %c0_i32_0 = arith.constant 0 : i32
    return %arg0, %c0_i32 : i32, i32
  }
  func.func @transform_1(%arg0: i32) -> (i32, i32) {
    %c0_i32 = arith.constant 0 : i32
    %c0_i32_0 = arith.constant 0 : i32
    %c0_i32_1 = arith.constant 0 : i32
    return %c0_i32, %c0_i32_0 : i32, i32
  }
  func.func @transform_2(%arg0: i32) -> (i32, i32) {
    %c0_i32 = arith.constant 0 : i32
    %c0_i32_0 = arith.constant 0 : i32
    return %arg0, %c0_i32 : i32, i32
  }
  func.func @transform_3(%arg0: i32) -> (i32, i32) {
    %c0_i32 = arith.constant 0 : i32
    %c0_i32_0 = arith.constant 0 : i32
    %c0_i32_1 = arith.constant 0 : i32
    return %c0_i32, %c0_i32_0 : i32, i32
  }
  func.func @transform_4(%arg0: i32) -> (i32, i32) {
    %c0_i32 = arith.constant 0 : i32
    %c0_i32_0 = arith.constant 0 : i32
    return %arg0, %c0_i32 : i32, i32
  }
  func.func @transform_5(%arg0: i32) -> (i32, i32) {
    %c0_i32 = arith.constant 0 : i32
    %c0_i32_0 = arith.constant 0 : i32
    return %arg0, %c0_i32 : i32, i32
  }
}

module attributes {stable_mosaic.version = 14 : i64} {
  func.func @_weights_kernel(%arg0: memref<4096x8xf32, #tpu.memory_space<vmem>>, %arg1: memref<4096x8xf32, #tpu.memory_space<vmem>>) attributes {dimension_semantics = [], scalar_prefetch = 0 : i64, scratch_operands = 0 : i64, tpu.core_type = #tpu.core_type<tc>} {
    %get3A = arith.constant 0 : index
    %get3A_0 = arith.constant 0 : index
    %get3A_1 = vector.load %arg0[%get3A, %get3A_0] : memref<4096x8xf32, #tpu.memory_space<vmem>>, vector<4096x8xf32>
    %reduce_sum3A = vector.shape_cast %get3A_1 : vector<4096x8xf32> to vector<1x4096x8xf32>
    %reduce_sum3A_2 = arith.constant dense<0.000000e+00> : vector<1xf32>
    %reduce_sum3A_3 = vector.multi_reduction <add>, %reduce_sum3A, %reduce_sum3A_2 [1, 2] : vector<1x4096x8xf32> to vector<1xf32>
    %reduce_sum3A_4 = vector.shape_cast %reduce_sum3A_3 : vector<1xf32> to vector<1x1x1xf32>
    %reduce_sum3A_5 = vector.extract %reduce_sum3A_4[0, 0, 0] : f32 from vector<1x1x1xf32>
    %div3A = arith.constant 3.276800e+04 : f32
    %div3A_6 = arith.divf %reduce_sum3A_5, %div3A : f32
    %add3A = arith.constant 9.99999993E-9 : f32
    %add3A_7 = arith.addf %div3A_6, %add3A : f32
    %neg3A = arith.constant 0.000000e+00 : f32
    %neg3A_8 = vector.broadcast %neg3A : f32 to vector<4096x8xf32>
    %neg3A_9 = arith.subf %neg3A_8, %get3A_1 : vector<4096x8xf32>
    %div3A_10 = vector.broadcast %add3A_7 : f32 to vector<4096x8xf32>
    %div3A_11 = arith.divf %neg3A_9, %div3A_10 : vector<4096x8xf32>
    %exp3A = math.exp %div3A_11 : vector<4096x8xf32>
    %swap3A = arith.constant 0 : index
    %swap3A_12 = arith.constant 0 : index
    %swap3A_13 = vector.load %arg1[%swap3A, %swap3A_12] : memref<4096x8xf32, #tpu.memory_space<vmem>>, vector<4096x8xf32>
    tpu.vector_store %arg1[%swap3A, %swap3A_12], %exp3A {strides = array<i32>} : memref<4096x8xf32, #tpu.memory_space<vmem>>, vector<4096x8xf32>,
    return
  }
}

</mosaic_0001>

<sc_bundles>
// kernel: kernel.6.cloned.1.call-start
scs
__scs_entry_jumppad:
0x0: {  	(pc) =	sbr.rel $0x88, $3  }
0x1: {  	(tag) =	ssettag $0x0;
	lr =	simm.s32 $0x1  }
0x2: {  	[smem:$0x3FA0] =	sst lr;
	_ =	strace $0xD0000000  }
0x3: {  	_ = 	snop  }
0x4: {  	_ = 	snop  }
0x5: {  	_ = 	snop  }
0x6: {  	_ = 	snop  }
0x7: {  	_ = 	snop  }
__scs_overlays_trampoline_lowered:
0x8: {  	[smem:$0x3FAF] =	sst s0  }
0x9: {  	[smem:$0x3FB0] =	sst s1  }
0xa: {  	[smem:$0x3FB1] =	sst s2  }
0xb: {  	[smem:$0x3FB2] =	sst s3  }
0xc: {  	[smem:$0x3FB3] =	sst s4  }
0xd: {  	[smem:$0x3FB4] =	sst s5  }
0xe: {  	[smem:$0x3FB5] =	sst s6  }
0xf: {  	[smem:$0x3FB6] =	sst s7  }
0x10: {  	[smem:$0x3FB7] =	sst s8  }
0x11: {  	[smem:$0x3FB8] =	sst s9;
	s0 =	simm.s32 @!p0 $0x0  }
0x12: {  	s1 =	sld [smem:$0x3F9E];
	s0 =	simm.s32 @p0 $0x1  }
0x13: {  	[smem:$0x3FB9] =	sst s0;
	s0 =	simm.s32 @!p1 $0x0  }
0x14: {  	s2 =	sld [smem:$0x3F9D];
	s0 =	simm.s32 @p1 $0x1  }
0x15: {  	[smem:$0x3FBA] =	sst s0;
	s0 =	simm.s32 @!p2 $0x0  }
0x16: {  	s3 =	sld [smem:$0x3FDB];
	s0 =	simm.s32 @p2 $0x1  }
0x17: {  	s4 =	simm.s32 $0x1BF5;
	[smem:$0x3FBC] =	sst s0  }
0x18: {  	s0 =	sld [smem:$0x3F9F];
	_ =	swait.ge [sflag:s4], $0x0  }
0x19: {  	s7 =	sld [smem:$0x3FA0]  }
0x1a: {  	s8 =	sadd.s32 $0xFFFFE003, lr  }
0x1b: {  	s9 =	sadd.s32 $0xFFFFFEF7, lr;
	s5 =	simm.s32 $0xFFFFFFFF;
	p2 =	slt.u32 s8, $0xFFFFF086  }
0x1c: {  	p1 =	slt.u32 s9, $0xF7A;
	s5 =	simm.s32 @!p2 $0x0  }
0x1d: {  	s5 =	simm.s32 @p1 $0x1;
	p0 =	seq.s32 s7, s2  }
0x1e: {  	s7 =	smul.u32 @!p0 $0xF7A, s2;
	p2 =	seq.s32 @!p0 s5, $0x0  }
0x1f: {  	s9 =	smul.u32 $0xF7A, s1;
	s8 =	simm.s32 @!p0 $0x1BF5;
	p2 =	por !p2, p0  }
0x20: {  	[sflag:s8] =	ssyncset.s32 @!p0 $0xFFFFF086;
	s6 =	sadd.s32 @!p0 s3, s7;
	s7 =	simm.s32 @!p0 $0x108  }
0x21: {  	s3 =	sadd.s32 s3, s9;
	s6 =	sadd.s32 @!p0 $0x88, s6;
	s7 =	simm.s32 @p2 $0x1082  }
0x22: {  	[simem:s7], [sflag:s8] =	dma.local @!p0 [hbm:s6], $0xF7A  }
0x23: {  	s9 =	sor.u32 $0xD0000000, s2;
	s6 =	simm.s32 $0x108;
	_ =	swait.ge @!p0 [sflag:s8], $0x0  }
0x24: {  	s3 =	sadd.s32 $0x88, s3;
	s6 =	simm.s32 @!p1 $0x1082;
	[sflag:s4] =	ssyncset.s32 $0xFFFFF086  }
0x25: {  	[simem:s6], [sflag:s4] =	dma.local [hbm:s3], $0xF7A  }
0x26: {  	[smem:$0x3FA0] =	sst s1;
	(tag) =	ssettag s2;
	_ =	strace s9  }
0x27: {  	s1 =	sld [smem:$0x3FB0]  }
0x28: {  	s2 =	sld [smem:$0x3FB1]  }
0x29: {  	s4 =	sld [smem:$0x3FB3]  }
0x2a: {  	p0 =	seq.s32 s5, $0x0;
	s5 =	sld [smem:$0x3FB4]  }
0x2b: {  	s6 =	sld [smem:$0x3FB5]  }
0x2c: {  	s7 =	sld [smem:$0x3FB6]  }
0x2d: {  	s3 =	simm.s32 $0x108;
	s8 =	sld [smem:$0x3FB7]  }
0x2e: {  	s3 =	simm.s32 @!p0 $0x1082;
	s9 =	sld [smem:$0x3FB8]  }
0x2f: {  	lr =	sadd.s32 s0, s3;
	s0 =	sld [smem:$0x3FAF]  }
0x30: {  	s3 =	sld [smem:$0x3FB2]  }
0x31: {  	[smem:$0x3FBB] =	sst s10  }
0x32: {  	s10 =	sld [smem:$0x3FB9];
	_ =	sdelay $0x3  }
0x33: {  	p0 =	seq.s32 s10, $0x1;
	s10 =	sld [smem:$0x3FBB];
	_ =	sdelay $0x3  }
0x34: {  	[smem:$0x3FBB] =	sst s10  }
0x35: {  	s10 =	sld [smem:$0x3FBA];
	_ =	sdelay $0x3  }
0x36: {  	p1 =	seq.s32 s10, $0x1;
	s10 =	sld [smem:$0x3FBB];
	_ =	sdelay $0x3  }
0x37: {  	[smem:$0x3FBB] =	sst s10  }
0x38: {  	s10 =	sld [smem:$0x3FBC]  }
0x39: {  	_ = 	snop;
	(pc) =	sbr.ind lr, $3  }
0x3a: {  	_ = 	snop  }
0x3b: {  	_ = 	snop  }
0x3c: {  	p2 =	seq.s32 s10, $0x1;
	s10 =	sld [smem:$0x3FBB]  }
0x3d: {  	_ =	shalt  }
0x3e: {  	_ =	shalt  }
0x3f: {  	_ =	shalt  }
0x40: {  	_ =	shalt  }
0x41: {  	_ =	shalt  }
0x42: {  	_ =	shalt  }
0x43: {  	_ =	shalt  }
0x44: {  	_ =	shalt  }
0x45: {  	_ =	shalt  }
0x46: {  	_ =	shalt  }
0x47: {  	_ =	shalt  }
0x48: {  	_ =	shalt  }
0x49: {  	_ =	shalt  }
0x4a: {  	_ =	shalt  }
0x4b: {  	_ =	shalt  }
0x4c: {  	_ =	shalt  }
0x4d: {  	_ =	shalt  }
0x4e: {  	_ =	shalt  }
0x4f: {  	_ =	shalt  }
0x50: {  	_ =	shalt  }
0x51: {  	_ =	shalt  }
0x52: {  	_ =	shalt  }
0x53: {  	_ =	shalt  }
0x54: {  	_ =	shalt  }
0x55: {  	_ =	shalt  }
0x56: {  	_ =	shalt  }
0x57: {  	_ =	shalt  }
0x58: {  	_ =	shalt  }
0x59: {  	_ =	shalt  }
0x5a: {  	_ =	shalt  }
0x5b: {  	_ =	shalt  }
0x5c: {  	_ =	shalt  }
0x5d: {  	_ =	shalt  }
0x5e: {  	_ =	shalt  }
0x5f: {  	_ =	shalt  }
0x60: {  	_ =	shalt  }
0x61: {  	_ =	shalt  }
0x62: {  	_ =	shalt  }
0x63: {  	_ =	shalt  }
0x64: {  	_ =	shalt  }
0x65: {  	_ =	shalt  }
0x66: {  	_ =	shalt  }
0x67: {  	_ =	shalt  }
0x68: {  	_ =	shalt  }
0x69: {  	_ =	shalt  }
0x6a: {  	_ =	shalt  }
0x6b: {  	_ =	shalt  }
0x6c: {  	_ =	shalt  }
0x6d: {  	_ =	shalt  }
0x6e: {  	_ =	shalt  }
0x6f: {  	_ =	shalt  }
0x70: {  	_ =	shalt  }
0x71: {  	_ =	shalt  }
0x72: {  	_ =	shalt  }
0x73: {  	_ =	shalt  }
0x74: {  	_ =	shalt  }
0x75: {  	_ =	shalt  }
0x76: {  	_ =	shalt  }
0x77: {  	_ =	shalt  }
0x78: {  	_ =	shalt  }
0x79: {  	_ =	shalt  }
0x7a: {  	_ =	shalt  }
0x7b: {  	_ =	shalt  }
0x7c: {  	_ =	shalt  }
0x7d: {  	_ =	shalt  }
0x7e: {  	_ =	shalt  }
0x7f: {  	_ =	shalt  }
0x80: {  	_ =	shalt  }
0x81: {  	_ =	shalt  }
0x82: {  	_ =	shalt  }
0x83: {  	_ =	shalt  }
0x84: {  	_ =	shalt  }
0x85: {  	_ =	shalt  }
0x86: {  	_ =	shalt  }
0x87: {  	_ =	shalt  }
.Lfunc_end0:
.L_simem_size_0:
called_computation_lowered:
.L_overlay_start_0:
0x88: {  	s2 =	sld [smem:$0x3FD9]  }
0x89: {  	s3 =	sld [smem:$0x3FFE];
	_ =	sdelay $0x1  }
0x8a: {  	s1 =	srdreg.scid  }
0x8b: {  	s0 =	sand.u32 $0x1, s1  }
0x8c: {  	s17 =	sshll.u32 s0, $0xA;
	s2 =	sadd.s32 s3, s2  }
0x8d: {  	s2 =	sadd.s32 s2, s17  }
0x8e: {  	[smem:$0x3FC7] =	sst s2  }
0x8f: {  	_ = 	snop  }
0x90: {  	s2 =	sld [smem:$0x3FD0];
	(tm) =	ssettm $0x1  }
0x91: {  	s18 =	sld [smem:$0x3FFB];
	_ =	sdelay $0x3  }
0x92: {  	_ =	strace s18  }
0x93: {  	s3 =	sld [smem:$0x3FFC];
	_ =	sdelay $0x3  }
0x94: {  	_ =	strace s3  }
0x95: {  	s3 =	sld [smem:$0x3FFD];
	_ =	sdelay $0x3  }
0x96: {  	_ =	strace s3  }
0x97: {  	_ =	strace $0x8FFFFFFF  }
0x98: {  	s19 =	sld [smem:$0x3FDB];
	_ =	sdelay $0x1  }
0x99: {  	s4 =	simm.s32 $_scs_section_size  }
0x9a: {  	s5 =	simm.s32 $_size__tile_overlayer_lowered;
	s6 =	simm.s32 $_tile_overlayer_lowered  }
0x9b: {  	s22 =	simm.s32 $0x1BFF;
	s21 =	sshll.u32 s6, $0x1;
	s3 =	sadd.s32 s4, s19  }
0x9c: {  	s7 =	simm.s32 $0x0;
	s20 =	sshll.u32 s5, $0x1;
	s5 =	sadd.s32 s21, s3  }
0x9d: {  	[timem:s7], [sflag:s22] =	dma.local [hbm:s5], s20  }
0x9e: {  	_ =	swait.ge [sflag:s22], s20  }
0x9f: {  	s4 =	ssub.s32 $0x0, s20;
	[sflag:s22] =	ssyncset.done $0x0  }
0xa0: {  	[sflag:s22] =	ssyncadd.s32 s4;
	_ =	sdelay $0x1  }
0xa1: {  	s23 =	simm.s32 $0x1B8B  }
0xa2: {  	_ =	swait.ge [sflag:s23], $0x1  }
0xa3: {  	[sflag:s23] =	ssyncset.done $0x0  }
0xa4: {  	s25 =	simm.s32 $0x1B8E;
	s24 =	sld [smem:$0x3FFE];
	[sflag:s23] =	ssyncadd.s32 $0xFFFFFFFF  }
0xa5: {  	s26 =	simm.s32 $execute0_lowered;
	[smem:$0x3FD2] =	sst s25  }
0xa6: {  	s5 =	sshll.u32 s26, $0x1;
	_ =	strace $0x80000046;
	[dreg:$0x1] =	wrdreg $0xFFFFFFFF  }
0xa7: {  	s28 =	simm.s32 $_size_execute0_lowered;
	s3 =	sadd.s32 s3, s5;
	[dreg:$0x0] =	wrdreg $0x0  }
0xa8: {  	s5 =	sshll.u32 s28, $0x1;
	[dreg:$0x2] =	wrdreg s3  }
0xa9: {  	[dreg:$0x3] =	wrdreg s5  }
0xaa: {  	[dreg:$0x4] =	wrdreg $0xC0  }
0xab: {  	_ =	task [dreg:s7], $0x5FFFF  }
0xac: {  	[dreg:$0x1] =	wrdreg $0xFFFFFFFF  }
0xad: {  	[dreg:$0x0] =	wrdreg $0x60  }
0xae: {  	[dreg:$0x2] =	wrdreg s24  }
0xaf: {  	[dreg:$0x3] =	wrdreg s2  }
0xb0: {  	[dreg:$0x4] =	wrdreg $0x9  }
0xb1: {  	_ =	task.clear_ibuf [dreg:s7], $0x5FFFF;
	_ =	strace $0x90000046  }
0xb2: {  	s29 =	simm.s32 $0x9;
	_ =	strace $0x80000048  }
0xb3: {  	_ =	swait.ge [sflag:s29], $0x1  }
0xb4: {  	[sflag:s29] =	ssyncadd.s32 $0xFFFFFFFF  }
0xb5: {  	_ =	strace $0x90000048  }
0xb6: {  	_ =	sfence  }
0xb7: {  	s30 =	sld [smem:$0x0];
	_ =	sdelay $0x2  }
0xb8: {  	s31 =	sshll.u32 s1, $0xD;
	s1 =	sshrl.u32 s1, $0x2  }
0xb9: {  	s3 =	sand.u32 $0x4000, s31;
	s1 =	sadd.s32 s1, s30  }
0xba: {  	s0 =	sor.u32 s3, s0;
	s1 =	sshll.u32 s1, $0x11  }
0xbb: {  	s0 =	sor.u32 s1, s0  }
0xbc: {  	s0 =	sadd.s32 $0x8F2B, s0  }
0xbd: {  	[sflag:s0] =	ssyncadd.remote.s32 $0x1  }
0xbe: {  	_ =	sfence.sel $0xFFFF  }
0xbf: {  	[dreg:$0x0] =	wrdreg $0xFFFFFFFF;
	(pc) =	sbr.abs _section_cstart, $3  }
0xc0: {  	[dreg:$0x1] =	wrdreg $0xFFFFFFFF  }
0xc1: {  	_ =	task.clear_ibuf [dreg:s7], $0x2FFFF;
	_ =	strace $0x9FFFFFFF  }
0xc2: {  	(tm) =	ssettm $0x7FFFFFFF  }
0xc3: {  	_ =	shalt  }
tec
execute0_lowered:
.L_overlay_start_1:
0x0: {  	(tag) =	ssettag $0x1  }
0x1: {  	s5 =	rddreg [dreg:$0x0]  }
0x2: {  	s6 =	rddreg [dreg:$0x1]  }
0x3: {  	s0 =	rddreg [dreg:$0x2];
	s3 =	srdreg.scid  }
0x4: {  	s1 =	stileid.u32;
	s2 =	simm.s32 $0x0;
	s13 =	simm.s32 $0x80  }
0x5: {  	s14 =	simm.s32 $0x400;
	s15 =	simm.s32 $0x11000;
	s16 =	simm.s32 $0x11800  }
0x6: {  	s9 =	sand.u32 $0x1, s3;
	s26 =	sshll.u32 s1, $0x1;
	[smem:$0x7FF] =	sst s2  }
0x7: {  	s3 =	sadd.s32 $0xA00, s5;
	s4 =	sadd.s32 $0x1A00, s5;
	s11 =	sshll.u32 s1, $0xA  }
0x8: {  	s30 =	sshll.u32 s1, $0xD;
	s31 =	sshll.u32 s1, $0xB;
	s7 =	sor.u32 s9, s26  }
0x9: {  	_ =	strace $0x80000047;
	s28 =	ssub.s32 $0x2, s9;
	s29 =	sand.u32 $0x3000, s11  }
0xa: {  	s12 =	sshll.u32 s9, $0xC;
	s9 =	sshll.u32 s9, $0xA;
	s8 =	sshll.u32 s7, $0x8  }
0xb: {  	s10 =	sshrl.u32 s28, $0x1;
	s7 =	sshll.u32 s7, $0x4;
	s11 =	sor.u32 s12, s30  }
0xc: {  	s9 =	sor.u32 s9, s31;
	s12 =	simm.s32 $0x10000;
	s8 =	sadd.s32 s8, s5  }
0xd: {  	s10 =	ssub.s32 s28, s10;
	s7 =	sand.u32 $0x70, s7;
	s5 =	sadd.s32 s6, s29  }
0xe: {  	s17 =	sshrl.u32 s11, $0x2;
	s11 =	simm.s32 $0x8000;
	s5 =	sadd.s32 s7, s5  }
0xf: {  	s6 =	sadd.s32 $0x2A00, s8;
	s7 =	sadd.s32 $0x4A00, s8;
	s18 =	sor.u32 $0x8000, s17;
	v2 =	vmov s17  }
0x10: {  	v0 =	vimm.f32 $0.0e+00;
	v1 =	vlaneseq.u32;
	s8 =	smax.u32 s10, $0x1;
	s10 =	simm.s32 $0x1;
	s17 =	simm.s32 $0x0;
	v3 =	vmov s18  }
.LBB2_1:
0x11: {  	[tilespmem:s2], [sflag:$0x1] =	stream.linear.gather [hbm4b:s3+s2], $0x8000, $0x38;
	[tilespmem:$0x12000] =	vst v63  }
0x12: {  	_ =	swait.ge [sflag:s10], $0x8000  }
0x13: {  	[sflag:s10] =	ssyncset.done $0x0  }
0x14: {  	[sflag:s10] =	ssyncadd.s32 $0xFFFF8000  }
0x15: {  	[tilespmem:s11], [sflag:$0x1] =	stream.linear.gather [hbm4b:s4+s2], $0x8000, $0x38;
	[tilespmem:$0x12000] =	vst v63  }
0x16: {  	_ =	swait.ge [sflag:s10], $0x8000  }
0x17: {  	[sflag:s10] =	ssyncset.done $0x0  }
0x18: {  	s18 =	simm.s32 $0x0;
	[sflag:s10] =	ssyncadd.s32 $0xFFFF8000  }
.LBB2_2:
0x19: {  	p0 =	sne.s32 s18, $0x3FC0  }
.Ltmp0:
0x1a: {  	_ = 	snop;
	(pc) =	sbr.rel @p0 .LBB2_2-.Ltmp0, $3  }
0x1b: {  	_ =	sdelay $0x1  }
0x1c: {  	s19 =	sshra.s32 s18, $0x2  }
0x1d: {  	s18 =	sadd.s32 $0x40, s18;
	[tilespmem:s19+$0x10000] =	vst v0  }
0x1e: {  	_ =	sdelay $0x2  }
0x1f: {  	s18 =	simm.s32 $0x0  }
0x20: {  	v4 =	vld.idx.msk [tilespmem:v2+s18+$0x0 ss:$0x1], $0xffff;
	_ =	sdelay $0x4  }
0x21: {  	v5 =	vshll.u32 v4, $0x3  }
0x22: {  	v6 =	vor.u32 $0x1, v5  }
0x23: {  	v7 =	vor.u32 $0x2, v5  }
0x24: {  	v8 =	vor.u32 $0x3, v5  }
0x25: {  	v9 =	vor.u32 $0x4, v5  }
0x26: {  	v10 =	vor.u32 $0x5, v5;
	v11 =	vld.idx.msk [tilespmem:v5+s2+$0x0], $0xffff  }
0x27: {  	v12 =	vor.u32 $0x6, v5;
	v6 =	vld.idx.msk [tilespmem:v6+s2+$0x0], $0xffff  }
0x28: {  	v5 =	vor.u32 $0x7, v5;
	v7 =	vld.idx.msk [tilespmem:v7+s2+$0x0], $0xffff  }
0x29: {  	v8 =	vld.idx.msk [tilespmem:v8+s2+$0x0], $0xffff  }
0x2a: {  	v13 =	vor.u32 s9, v1;
	v9 =	vld.idx.msk [tilespmem:v9+s2+$0x0], $0xffff  }
0x2b: {  	v13 =	vshrl.u32 v13, $0x3;
	v10 =	vld.idx.msk [tilespmem:v10+s2+$0x0], $0xffff  }
0x2c: {  	v12 =	vld.idx.msk [tilespmem:v12+s2+$0x0], $0xffff;
	vm0 =	veq.s32 v11, v13;
	vm1 =	veq.s32 v6, v13  }
0x2d: {  	v5 =	vld.idx.msk [tilespmem:v5+s2+$0x0], $0xffff;
	vm10 =	veq.s32 v7, v13;
	vm0 =	vmor vm0, vm1  }
0x2e: {  	vm11 =	veq.s32 v8, v13;
	vm0 =	vmor vm0, vm10  }
0x2f: {  	v6 =	vld.idx.msk [tilespmem:v3+s18+$0x0 ss:$0x1], $0xffff;
	vm12 =	veq.s32 v9, v13;
	vm0 =	vmor vm0, vm11  }
0x30: {  	vm13 =	veq.s32 v10, v13;
	vm0 =	vmor vm0, vm12  }
0x31: {  	vm14 =	veq.s32 v12, v13;
	vm0 =	vmor vm0, vm13  }
0x32: {  	vm15 =	veq.s32 v5, v13;
	vm0 =	vmor vm0, vm14  }
0x33: {  	vm0 =	vmor vm0, vm15  }
0x34: {  	v5 =	vshll.u32 v13, $0xC;
	[tilespmem:v13+s12+$0x0] =	vst.idx.add.f32.msk $0xffff, v6;
	v7 =	vsel vm0, $0x0, v6  }
0x35: {  	s19 =	simm.s32 $0x11810;
	v63 =	vshll.u32 v4, $0xC;
	s18 =	simm.s32 $0x11010;
	v5 =	vadd.s32 v5, v4;
	[tilespmem:v4+s12+$0x0] =	vst.idx.add.f32.msk $0xffff, v7  }
0x36: {  	s20 =	simm.s32 $0x40;
	s22 =	smov.u32 s9;
	s21 =	simm.s32 $0x11810;
	v4 =	vadd.s32 v13, v63;
	[tilespmem:s18+$0xFFFFFFF0] =	vst v5;
	v5 =	vsub.f32 $0.0e+00, v6  }
.LBB2_4:
0x37: {  	[tilespmem:s18+$0x0] =	vst v4;
	s18 =	sadd.s32 $0x20, s18;
	s19 =	sadd.s32 $0x20, s19;
	s22 =	sadd.s32 $0x10, s22  }
0x38: {  	p0 =	sne.s32 s20, $0xFC0;
	s23 =	smov.u32 s20;
	s20 =	sadd.s32 $0x40, s20;
	[tilespmem:s21+$0xFFFFFFF0] =	vst v5  }
0x39: {  	s23 =	sshra.s32 s23, $0x2;
	[tilespmem:s21+$0x0] =	vst v5;
	s21 =	smov.u32 s19  }
0x3a: {  	v5 =	vld.idx.msk [tilespmem:v2+s23+$0x0 ss:$0x1], $0xffff;
	_ =	sdelay $0x5  }
0x3b: {  	v4 =	vshll.u32 v5, $0x3;
	v6 =	vshll.u32 v5, $0xC  }
0x3c: {  	v7 =	vor.u32 $0x1, v4;
	v8 =	vor.u32 $0x2, v4;
	v9 =	vor.u32 $0x3, v4  }
0x3d: {  	v10 =	vor.u32 $0x4, v4;
	v11 =	vor.u32 $0x5, v4;
	v12 =	vor.u32 $0x6, v4  }
0x3e: {  	v13 =	vor.u32 $0x7, v4  }
0x3f: {  	v14 =	vld.idx.msk [tilespmem:v3+s23+$0x0 ss:$0x1], $0xffff  }
0x40: {  	v15 =	vld.idx.msk [tilespmem:v4+s2+$0x0], $0xffff  }
0x41: {  	v7 =	vld.idx.msk [tilespmem:v7+s2+$0x0], $0xffff  }
0x42: {  	v4 =	vor.u32 s22, v1;
	v8 =	vld.idx.msk [tilespmem:v8+s2+$0x0], $0xffff  }
0x43: {  	v16 =	vshrl.u32 v4, $0x3;
	v9 =	vld.idx.msk [tilespmem:v9+s2+$0x0], $0xffff  }
0x44: {  	v17 =	vshll.u32 v16, $0xC;
	v4 =	vadd.s32 v16, v6;
	v10 =	vld.idx.msk [tilespmem:v10+s2+$0x0], $0xffff  }
0x45: {  	v6 =	vld.idx.msk [tilespmem:v11+s2+$0x0], $0xffff;
	v11 =	vadd.s32 v17, v5  }
0x46: {  	v12 =	vld.idx.msk [tilespmem:v12+s2+$0x0], $0xffff  }
0x47: {  	vm0 =	veq.s32 v15, v16;
	vm1 =	veq.s32 v7, v16;
	v7 =	vld.idx.msk [tilespmem:v13+s2+$0x0], $0xffff  }
0x48: {  	vm0 =	vmor vm0, vm1;
	vm1 =	veq.s32 v8, v16;
	[tilespmem:v16+s12+$0x0] =	vst.idx.add.f32.msk $0xffff, v14  }
0x49: {  	vm0 =	vmor vm0, vm1;
	vm1 =	veq.s32 v9, v16  }
0x4a: {  	vm0 =	vmor vm0, vm1;
	vm1 =	veq.s32 v10, v16  }
0x4b: {  	vm0 =	vmor vm0, vm1;
	vm1 =	veq.s32 v6, v16  }
0x4c: {  	vm0 =	vmor vm0, vm1;
	vm1 =	veq.s32 v12, v16  }
.Ltmp1:
0x4d: {  	vm0 =	vmor vm0, vm1;
	vm1 =	veq.s32 v7, v16;
	(pc) =	sbr.rel @p0 .LBB2_4-.Ltmp1, $4  }
0x4e: {  	vm0 =	vmor vm0, vm1  }
0x4f: {  	v6 =	vsel vm0, $0x0, v14  }
0x50: {  	[tilespmem:v5+s12+$0x0] =	vst.idx.add.f32.msk $0xffff, v6  }
0x51: {  	v5 =	vsub.f32 $0.0e+00, v14;
	[tilespmem:s18+$0xFFFFFFF0] =	vst v11  }
0x52: {  	[tilespmem:s18+$0x0] =	vst v4  }
0x53: {  	[tilespmem:s21+$0xFFFFFFF0] =	vst v5  }
0x54: {  	[tilespmem:s21+$0x0] =	vst v5  }
0x55: {  	[hbm4b:s5+s13] =	stream.strided.scatter [tilespmem:s12], [sflag:$0x1], $0x1000, s14, s13, $0x38;
	[tilespmem:$0x12000] =	vst v63  }
0x56: {  	_ =	swait.ge [sflag:s10], $0x1000  }
0x57: {  	[sflag:s10] =	ssyncset.done $0x0  }
0x58: {  	[sflag:s10] =	ssyncadd.s32 $0xFFFFF000  }
0x59: {  	[hbm4b:s6+s2] =	stream.linear.scatter [tilespmem:s15], [sflag:$0x1], $0x800, $0x38;
	[tilespmem:$0x12000] =	vst v63  }
0x5a: {  	s17 =	sadd.s32 $0x1, s17;
	_ =	swait.ge [sflag:s10], $0x800  }
0x5b: {  	p0 =	sne.s32 s17, s8;
	[sflag:s10] =	ssyncset.done $0x0  }
.Ltmp2:
0x5c: {  	[sflag:s10] =	ssyncadd.s32 $0xFFFFF800;
	(pc) =	sbr.rel @p0 .LBB2_1-.Ltmp2, $4  }
0x5d: {  	[hbm4b:s7+s2] =	stream.linear.scatter [tilespmem:s16], [sflag:$0x1], $0x800, $0x38;
	[tilespmem:$0x12000] =	vst v63  }
0x5e: {  	_ =	swait.ge [sflag:s10], $0x800  }
0x5f: {  	[sflag:s10] =	ssyncset.done $0x0  }
0x60: {  	[sflag:s10] =	ssyncadd.s32 $0xFFFFF800  }
0x61: {  	_ =	sfence.sel $0x180000  }
0x62: {  	[bflag:$0x0] =	sbarrier.arrive $0xFFFF  }
0x63: {  	p0 =	sne.s32 s1, $0x0;
	_ =	strace $0x90000047  }
0x64: {  	s0 =	sadd.s32 @!p0 $0x100000, s0;
	[bflag:$0x2] =	sbarrier.arrive $0xFFFF  }
0x65: {  	[sflag:s0] =	ssyncadd.tile.s32 @!p0 $0x1;
	_ =	shalt  }
.Lfunc_end2:
_tile_overlayer_lowered:
.L_overlay_start_2:
0x66: {  	(tag) =	ssettag $0x2  }
0x67: {  	s0 =	rddreg [dreg:$0x0];
	s2 =	stileid.u32  }
0x68: {  	s1 =	rddreg [dreg:$0x1];
	p0 =	sne.s32 s2, $0x0  }
0x69: {  	s3 =	rddreg [dreg:$0x2];
	[bflag:$0x3] =	sbarrier.arrive $0xFFFF;
	s2 =	simm.s32 @!p0 $0x1C01  }
0x6a: {  	[timem:s3], [sflag:s2] =	dma.local @!p0 [hbm:s0], s1  }
0x6b: {  	s0 =	simm.s32 @!p0 $0x1  }
0x6c: {  	_ =	swait.ge @!p0 [sflag:s0], s1  }
0x6d: {  	s1 =	ssub.s32 @!p0 $0x0, s1;
	[sflag:s0] =	ssyncset.done @!p0 $0x0  }
0x6e: {  	[sflag:s0] =	ssyncadd.s32 @!p0 s1  }
0x6f: {  	[bflag:$0x3] =	sbarrier.arrive $0xFFFF  }
0x70: {  	_ =	shalt  }

// kernel: kernel.9.cloned.1.call-start
scs
__scs_entry_jumppad:
0x0: {  	(pc) =	sbr.rel $0x88, $3  }
0x1: {  	(tag) =	ssettag $0x0;
	lr =	simm.s32 $0x1  }
0x2: {  	[smem:$0x3FA0] =	sst lr;
	_ =	strace $0xD0000000  }
0x3: {  	_ = 	snop  }
0x4: {  	_ = 	snop  }
0x5: {  	_ = 	snop  }
0x6: {  	_ = 	snop  }
0x7: {  	_ = 	snop  }
__scs_overlays_trampoline_lowered:
0x8: {  	[smem:$0x3FAF] =	sst s0  }
0x9: {  	[smem:$0x3FB0] =	sst s1  }
0xa: {  	[smem:$0x3FB1] =	sst s2  }
0xb: {  	[smem:$0x3FB2] =	sst s3  }
0xc: {  	[smem:$0x3FB3] =	sst s4  }
0xd: {  	[smem:$0x3FB4] =	sst s5  }
0xe: {  	[smem:$0x3FB5] =	sst s6  }
0xf: {  	[smem:$0x3FB6] =	sst s7  }
0x10: {  	[smem:$0x3FB7] =	sst s8  }
0x11: {  	[smem:$0x3FB8] =	sst s9;
	s0 =	simm.s32 @!p0 $0x0  }
0x12: {  	s1 =	sld [smem:$0x3F9E];
	s0 =	simm.s32 @p0 $0x1  }
0x13: {  	[smem:$0x3FB9] =	sst s0;
	s0 =	simm.s32 @!p1 $0x0  }
0x14: {  	s2 =	sld [smem:$0x3F9D];
	s0 =	simm.s32 @p1 $0x1  }
0x15: {  	[smem:$0x3FBA] =	sst s0;
	s0 =	simm.s32 @!p2 $0x0  }
0x16: {  	s3 =	sld [smem:$0x3FDB];
	s0 =	simm.s32 @p2 $0x1  }
0x17: {  	s4 =	simm.s32 $0x1BF5;
	[smem:$0x3FBC] =	sst s0  }
0x18: {  	s0 =	sld [smem:$0x3F9F];
	_ =	swait.ge [sflag:s4], $0x0  }
0x19: {  	s7 =	sld [smem:$0x3FA0]  }
0x1a: {  	s8 =	sadd.s32 $0xFFFFE003, lr  }
0x1b: {  	s9 =	sadd.s32 $0xFFFFFEF7, lr;
	s5 =	simm.s32 $0xFFFFFFFF;
	p2 =	slt.u32 s8, $0xFFFFF086  }
0x1c: {  	p1 =	slt.u32 s9, $0xF7A;
	s5 =	simm.s32 @!p2 $0x0  }
0x1d: {  	s5 =	simm.s32 @p1 $0x1;
	p0 =	seq.s32 s7, s2  }
0x1e: {  	s7 =	smul.u32 @!p0 $0xF7A, s2;
	p2 =	seq.s32 @!p0 s5, $0x0  }
0x1f: {  	s9 =	smul.u32 $0xF7A, s1;
	s8 =	simm.s32 @!p0 $0x1BF5;
	p2 =	por !p2, p0  }
0x20: {  	[sflag:s8] =	ssyncset.s32 @!p0 $0xFFFFF086;
	s6 =	sadd.s32 @!p0 s3, s7;
	s7 =	simm.s32 @!p0 $0x108  }
0x21: {  	s3 =	sadd.s32 s3, s9;
	s6 =	sadd.s32 @!p0 $0x88, s6;
	s7 =	simm.s32 @p2 $0x1082  }
0x22: {  	[simem:s7], [sflag:s8] =	dma.local @!p0 [hbm:s6], $0xF7A  }
0x23: {  	s9 =	sor.u32 $0xD0000000, s2;
	s6 =	simm.s32 $0x108;
	_ =	swait.ge @!p0 [sflag:s8], $0x0  }
0x24: {  	s3 =	sadd.s32 $0x88, s3;
	s6 =	simm.s32 @!p1 $0x1082;
	[sflag:s4] =	ssyncset.s32 $0xFFFFF086  }
0x25: {  	[simem:s6], [sflag:s4] =	dma.local [hbm:s3], $0xF7A  }
0x26: {  	[smem:$0x3FA0] =	sst s1;
	(tag) =	ssettag s2;
	_ =	strace s9  }
0x27: {  	s1 =	sld [smem:$0x3FB0]  }
0x28: {  	s2 =	sld [smem:$0x3FB1]  }
0x29: {  	s4 =	sld [smem:$0x3FB3]  }
0x2a: {  	p0 =	seq.s32 s5, $0x0;
	s5 =	sld [smem:$0x3FB4]  }
0x2b: {  	s6 =	sld [smem:$0x3FB5]  }
0x2c: {  	s7 =	sld [smem:$0x3FB6]  }
0x2d: {  	s3 =	simm.s32 $0x108;
	s8 =	sld [smem:$0x3FB7]  }
0x2e: {  	s3 =	simm.s32 @!p0 $0x1082;
	s9 =	sld [smem:$0x3FB8]  }
0x2f: {  	lr =	sadd.s32 s0, s3;
	s0 =	sld [smem:$0x3FAF]  }
0x30: {  	s3 =	sld [smem:$0x3FB2]  }
0x31: {  	[smem:$0x3FBB] =	sst s10  }
0x32: {  	s10 =	sld [smem:$0x3FB9];
	_ =	sdelay $0x3  }
0x33: {  	p0 =	seq.s32 s10, $0x1;
	s10 =	sld [smem:$0x3FBB];
	_ =	sdelay $0x3  }
0x34: {  	[smem:$0x3FBB] =	sst s10  }
0x35: {  	s10 =	sld [smem:$0x3FBA];
	_ =	sdelay $0x3  }
0x36: {  	p1 =	seq.s32 s10, $0x1;
	s10 =	sld [smem:$0x3FBB];
	_ =	sdelay $0x3  }
0x37: {  	[smem:$0x3FBB] =	sst s10  }
0x38: {  	s10 =	sld [smem:$0x3FBC]  }
0x39: {  	_ = 	snop;
	(pc) =	sbr.ind lr, $3  }
0x3a: {  	_ = 	snop  }
0x3b: {  	_ = 	snop  }
0x3c: {  	p2 =	seq.s32 s10, $0x1;
	s10 =	sld [smem:$0x3FBB]  }
0x3d: {  	_ =	shalt  }
0x3e: {  	_ =	shalt  }
0x3f: {  	_ =	shalt  }
0x40: {  	_ =	shalt  }
0x41: {  	_ =	shalt  }
0x42: {  	_ =	shalt  }
0x43: {  	_ =	shalt  }
0x44: {  	_ =	shalt  }
0x45: {  	_ =	shalt  }
0x46: {  	_ =	shalt  }
0x47: {  	_ =	shalt  }
0x48: {  	_ =	shalt  }
0x49: {  	_ =	shalt  }
0x4a: {  	_ =	shalt  }
0x4b: {  	_ =	shalt  }
0x4c: {  	_ =	shalt  }
0x4d: {  	_ =	shalt  }
0x4e: {  	_ =	shalt  }
0x4f: {  	_ =	shalt  }
0x50: {  	_ =	shalt  }
0x51: {  	_ =	shalt  }
0x52: {  	_ =	shalt  }
0x53: {  	_ =	shalt  }
0x54: {  	_ =	shalt  }
0x55: {  	_ =	shalt  }
0x56: {  	_ =	shalt  }
0x57: {  	_ =	shalt  }
0x58: {  	_ =	shalt  }
0x59: {  	_ =	shalt  }
0x5a: {  	_ =	shalt  }
0x5b: {  	_ =	shalt  }
0x5c: {  	_ =	shalt  }
0x5d: {  	_ =	shalt  }
0x5e: {  	_ =	shalt  }
0x5f: {  	_ =	shalt  }
0x60: {  	_ =	shalt  }
0x61: {  	_ =	shalt  }
0x62: {  	_ =	shalt  }
0x63: {  	_ =	shalt  }
0x64: {  	_ =	shalt  }
0x65: {  	_ =	shalt  }
0x66: {  	_ =	shalt  }
0x67: {  	_ =	shalt  }
0x68: {  	_ =	shalt  }
0x69: {  	_ =	shalt  }
0x6a: {  	_ =	shalt  }
0x6b: {  	_ =	shalt  }
0x6c: {  	_ =	shalt  }
0x6d: {  	_ =	shalt  }
0x6e: {  	_ =	shalt  }
0x6f: {  	_ =	shalt  }
0x70: {  	_ =	shalt  }
0x71: {  	_ =	shalt  }
0x72: {  	_ =	shalt  }
0x73: {  	_ =	shalt  }
0x74: {  	_ =	shalt  }
0x75: {  	_ =	shalt  }
0x76: {  	_ =	shalt  }
0x77: {  	_ =	shalt  }
0x78: {  	_ =	shalt  }
0x79: {  	_ =	shalt  }
0x7a: {  	_ =	shalt  }
0x7b: {  	_ =	shalt  }
0x7c: {  	_ =	shalt  }
0x7d: {  	_ =	shalt  }
0x7e: {  	_ =	shalt  }
0x7f: {  	_ =	shalt  }
0x80: {  	_ =	shalt  }
0x81: {  	_ =	shalt  }
0x82: {  	_ =	shalt  }
0x83: {  	_ =	shalt  }
0x84: {  	_ =	shalt  }
0x85: {  	_ =	shalt  }
0x86: {  	_ =	shalt  }
0x87: {  	_ =	shalt  }
.Lfunc_end0:
.L_simem_size_0:
called_computation.1_lowered:
.L_overlay_start_0:
0x88: {  	s2 =	sld [smem:$0x3FD9]  }
0x89: {  	s3 =	sld [smem:$0x3FFE];
	_ =	sdelay $0x1  }
0x8a: {  	s1 =	srdreg.scid  }
0x8b: {  	s0 =	sand.u32 $0x1, s1  }
0x8c: {  	s17 =	sshll.u32 s0, $0xA;
	s2 =	sadd.s32 s3, s2  }
0x8d: {  	s2 =	sadd.s32 s2, s17  }
0x8e: {  	[smem:$0x3FC7] =	sst s2  }
0x8f: {  	_ = 	snop  }
0x90: {  	s2 =	sld [smem:$0x3FD0];
	(tm) =	ssettm $0x1  }
0x91: {  	s18 =	sld [smem:$0x3FFB];
	_ =	sdelay $0x3  }
0x92: {  	_ =	strace s18  }
0x93: {  	s3 =	sld [smem:$0x3FFC];
	_ =	sdelay $0x3  }
0x94: {  	_ =	strace s3  }
0x95: {  	s3 =	sld [smem:$0x3FFD];
	_ =	sdelay $0x3  }
0x96: {  	_ =	strace s3  }
0x97: {  	_ =	strace $0x8FFFFFFF  }
0x98: {  	s19 =	sld [smem:$0x3FDB];
	_ =	sdelay $0x1  }
0x99: {  	s4 =	simm.s32 $_scs_section_size  }
0x9a: {  	s5 =	simm.s32 $_size__tile_overlayer_lowered;
	s6 =	simm.s32 $_tile_overlayer_lowered  }
0x9b: {  	s22 =	simm.s32 $0x1BFF;
	s21 =	sshll.u32 s6, $0x1;
	s3 =	sadd.s32 s4, s19  }
0x9c: {  	s7 =	simm.s32 $0x0;
	s20 =	sshll.u32 s5, $0x1;
	s5 =	sadd.s32 s21, s3  }
0x9d: {  	[timem:s7], [sflag:s22] =	dma.local [hbm:s5], s20  }
0x9e: {  	_ =	swait.ge [sflag:s22], s20  }
0x9f: {  	s4 =	ssub.s32 $0x0, s20;
	[sflag:s22] =	ssyncset.done $0x0  }
0xa0: {  	[sflag:s22] =	ssyncadd.s32 s4;
	_ =	sdelay $0x1  }
0xa1: {  	s23 =	simm.s32 $0x1B8B  }
0xa2: {  	_ =	swait.ge [sflag:s23], $0x1  }
0xa3: {  	[sflag:s23] =	ssyncset.done $0x0  }
0xa4: {  	s25 =	simm.s32 $0x1B8E;
	s24 =	sld [smem:$0x3FFE];
	[sflag:s23] =	ssyncadd.s32 $0xFFFFFFFF  }
0xa5: {  	s26 =	simm.s32 $execute0_lowered;
	[smem:$0x3FD2] =	sst s25  }
0xa6: {  	s5 =	sshll.u32 s26, $0x1;
	_ =	strace $0x80000049;
	[dreg:$0x1] =	wrdreg $0xFFFFFFFF  }
0xa7: {  	s28 =	simm.s32 $_size_execute0_lowered;
	s3 =	sadd.s32 s3, s5;
	[dreg:$0x0] =	wrdreg $0x0  }
0xa8: {  	s5 =	sshll.u32 s28, $0x1;
	[dreg:$0x2] =	wrdreg s3  }
0xa9: {  	[dreg:$0x3] =	wrdreg s5  }
0xaa: {  	[dreg:$0x4] =	wrdreg $0xC0  }
0xab: {  	_ =	task [dreg:s7], $0x5FFFF  }
0xac: {  	[dreg:$0x1] =	wrdreg $0xFFFFFFFF  }
0xad: {  	[dreg:$0x0] =	wrdreg $0x60  }
0xae: {  	[dreg:$0x2] =	wrdreg s24  }
0xaf: {  	[dreg:$0x3] =	wrdreg s2  }
0xb0: {  	[dreg:$0x4] =	wrdreg $0x9  }
0xb1: {  	_ =	task.clear_ibuf [dreg:s7], $0x5FFFF;
	_ =	strace $0x90000049  }
0xb2: {  	s29 =	simm.s32 $0x9;
	_ =	strace $0x8000004B  }
0xb3: {  	_ =	swait.ge [sflag:s29], $0x1  }
0xb4: {  	[sflag:s29] =	ssyncadd.s32 $0xFFFFFFFF  }
0xb5: {  	_ =	strace $0x9000004B  }
0xb6: {  	_ =	sfence  }
0xb7: {  	s30 =	sld [smem:$0x0];
	_ =	sdelay $0x2  }
0xb8: {  	s31 =	sshll.u32 s1, $0xD;
	s1 =	sshrl.u32 s1, $0x2  }
0xb9: {  	s3 =	sand.u32 $0x4000, s31;
	s1 =	sadd.s32 s1, s30  }
0xba: {  	s0 =	sor.u32 s3, s0;
	s1 =	sshll.u32 s1, $0x11  }
0xbb: {  	s0 =	sor.u32 s1, s0  }
0xbc: {  	s0 =	sadd.s32 $0x8F2B, s0  }
0xbd: {  	[sflag:s0] =	ssyncadd.remote.s32 $0x1  }
0xbe: {  	_ =	sfence.sel $0xFFFF  }
0xbf: {  	[dreg:$0x0] =	wrdreg $0xFFFFFFFF;
	(pc) =	sbr.abs _section_cstart, $3  }
0xc0: {  	[dreg:$0x1] =	wrdreg $0xFFFFFFFF  }
0xc1: {  	_ =	task.clear_ibuf [dreg:s7], $0x2FFFF;
	_ =	strace $0x9FFFFFFF  }
0xc2: {  	(tm) =	ssettm $0x7FFFFFFF  }
0xc3: {  	_ =	shalt  }
tec
execute0_lowered:
.L_overlay_start_1:
0x0: {  	(tag) =	ssettag $0x1  }
0x1: {  	s1 =	rddreg [dreg:$0x0]  }
0x2: {  	s2 =	srdreg.scid;
	s0 =	stileid.u32  }
0x3: {  	s4 =	rddreg [dreg:$0x1];
	s18 =	simm.s32 $0x8000;
	s19 =	simm.s32 $0x1800  }
0x4: {  	s20 =	simm.s32 $0xC80;
	s21 =	simm.s32 $0x100;
	s8 =	simm.s32 $0xD00  }
0x5: {  	s22 =	simm.s32 $0x180;
	s5 =	sand.u32 $0x1, s2;
	s2 =	simm.s32 $0x0  }
0x6: {  	s23 =	simm.s32 $0xD80;
	s24 =	simm.s32 $0x200;
	[smem:$0x7FF] =	sst s2  }
0x7: {  	s25 =	simm.s32 $0xE00;
	_ =	strace $0x8000004A;
	[dreg:$0x6] =	wrdreg s18  }
0x8: {  	s26 =	simm.s32 $0x280;
	s28 =	simm.s32 $0x780;
	[dreg:$0x7] =	wrdreg s19  }
0x9: {  	s29 =	simm.s32 $0x1380;
	s3 =	sshll.u32 s0, $0x1;
	[dreg:$0x8] =	wrdreg s20  }
0xa: {  	s6 =	sor.u32 s5, s3;
	s12 =	ssub.s32 $0x2, s5;
	[dreg:$0x9] =	wrdreg s21  }
0xb: {  	s3 =	sshll.u32 s6, $0x8;
	s6 =	sshll.u32 s6, $0x7;
	[dreg:$0xa] =	wrdreg s8  }
0xc: {  	v3 =	vlaneseq.u32;
	s15 =	sshrl.u32 s12, $0x1;
	[dreg:$0xb] =	wrdreg s22;
	s16 =	sor.u32 $0x10, s6  }
0xd: {  	v3 =	vmul.u32 $0x1001, v3;
	[dreg:$0xc] =	wrdreg s23;
	s17 =	sor.u32 $0x20, s6;
	s9 =	sor.u32 $0x30, s6;
	v0 =	vmov s6;
	v1 =	vmov s16  }
0xe: {  	s7 =	sadd.s32 s3, s1;
	s10 =	sor.u32 $0x40, s6;
	s11 =	sor.u32 $0x50, s6;
	v0 =	vmul.u32 $0x1001, v0;
	v2 =	vmov s17;
	v4 =	vmov s9  }
0xf: {  	s3 =	sadd.s32 $0x6A00, s1;
	s1 =	ssub.s32 s12, s15;
	s15 =	sor.u32 $0x70, s6;
	v5 =	vmov s10;
	v6 =	vmov s11;
	v1 =	vmul.u32 $0x1001, v1  }
0x10: {  	s30 =	simm.s32 $0x800;
	s31 =	simm.s32 $0x1400;
	[dreg:$0xd] =	wrdreg s24;
	v8 =	vmov s15;
	v2 =	vmul.u32 $0x1001, v2;
	v0 =	vbroadcast v0, $0x0  }
0x11: {  	s5 =	simm.s32 $0x2;
	s8 =	simm.s32 $0x80;
	[dreg:$0xe] =	wrdreg s25;
	v4 =	vmul.u32 $0x1001, v4;
	v5 =	vmul.u32 $0x1001, v5;
	v1 =	vbroadcast v1, $0x0  }
0x12: {  	[dreg:$0xf] =	wrdreg s26;
	s18 =	simm.s32 $0x1100;
	s14 =	sadd.s32 $0x4A00, s7;
	v6 =	vmul.u32 $0x1001, v6;
	v2 =	vbroadcast v2, $0x0;
	v0 =	vadd.s32 v3, v0  }
0x13: {  	s19 =	simm.s32 $0x580;
	[dreg:$0x4] =	wrdreg s14;
	s14 =	sor.u32 $0x60, s6;
	v8 =	vmul.u32 $0x1001, v8;
	v4 =	vbroadcast v4, $0x0;
	[tilespmem:$0x1FF80] =	vst v0;
	v1 =	vadd.s32 v3, v1  }
0x14: {  	s20 =	simm.s32 $0x1180;
	s21 =	simm.s32 $0x600;
	s22 =	simm.s32 $0x1200;
	v7 =	vmov s14;
	v56 =	vbroadcast v5, $0x0;
	v2 =	vadd.s32 v3, v2;
	[tilespmem:$0x1FF90] =	vst v1  }
0x15: {  	s23 =	simm.s32 $0x680;
	s24 =	simm.s32 $0x1280;
	s25 =	simm.s32 $0x700;
	v7 =	vmul.u32 $0x1001, v7;
	v57 =	vbroadcast v6, $0x0;
	v60 =	vadd.s32 v3, v4;
	[tilespmem:$0x1FFA0] =	vst v2  }
0x16: {  	s26 =	simm.s32 $0x1300;
	s4 =	sadd.s32 s4, s6;
	s12 =	simm.s32 $0x380;
	v59 =	vbroadcast v8, $0x0;
	v0 =	vadd.s32 v3, v56;
	[tilespmem:$0x1FFB0] =	vst v60  }
0x17: {  	s13 =	sadd.s32 $0x2A00, s7;
	[dreg:$0x5] =	wrdreg s4;
	s4 =	smax.u32 s1, $0x1;
	v58 =	vbroadcast v7, $0x0;
	v61 =	vadd.s32 v3, v57;
	[tilespmem:$0x1FFC0] =	vst v0  }
0x18: {  	s7 =	simm.s32 $0x400;
	s15 =	simm.s32 $0x480;
	s16 =	simm.s32 $0x1080;
	v63 =	vadd.s32 v3, v59;
	[tilespmem:$0x1FFD0] =	vst v61  }
0x19: {  	s17 =	simm.s32 $0x500;
	s1 =	simm.s32 $0x1;
	[dreg:$0x3] =	wrdreg s13;
	[tilespmem:$0x1FFF0] =	vst v63;
	v62 =	vadd.s32 v3, v58  }
0x1a: {  	s6 =	simm.s32 $0xC00;
	s13 =	simm.s32 $0xF80;
	s14 =	simm.s32 $0x1000;
	[tilespmem:$0x1FFE0] =	vst v62  }
.LBB2_1:
0x1b: {  	s0 =	rddreg [dreg:$0x3]  }
0x1c: {  	[tilespmem:s2], [sflag:$0x2] =	stream.linear.gather [hbm4b:s0+s2], $0x800, $0x38;
	[tilespmem:$0x2800] =	vst v63  }
0x1d: {  	_ =	swait.ge [sflag:s5], $0x800  }
0x1e: {  	[sflag:s5] =	ssyncset.done $0x0  }
0x1f: {  	s10 =	rddreg [dreg:$0x4];
	[sflag:s5] =	ssyncadd.s32 $0xFFFFF800  }
0x20: {  	[tilespmem:s6], [sflag:$0x2] =	stream.linear.gather [hbm4b:s10+s2], $0x800, $0x38;
	[tilespmem:$0x2800] =	vst v63  }
0x21: {  	_ =	swait.ge [sflag:s5], $0x800  }
0x22: {  	s11 =	rddreg [dreg:$0x5]  }
0x23: {  	s9 =	rddreg [dreg:$0x6];
	[sflag:s5] =	ssyncset.done $0x0  }
0x24: {  	s10 =	rddreg [dreg:$0x7];
	[sflag:s5] =	ssyncadd.s32 $0xFFFFF800  }
0x25: {  	[tilespmem:s10], [sflag:$0x2] =	stream.strided.gather [hbm4b:s11+s7], $0x1000, s9, s7, $0x38;
	[tilespmem:$0x2800] =	vst v63  }
0x26: {  	_ =	swait.ge [sflag:s5], $0x1000  }
0x27: {  	[sflag:s5] =	ssyncset.done $0x0  }
0x28: {  	[sflag:s5] =	ssyncadd.s32 $0xFFFFF000  }
0x29: {  	v43 =	vld [tilespmem:$0x1800]  }
0x2a: {  	v0 =	vld [tilespmem:$0x1880]  }
0x2b: {  	v50 =	vld [tilespmem:$0x1900]  }
0x2c: {  	v56 =	vld [tilespmem:$0x1980]  }
0x2d: {  	v58 =	vld [tilespmem:$0x1A00]  }
0x2e: {  	v45 =	vld [tilespmem:$0x1A80]  }
0x2f: {  	v51 =	vld [tilespmem:$0x1B00]  }
0x30: {  	v55 =	vld [tilespmem:$0x1B80]  }
0x31: {  	v62 =	vld [tilespmem:$0x1C00]  }
0x32: {  	v1 =	vld [tilespmem:$0x1C80]  }
0x33: {  	v44 =	vld [tilespmem:$0x1D00]  }
0x34: {  	v46 =	vld [tilespmem:$0x1D80]  }
0x35: {  	v47 =	vld [tilespmem:$0x1E00]  }
0x36: {  	v48 =	vld [tilespmem:$0x1E80]  }
0x37: {  	v49 =	vld [tilespmem:$0x1F00]  }
0x38: {  	v52 =	vld [tilespmem:$0x1F80]  }
0x39: {  	v53 =	vld [tilespmem:$0x2000]  }
0x3a: {  	v54 =	vld [tilespmem:$0x2080]  }
0x3b: {  	v57 =	vld [tilespmem:$0x2100]  }
0x3c: {  	v59 =	vld [tilespmem:$0x2180]  }
0x3d: {  	v60 =	vld [tilespmem:$0x2200]  }
0x3e: {  	v61 =	vld [tilespmem:$0x2280]  }
0x3f: {  	v63 =	vld [tilespmem:$0x2300]  }
0x40: {  	v4 =	vld [tilespmem:$0x2380]  }
0x41: {  	v5 =	vld [tilespmem:$0x2400]  }
0x42: {  	v6 =	vld [tilespmem:$0x2480]  }
0x43: {  	v7 =	vld [tilespmem:$0x2500]  }
0x44: {  	v8 =	vld [tilespmem:$0x2580]  }
0x45: {  	v9 =	vld [tilespmem:$0x2600]  }
0x46: {  	v10 =	vld [tilespmem:$0x2680]  }
0x47: {  	v11 =	vld [tilespmem:$0x2700]  }
0x48: {  	v12 =	vld [tilespmem:$0x2780]  }
0x49: {  	v19 =	vld [tilespmem:$0x1910]  }
0x4a: {  	v22 =	vld [tilespmem:$0x1990]  }
0x4b: {  	v23 =	vld [tilespmem:$0x1A10]  }
0x4c: {  	v26 =	vld [tilespmem:$0x1A90]  }
0x4d: {  	v29 =	vld [tilespmem:$0x1B10]  }
0x4e: {  	v32 =	vld [tilespmem:$0x1B90]  }
0x4f: {  	v35 =	vld [tilespmem:$0x1C10]  }
0x50: {  	v38 =	vld [tilespmem:$0x1C90]  }
0x51: {  	v41 =	vld [tilespmem:$0x1D10]  }
0x52: {  	v13 =	vld [tilespmem:$0x1F10]  }
0x53: {  	v14 =	vld [tilespmem:$0x1F90]  }
0x54: {  	v15 =	vld [tilespmem:$0x2010]  }
0x55: {  	v16 =	vld [tilespmem:$0x2090]  }
0x56: {  	v17 =	vld [tilespmem:$0x2110]  }
0x57: {  	v18 =	vld [tilespmem:$0x2190]  }
0x58: {  	v20 =	vld [tilespmem:$0x2210]  }
0x59: {  	v21 =	vld [tilespmem:$0x2290]  }
0x5a: {  	v24 =	vld [tilespmem:$0x2310]  }
0x5b: {  	v25 =	vld [tilespmem:$0x2390]  }
0x5c: {  	v27 =	vld [tilespmem:$0x2410]  }
0x5d: {  	v28 =	vld [tilespmem:$0x2490]  }
0x5e: {  	v30 =	vld [tilespmem:$0x2510]  }
0x5f: {  	v31 =	vld [tilespmem:$0x2590]  }
0x60: {  	v33 =	vld [tilespmem:$0x2610]  }
0x61: {  	v34 =	vld [tilespmem:$0x2690]  }
0x62: {  	v36 =	vld [tilespmem:$0x2710]  }
0x63: {  	v37 =	vld [tilespmem:$0x2790]  }
0x64: {  	v40 =	vld [tilespmem:$0x1F20]  }
0x65: {  	v39 =	vld [tilespmem:$0x21A0]  }
0x66: {  	v42 =	vld [tilespmem:$0x2220]  }
0x67: {  	v2 =	vld [tilespmem:$0x1830]  }
0x68: {  	v3 =	vld [tilespmem:$0x1930]  }
0x69: {  	[tilespmem:$0x1FB30] =	vst v57;
	v57 =	vld [tilespmem:$0x1810]  }
0x6a: {  	[tilespmem:$0x1FAB0] =	vst v49;
	v49 =	vld [tilespmem:$0x1890]  }
0x6b: {  	[tilespmem:$0x1FA80] =	vst v46;
	v46 =	vld [tilespmem:$0x1D90]  }
0x6c: {  	[tilespmem:$0x1FAD0] =	vst v52;
	v52 =	vld [tilespmem:$0x1E10]  }
0x6d: {  	[tilespmem:$0x1FB50] =	vst v59;
	v59 =	vld [tilespmem:$0x1E90]  }
0x6e: {  	[tilespmem:$0x1FC80] =	vst v7;
	v7 =	vld [tilespmem:$0x1820]  }
0x6f: {  	[tilespmem:$0x1FC20] =	vst v5;
	v5 =	vld [tilespmem:$0x18A0]  }
0x70: {  	[tilespmem:$0x1FCC0] =	vst v8;
	v8 =	vld [tilespmem:$0x1920]  }
0x71: {  	[tilespmem:$0x1FD40] =	vst v10;
	v10 =	vld [tilespmem:$0x19A0]  }
0x72: {  	[tilespmem:$0x1FDC0] =	vst v12;
	v12 =	vld [tilespmem:$0x1A20]  }
0x73: {  	[tilespmem:$0x1FAE0] =	vst v14;
	v14 =	vld [tilespmem:$0x1AA0]  }
0x74: {  	[tilespmem:$0x1FB20] =	vst v16;
	v16 =	vld [tilespmem:$0x1B20]  }
0x75: {  	[tilespmem:$0x1FB60] =	vst v18;
	v18 =	vld [tilespmem:$0x1BA0]  }
0x76: {  	[tilespmem:$0x1FBB0] =	vst v21;
	v21 =	vld [tilespmem:$0x1C20]  }
0x77: {  	[tilespmem:$0x1FC10] =	vst v25;
	v25 =	vld [tilespmem:$0x1CA0]  }
0x78: {  	[tilespmem:$0x1FC70] =	vst v28;
	v28 =	vld [tilespmem:$0x1D20]  }
0x79: {  	[tilespmem:$0x1FCE0] =	vst v31;
	v31 =	vld [tilespmem:$0x1DA0]  }
0x7a: {  	[tilespmem:$0x1FD60] =	vst v34;
	v34 =	vld [tilespmem:$0x1E20]  }
0x7b: {  	[tilespmem:$0x1FDE0] =	vst v37;
	v37 =	vld [tilespmem:$0x1EA0]  }
0x7c: {  	[tilespmem:$0x1FA70] =	vst v44;
	v44 =	vld [tilespmem:$0x1FA0]  }
0x7d: {  	[tilespmem:$0x1FAA0] =	vst v48;
	v48 =	vld [tilespmem:$0x2020]  }
0x7e: {  	[tilespmem:$0x1FB10] =	vst v54;
	v54 =	vld [tilespmem:$0x20A0]  }
0x7f: {  	[tilespmem:$0x1FB90] =	vst v61;
	v61 =	vld [tilespmem:$0x2120]  }
0x80: {  	[tilespmem:$0x1FA90] =	vst v47;
	v47 =	vld [tilespmem:$0x22A0]  }
0x81: {  	[tilespmem:$0x1FAF0] =	vst v53;
	v53 =	vld [tilespmem:$0x2320]  }
0x82: {  	[tilespmem:$0x1FB70] =	vst v60;
	v60 =	vld [tilespmem:$0x23A0]  }
0x83: {  	[tilespmem:$0x1FBC0] =	vst v63;
	v63 =	vld [tilespmem:$0x2420]  }
0x84: {  	[tilespmem:$0x1FBF0] =	vst v4;
	v4 =	vld [tilespmem:$0x24A0]  }
0x85: {  	[tilespmem:$0x1FC50] =	vst v6;
	v6 =	vld [tilespmem:$0x2520]  }
0x86: {  	[tilespmem:$0x1FD00] =	vst v9;
	v9 =	vld [tilespmem:$0x25A0]  }
0x87: {  	[tilespmem:$0x1FD80] =	vst v11;
	v11 =	vld [tilespmem:$0x2620]  }
0x88: {  	[tilespmem:$0x1FAC0] =	vst v13;
	v13 =	vld [tilespmem:$0x26A0]  }
0x89: {  	[tilespmem:$0x1FB00] =	vst v15;
	v15 =	vld [tilespmem:$0x2720]  }
0x8a: {  	[tilespmem:$0x1FB40] =	vst v17;
	v17 =	vld [tilespmem:$0x27A0]  }
0x8b: {  	[tilespmem:$0x1FA60] =	vst v1;
	v1 =	vld [tilespmem:$0x18B0]  }
0x8c: {  	[tilespmem:$0x1FB80] =	vst v20;
	v20 =	vld [tilespmem:$0x1D30]  }
0x8d: {  	[tilespmem:$0x1FBE0] =	vst v24;
	v24 =	vld [tilespmem:$0x1DB0]  }
0x8e: {  	[tilespmem:$0x1FC40] =	vst v27;
	v27 =	vld [tilespmem:$0x1E30]  }
0x8f: {  	[tilespmem:$0x1FCA0] =	vst v30;
	v30 =	vld [tilespmem:$0x1EB0]  }
0x90: {  	[tilespmem:$0x1FD20] =	vst v33;
	v33 =	vld [tilespmem:$0x1F30]  }
0x91: {  	[tilespmem:$0x1FDA0] =	vst v36;
	v36 =	vld [tilespmem:$0x1FB0]  }
0x92: {  	[tilespmem:$0x1FBA0] =	vst v39;
	v39 =	vld [tilespmem:$0x2030];
	v0 =	vadd.f32 v0, v43  }
0x93: {  	[tilespmem:$0x1FBD0] =	vst v42;
	v42 =	vld [tilespmem:$0x20B0]  }
0x94: {  	v43 =	vld [tilespmem:$0x1940];
	v0 =	vadd.f32 v50, v0  }
0x95: {  	v50 =	vld [tilespmem:$0x1A40]  }
0x96: {  	v0 =	vadd.f32 v56, v0;
	v56 =	vld [tilespmem:$0x1B40]  }
0x97: {  	[tilespmem:$0x1FCD0] =	vst v4;
	v4 =	vld [tilespmem:$0x19B0]  }
0x98: {  	[tilespmem:$0x1FD10] =	vst v6;
	v6 =	vld [tilespmem:$0x1A30]  }
0x99: {  	[tilespmem:$0x1FD50] =	vst v9;
	v9 =	vld [tilespmem:$0x1AB0]  }
0x9a: {  	[tilespmem:$0x1FD90] =	vst v11;
	v11 =	vld [tilespmem:$0x1B30]  }
0x9b: {  	[tilespmem:$0x1FDD0] =	vst v13;
	v13 =	vld [tilespmem:$0x1BB0]  }
0x9c: {  	[tilespmem:$0x1FE00] =	vst v15;
	v15 =	vld [tilespmem:$0x1C30]  }
0x9d: {  	[tilespmem:$0x1FE40] =	vst v17;
	v17 =	vld [tilespmem:$0x1CB0]  }
0x9e: {  	[tilespmem:$0x1FC00] =	vst v47;
	v47 =	vld [tilespmem:$0x2130]  }
0x9f: {  	[tilespmem:$0x1FC30] =	vst v53;
	v53 =	vld [tilespmem:$0x21B0]  }
0xa0: {  	[tilespmem:$0x1FC60] =	vst v60;
	v60 =	vld [tilespmem:$0x2230]  }
0xa1: {  	[tilespmem:$0x1FC90] =	vst v63;
	v63 =	vld [tilespmem:$0x22B0]  }
0xa2: {  	v57 =	vadd.f32 v49, v57;
	v49 =	vld [tilespmem:$0x19C0]  }
0xa3: {  	v5 =	vadd.f32 v5, v7;
	v0 =	vadd.f32 v58, v0;
	v58 =	vld [tilespmem:$0x1C40]  }
0xa4: {  	v19 =	vadd.f32 v19, v57;
	v57 =	vld [tilespmem:$0x1AC0]  }
0xa5: {  	v5 =	vadd.f32 v8, v5;
	v8 =	vld [tilespmem:$0x2240]  }
0xa6: {  	v0 =	vadd.f32 v45, v0;
	v45 =	vld [tilespmem:$0x1DC0]  }
0xa7: {  	v1 =	vadd.f32 v1, v2;
	v19 =	vadd.f32 v22, v19;
	v22 =	vld [tilespmem:$0x1CC0]  }
0xa8: {  	v5 =	vadd.f32 v10, v5;
	v10 =	vld [tilespmem:$0x22C0]  }
0xa9: {  	v1 =	vadd.f32 v3, v1;
	[tilespmem:$0x1FCB0] =	vst v63;
	v63 =	vld [tilespmem:$0x2330]  }
0xaa: {  	v0 =	vadd.f32 v51, v0;
	v51 =	vld [tilespmem:$0x1E40]  }
0xab: {  	v1 =	vadd.f32 v4, v1;
	v4 =	vld [tilespmem:$0x1850]  }
0xac: {  	v7 =	vadd.f32 v23, v19;
	v23 =	vld [tilespmem:$0x1D40]  }
0xad: {  	v5 =	vadd.f32 v12, v5;
	v12 =	vld [tilespmem:$0x1EC0]  }
0xae: {  	v0 =	vadd.f32 v55, v0;
	v55 =	vld [tilespmem:$0x21C0]  }
0xaf: {  	[tilespmem:$0x1FF40] =	vst v8;
	v8 =	vld [tilespmem:$0x1FBE0]  }
0xb0: {  	v1 =	vadd.f32 v6, v1;
	v6 =	vld [tilespmem:$0x26D0]  }
0xb1: {  	v7 =	vadd.f32 v26, v7;
	v26 =	vld [tilespmem:$0x1FC0]  }
0xb2: {  	[tilespmem:$0x1FEB0] =	vst v45;
	v45 =	vld [tilespmem:$0x1FA60]  }
0xb3: {  	v19 =	vadd.f32 v14, v5;
	v14 =	vld [tilespmem:$0x2340]  }
0xb4: {  	v5 =	vld [tilespmem:$0x25D0]  }
0xb5: {  	[tilespmem:$0x1FE90] =	vst v22;
	v22 =	vld [tilespmem:$0x1F40]  }
0xb6: {  	v0 =	vadd.f32 v62, v0;
	v62 =	vld [tilespmem:$0x1FA70]  }
0xb7: {  	v1 =	vadd.f32 v9, v1;
	v9 =	vld [tilespmem:$0x1FBF0]  }
0xb8: {  	[tilespmem:$0x1FF50] =	vst v10;
	v10 =	vld [tilespmem:$0x1FC00]  }
0xb9: {  	[tilespmem:$0x1FCF0] =	vst v63;
	v63 =	vld [tilespmem:$0x23B0]  }
0xba: {  	v7 =	vadd.f32 v29, v7;
	v29 =	vld [tilespmem:$0x2040]  }
0xbb: {  	[tilespmem:$0x1FEC0] =	vst v51;
	v51 =	vld [tilespmem:$0x2140]  }
0xbc: {  	v2 =	vadd.f32 v16, v19;
	v16 =	vld [tilespmem:$0x23C0]  }
0xbd: {  	v19 =	vld [tilespmem:$0x1FAA0]  }
0xbe: {  	[tilespmem:$0x1FED0] =	vst v12;
	v12 =	vld [tilespmem:$0x1FA80]  }
0xbf: {  	v1 =	vadd.f32 v11, v1;
	v11 =	vld [tilespmem:$0x1FC10]  }
0xc0: {  	v2 =	vadd.f32 v18, v2;
	v18 =	vld [tilespmem:$0x1FA90]  }
0xc1: {  	[tilespmem:$0x1FF30] =	vst v55;
	v55 =	vld [tilespmem:$0x24C0]  }
0xc2: {  	[tilespmem:$0x1FEA0] =	vst v23;
	v23 =	vadd.f32 v32, v7;
	v7 =	vld [tilespmem:$0x2550]  }
0xc3: {  	v0 =	vadd.f32 v45, v0;
	v45 =	vld [tilespmem:$0x26C0]  }
0xc4: {  	[tilespmem:$0x1FEF0] =	vst v26;
	v26 =	vld [tilespmem:$0x1FAF0]  }
0xc5: {  	v1 =	vadd.f32 v13, v1;
	v13 =	vld [tilespmem:$0x1FC20]  }
0xc6: {  	[tilespmem:$0x1FF60] =	vst v14;
	v14 =	vld [tilespmem:$0x1FC30]  }
0xc7: {  	v32 =	vadd.f32 v35, v23;
	v35 =	vld [tilespmem:$0x20C0]  }
0xc8: {  	v2 =	vadd.f32 v21, v2;
	v21 =	vld [tilespmem:$0x1FAB0]  }
0xc9: {  	[tilespmem:$0x1FEE0] =	vst v22;
	v22 =	vld [tilespmem:$0x1FAC0]  }
0xca: {  	v23 =	vld [tilespmem:$0x1FAD0]  }
0xcb: {  	[tilespmem:$0x1FD30] =	vst v63;
	v63 =	vld [tilespmem:$0x2430]  }
0xcc: {  	v0 =	vadd.f32 v62, v0;
	v62 =	vld [tilespmem:$0x2440]  }
0xcd: {  	[tilespmem:$0x1FF20] =	vst v51;
	v51 =	vld [tilespmem:$0x25C0]  }
0xce: {  	[tilespmem:$0x1FF70] =	vst v16;
	v16 =	vld [tilespmem:$0x2740]  }
0xcf: {  	[tilespmem:$0x1FF00] =	vst v29;
	v29 =	vld [tilespmem:$0x1FB10]  }
0xd0: {  	v1 =	vadd.f32 v15, v1;
	v15 =	vld [tilespmem:$0x1FC40]  }
0xd1: {  	v2 =	vadd.f32 v25, v2;
	v25 =	vld [tilespmem:$0x1FAE0]  }
0xd2: {  	v3 =	vadd.f32 v38, v32;
	v32 =	vld [tilespmem:$0x1FB30]  }
0xd3: {  	v38 =	vld [tilespmem:$0x1FB70]  }
0xd4: {  	v0 =	vadd.f32 v12, v0;
	v12 =	vld [tilespmem:$0x18D0]  }
0xd5: {  	v1 =	vadd.f32 v17, v1;
	v17 =	vld [tilespmem:$0x1FC50]  }
0xd6: {  	v3 =	vadd.f32 v41, v3;
	v41 =	vld [tilespmem:$0x27C0]  }
0xd7: {  	v2 =	vadd.f32 v28, v2;
	v28 =	vld [tilespmem:$0x1FB00]  }
0xd8: {  	[tilespmem:$0x1FF10] =	vst v35;
	v35 =	vld [tilespmem:$0x1FB50]  }
0xd9: {  	v1 =	vadd.f32 v20, v1;
	v20 =	vld [tilespmem:$0x20D0]  }
0xda: {  	v0 =	vadd.f32 v18, v0;
	v18 =	vld [tilespmem:$0x1FC60]  }
0xdb: {  	[tilespmem:$0x1FD70] =	vst v63;
	v63 =	vld [tilespmem:$0x24B0]  }
0xdc: {  	v3 =	vadd.f32 v46, v3;
	v46 =	vld [tilespmem:$0x2640]  }
0xdd: {  	v2 =	vadd.f32 v31, v2;
	v31 =	vld [tilespmem:$0x1FB20]  }
0xde: {  	v1 =	vadd.f32 v24, v1;
	v24 =	vld [tilespmem:$0x1F50]  }
0xdf: {  	v0 =	vadd.f32 v19, v0;
	v19 =	vld [tilespmem:$0x2050]  }
0xe0: {  	v3 =	vadd.f32 v52, v3;
	v52 =	vld [tilespmem:$0x2540]  }
0xe1: {  	v2 =	vadd.f32 v34, v2;
	v34 =	vld [tilespmem:$0x1FB40]  }
0xe2: {  	v12 =	vadd.f32 v12, v4;
	v4 =	vld [tilespmem:$0x1FE40]  }
0xe3: {  	v1 =	vadd.f32 v27, v1;
	v27 =	vld [tilespmem:$0x1AD0]  }
0xe4: {  	v0 =	vadd.f32 v21, v0;
	v21 =	vld [tilespmem:$0x1ED0]  }
0xe5: {  	v2 =	vadd.f32 v37, v2;
	v37 =	vld [tilespmem:$0x1FB60]  }
0xe6: {  	v3 =	vadd.f32 v59, v3;
	v59 =	vld [tilespmem:$0x1FBC0]  }
0xe7: {  	[tilespmem:$0x1FDB0] =	vst v63;
	v63 =	vld [tilespmem:$0x2530]  }
0xe8: {  	v1 =	vadd.f32 v30, v1;
	v30 =	vld [tilespmem:$0x1C50]  }
0xe9: {  	v0 =	vadd.f32 v23, v0;
	v23 =	vld [tilespmem:$0x1FD0]  }
0xea: {  	v3 =	vadd.f32 v22, v3;
	v22 =	vld [tilespmem:$0x1950]  }
0xeb: {  	v2 =	vadd.f32 v40, v2;
	v40 =	vld [tilespmem:$0x1FB80]  }
0xec: {  	v0 =	vadd.f32 v26, v0;
	v26 =	vld [tilespmem:$0x1A50]  }
0xed: {  	v1 =	vadd.f32 v33, v1;
	v33 =	vld [tilespmem:$0x1DD0]  }
0xee: {  	v3 =	vadd.f32 v25, v3;
	v25 =	vld [tilespmem:$0x19D0]  }
0xef: {  	v2 =	vadd.f32 v44, v2;
	v44 =	vld [tilespmem:$0x1FB90]  }
0xf0: {  	v0 =	vadd.f32 v29, v0;
	v29 =	vld [tilespmem:$0x1BD0]  }
0xf1: {  	v1 =	vadd.f32 v36, v1;
	v36 =	vld [tilespmem:$0x1FC80]  }
0xf2: {  	[tilespmem:$0x1FDF0] =	vst v63;
	v63 =	vld [tilespmem:$0x25B0]  }
0xf3: {  	v3 =	vadd.f32 v28, v3;
	v28 =	vld [tilespmem:$0x1B50]  }
0xf4: {  	v2 =	vadd.f32 v48, v2;
	v48 =	vld [tilespmem:$0x1FBA0]  }
0xf5: {  	v0 =	vadd.f32 v32, v0;
	v32 =	vld [tilespmem:$0x1D50]  }
0xf6: {  	v1 =	vadd.f32 v39, v1;
	v39 =	vld [tilespmem:$0x1FCB0]  }
0xf7: {  	v3 =	vadd.f32 v31, v3;
	v31 =	vld [tilespmem:$0x1CD0]  }
0xf8: {  	v2 =	vadd.f32 v54, v2;
	v54 =	vld [tilespmem:$0x1FBB0]  }
0xf9: {  	v0 =	vadd.f32 v35, v0;
	v35 =	vld [tilespmem:$0x1FC70]  }
0xfa: {  	v1 =	vadd.f32 v42, v1;
	v42 =	vld [tilespmem:$0x1FCD0]  }
0xfb: {  	v2 =	vadd.f32 v61, v2;
	v61 =	vld [tilespmem:$0x1FBD0]  }
0xfc: {  	v3 =	vadd.f32 v34, v3;
	v34 =	vld [tilespmem:$0x1E50]  }
0xfd: {  	[tilespmem:$0x1FE30] =	vst v63;
	v63 =	vld [tilespmem:$0x2630]  }
0xfe: {  	v0 =	vadd.f32 v38, v0;
	v38 =	vld [tilespmem:$0x1FCA0]  }
0xff: {  	v1 =	vadd.f32 v47, v1;
	v47 =	vld [tilespmem:$0x1FCF0]  }
0x100: {  	v12 =	vadd.f32 v22, v12;
	v3 =	vadd.f32 v37, v3;
	v37 =	vld [tilespmem:$0x1FC90]  }
0x101: {  	v2 =	vadd.f32 v48, v2;
	v48 =	vld [tilespmem:$0x1FD00]  }
0x102: {  	v12 =	vadd.f32 v25, v12;
	v0 =	vadd.f32 v44, v0;
	v44 =	vld [tilespmem:$0x1FCE0]  }
0x103: {  	v1 =	vadd.f32 v53, v1;
	v53 =	vld [tilespmem:$0x1FD10]  }
0x104: {  	v26 =	vadd.f32 v26, v12;
	v3 =	vadd.f32 v40, v3;
	v40 =	vld [tilespmem:$0x1FCC0]  }
0x105: {  	v0 =	vadd.f32 v59, v0;
	v59 =	vld [tilespmem:$0x1FD30]  }
0x106: {  	v26 =	vadd.f32 v27, v26;
	v1 =	vadd.f32 v60, v1;
	v60 =	vld [tilespmem:$0x1FD40]  }
0x107: {  	v2 =	vadd.f32 v61, v2;
	v61 =	vld [tilespmem:$0x1FD50]  }
0x108: {  	v26 =	vadd.f32 v28, v26;
	v28 =	vld [tilespmem:$0x23F0]  }
0x109: {  	[tilespmem:$0x1FE50] =	vst v63;
	v63 =	vld [tilespmem:$0x26B0]  }
0x10a: {  	v3 =	vadd.f32 v54, v3;
	v54 =	vld [tilespmem:$0x1FD20]  }
0x10b: {  	v2 =	vadd.f32 v10, v2;
	v10 =	vld [tilespmem:$0x24D0]  }
0x10c: {  	v0 =	vadd.f32 v9, v0;
	v9 =	vld [tilespmem:$0x1FD60]  }
0x10d: {  	v1 =	vadd.f32 v39, v1;
	v39 =	vld [tilespmem:$0x1FDB0]  }
0x10e: {  	v3 =	vadd.f32 v8, v3;
	v8 =	vld [tilespmem:$0x2450]  }
0x10f: {  	v2 =	vadd.f32 v14, v2;
	v14 =	vld [tilespmem:$0x2250]  }
0x110: {  	v0 =	vadd.f32 v13, v0;
	v13 =	vld [tilespmem:$0x2350]  }
0x111: {  	v1 =	vadd.f32 v47, v1;
	v47 =	vld [tilespmem:$0x1FDF0]  }
0x112: {  	v3 =	vadd.f32 v11, v3;
	v11 =	vld [tilespmem:$0x23D0]  }
0x113: {  	[tilespmem:$0x1FE60] =	vst v63;
	v63 =	vld [tilespmem:$0x2730]  }
0x114: {  	v26 =	vadd.f32 v29, v26;
	v0 =	vadd.f32 v17, v0;
	v17 =	vld [tilespmem:$0x2150]  }
0x115: {  	v2 =	vadd.f32 v18, v2;
	v18 =	vld [tilespmem:$0x21D0]  }
0x116: {  	v26 =	vadd.f32 v30, v26;
	v3 =	vadd.f32 v15, v3;
	v15 =	vld [tilespmem:$0x22D0]  }
0x117: {  	v0 =	vadd.f32 v36, v0;
	v36 =	vld [tilespmem:$0x1FD80]  }
0x118: {  	v26 =	vadd.f32 v31, v26;
	v2 =	vadd.f32 v37, v2;
	v37 =	vld [tilespmem:$0x1FD90]  }
0x119: {  	v3 =	vadd.f32 v35, v3;
	v35 =	vld [tilespmem:$0x1FD70]  }
0x11a: {  	v26 =	vadd.f32 v32, v26;
	v0 =	vadd.f32 v40, v0;
	v40 =	vld [tilespmem:$0x1FDC0]  }
0x11b: {  	v2 =	vadd.f32 v42, v2;
	v42 =	vld [tilespmem:$0x1FDD0]  }
0x11c: {  	v26 =	vadd.f32 v33, v26;
	v33 =	vld [tilespmem:$0x1FF30]  }
0x11d: {  	[tilespmem:$0x1FE70] =	vst v63;
	v63 =	vld [tilespmem:$0x27B0]  }
0x11e: {  	v3 =	vadd.f32 v38, v3;
	v38 =	vld [tilespmem:$0x1FDA0]  }
0x11f: {  	v0 =	vadd.f32 v48, v0;
	v48 =	vld [tilespmem:$0x18E0]  }
0x120: {  	v2 =	vadd.f32 v53, v2;
	v53 =	vld [tilespmem:$0x1FE00]  }
0x121: {  	v26 =	vadd.f32 v34, v26;
	v34 =	vld [tilespmem:$0x2070]  }
0x122: {  	v3 =	vadd.f32 v44, v3;
	v44 =	vld [tilespmem:$0x1FDE0]  }
0x123: {  	v1 =	vadd.f32 v59, v1;
	v0 =	vadd.f32 v60, v0;
	v60 =	vld [tilespmem:$0x1FE30]  }
0x124: {  	v2 =	vadd.f32 v61, v2;
	v61 =	vld [tilespmem:$0x1960]  }
0x125: {  	v1 =	vadd.f32 v35, v1;
	[tilespmem:$0x1FE80] =	vst v63;
	v63 =	vld [tilespmem:$0x1840]  }
0x126: {  	v3 =	vadd.f32 v54, v3;
	v0 =	vadd.f32 v36, v0;
	v36 =	vld [tilespmem:$0x1860]  }
0x127: {  	v2 =	vadd.f32 v37, v2;
	v1 =	vadd.f32 v39, v1;
	v37 =	vld [tilespmem:$0x1FED0]  }
0x128: {  	v3 =	vadd.f32 v9, v3;
	v9 =	vld [tilespmem:$0x2650]  }
0x129: {  	v1 =	vadd.f32 v47, v1;
	v47 =	vld [tilespmem:$0x1A60]  }
0x12a: {  	v0 =	vadd.f32 v40, v0;
	v35 =	vadd.f32 v42, v2;
	v40 =	vld [tilespmem:$0x1FEE0]  }
0x12b: {  	v39 =	vadd.f32 v60, v1;
	v1 =	vld [tilespmem:$0x27D0]  }
0x12c: {  	v35 =	vadd.f32 v53, v35;
	v53 =	vld [tilespmem:$0x1FE70]  }
0x12d: {  	v3 =	vadd.f32 v38, v3;
	[tilespmem:$0x1FE10] =	vst v63;
	v63 =	vld [tilespmem:$0x18C0]  }
0x12e: {  	v60 =	vld [tilespmem:$0x1B60]  }
0x12f: {  	v2 =	vadd.f32 v44, v3;
	v3 =	vld [tilespmem:$0x2750]  }
0x130: {  	v44 =	vld [tilespmem:$0x19E0]  }
0x131: {  	v36 =	vadd.f32 v48, v36;
	v48 =	vld [tilespmem:$0x1FE60]  }
0x132: {  	v54 =	vld [tilespmem:$0x1FE10];
	[tilespmem:$0x1FE20] =	vst v63  }
0x133: {  	v59 =	vld [tilespmem:$0x1FE20]  }
0x134: {  	v36 =	vadd.f32 v61, v36;
	v61 =	vld [tilespmem:$0x19F0]  }
0x135: {  	v63 =	vld [tilespmem:$0x1BC0]  }
0x136: {  	v22 =	vadd.f32 v44, v36;
	v44 =	vld [tilespmem:$0x1C60]  }
0x137: {  	v36 =	vld [tilespmem:$0x1EE0]  }
0x138: {  	v22 =	vadd.f32 v47, v22;
	v47 =	vld [tilespmem:$0x1AF0];
	v38 =	vadd.f32 v59, v54  }
0x139: {  	v54 =	vld [tilespmem:$0x1AE0]  }
0x13a: {  	v59 =	vld [tilespmem:$0x1FE80];
	v42 =	vadd.f32 v43, v38  }
0x13b: {  	v43 =	vld [tilespmem:$0x1FE50]  }
0x13c: {  	v4 =	vadd.f32 v4, v35;
	v35 =	vadd.f32 v49, v42;
	v49 =	vld [tilespmem:$0x1870]  }
0x13d: {  	v42 =	vld [tilespmem:$0x1BE0]  }
0x13e: {  	v22 =	vadd.f32 v54, v22;
	v54 =	vld [tilespmem:$0x1FEA0]  }
0x13f: {  	v35 =	vadd.f32 v50, v35;
	v50 =	vld [tilespmem:$0x18F0]  }
0x140: {  	v38 =	vadd.f32 v43, v39;
	v43 =	vld [tilespmem:$0x1A70]  }
0x141: {  	v22 =	vadd.f32 v60, v22;
	v60 =	vld [tilespmem:$0x1E60]  }
0x142: {  	v39 =	vld [tilespmem:$0x1F60]  }
0x143: {  	v35 =	vadd.f32 v57, v35;
	v57 =	vld [tilespmem:$0x1970]  }
0x144: {  	v38 =	vadd.f32 v48, v38;
	v48 =	vld [tilespmem:$0x1CE0]  }
0x145: {  	v22 =	vadd.f32 v42, v22;
	v42 =	vld [tilespmem:$0x1DF0]  }
0x146: {  	v35 =	vadd.f32 v56, v35;
	v56 =	vld [tilespmem:$0x1BF0]  }
0x147: {  	v25 =	vadd.f32 v50, v49;
	v49 =	vld [tilespmem:$0x1FE90]  }
0x148: {  	v50 =	vld [tilespmem:$0x1B70]  }
0x149: {  	v38 =	vadd.f32 v53, v38;
	v53 =	vld [tilespmem:$0x1D60]  }
0x14a: {  	v22 =	vadd.f32 v44, v22;
	v44 =	vld [tilespmem:$0x1FE0]  }
0x14b: {  	v35 =	vadd.f32 v63, v35;
	v63 =	vld [tilespmem:$0x1CF0]  }
0x14c: {  	v25 =	vadd.f32 v57, v25;
	v57 =	vld [tilespmem:$0x1DE0]  }
0x14d: {  	v12 =	vadd.f32 v59, v38;
	v59 =	vld [tilespmem:$0x1C70]  }
0x14e: {  	v38 =	vld [tilespmem:$0x1D70];
	v25 =	vadd.f32 v61, v25  }
0x14f: {  	v35 =	vadd.f32 v58, v35;
	v58 =	vld [tilespmem:$0x1FEB0]  }
0x150: {  	v22 =	vadd.f32 v48, v22;
	v48 =	vld [tilespmem:$0x1E70];
	v25 =	vadd.f32 v43, v25  }
0x151: {  	v61 =	vld [tilespmem:$0x1FEC0];
	v35 =	vadd.f32 v49, v35  }
0x152: {  	v22 =	vadd.f32 v53, v22;
	v53 =	vld [tilespmem:$0x1FF00];
	v25 =	vadd.f32 v47, v25  }
0x153: {  	v35 =	vadd.f32 v54, v35;
	v54 =	vld [tilespmem:$0x1EF0]  }
0x154: {  	v22 =	vadd.f32 v57, v22;
	v57 =	vld [tilespmem:$0x20E0];
	v25 =	vadd.f32 v50, v25  }
0x155: {  	v47 =	vld [tilespmem:$0x1FEF0]  }
0x156: {  	v32 =	vadd.f32 v58, v35;
	v58 =	vld [tilespmem:$0x1FF10];
	v25 =	vadd.f32 v56, v25  }
0x157: {  	v21 =	vadd.f32 v21, v26;
	v22 =	vadd.f32 v60, v22;
	v50 =	vld [tilespmem:$0x2060]  }
0x158: {  	v32 =	vadd.f32 v61, v32;
	v61 =	vld [tilespmem:$0x2160];
	v25 =	vadd.f32 v59, v25  }
0x159: {  	v21 =	vadd.f32 v24, v21;
	v22 =	vadd.f32 v36, v22;
	v36 =	vld [tilespmem:$0x2260]  }
0x15a: {  	v32 =	vadd.f32 v37, v32;
	v37 =	vld [tilespmem:$0x1FF40];
	v43 =	vadd.f32 v63, v25  }
0x15b: {  	v21 =	vadd.f32 v23, v21;
	v59 =	vld [tilespmem:$0x1F70]  }
0x15c: {  	v30 =	vadd.f32 v40, v32;
	v32 =	vld [tilespmem:$0x21E0];
	v49 =	vadd.f32 v38, v43  }
0x15d: {  	v40 =	vld [tilespmem:$0x22E0]  }
0x15e: {  	v19 =	vadd.f32 v19, v21;
	v63 =	vld [tilespmem:$0x1FF20];
	v56 =	vadd.f32 v42, v49  }
0x15f: {  	v22 =	vadd.f32 v39, v22;
	v30 =	vadd.f32 v47, v30;
	v47 =	vld [tilespmem:$0x2360]  }
0x160: {  	v19 =	vadd.f32 v20, v19;
	v38 =	vld [tilespmem:$0x20F0];
	v60 =	vadd.f32 v48, v56  }
0x161: {  	v22 =	vadd.f32 v44, v22;
	v27 =	vadd.f32 v53, v30;
	v30 =	vld [tilespmem:$0x1FF0]  }
0x162: {  	v17 =	vadd.f32 v17, v19;
	v43 =	vld [tilespmem:$0x2170];
	v31 =	vadd.f32 v54, v60  }
0x163: {  	v22 =	vadd.f32 v50, v22;
	v53 =	vld [tilespmem:$0x23E0];
	v27 =	vadd.f32 v58, v27  }
0x164: {  	v17 =	vadd.f32 v18, v17;
	v42 =	vld [tilespmem:$0x1FF50];
	v35 =	vadd.f32 v59, v31  }
0x165: {  	v22 =	vadd.f32 v57, v22;
	v49 =	vld [tilespmem:$0x21F0];
	v27 =	vadd.f32 v63, v27  }
0x166: {  	v14 =	vadd.f32 v14, v17;
	v58 =	vld [tilespmem:$0x2460];
	v39 =	vadd.f32 v30, v35  }
0x167: {  	v21 =	vadd.f32 v61, v22;
	v48 =	vld [tilespmem:$0x1FF60];
	v26 =	vadd.f32 v33, v27  }
0x168: {  	v14 =	vadd.f32 v15, v14;
	v56 =	vld [tilespmem:$0x2270];
	v44 =	vadd.f32 v34, v39  }
0x169: {  	v20 =	vadd.f32 v32, v21;
	v32 =	vld [tilespmem:$0x2470];
	v25 =	vadd.f32 v37, v26  }
0x16a: {  	v54 =	vld [tilespmem:$0x1FF70];
	v50 =	vadd.f32 v38, v44  }
0x16b: {  	v13 =	vadd.f32 v13, v14;
	v60 =	vld [tilespmem:$0x22F0];
	v24 =	vadd.f32 v42, v25  }
0x16c: {  	v19 =	vadd.f32 v36, v20;
	v36 =	vld [tilespmem:$0x24F0];
	v57 =	vadd.f32 v43, v50  }
0x16d: {  	v26 =	vld [tilespmem:$0x2560];
	v23 =	vadd.f32 v48, v24  }
0x16e: {  	v11 =	vadd.f32 v11, v13;
	v37 =	vld [tilespmem:$0x26E0];
	v61 =	vadd.f32 v49, v57  }
0x16f: {  	v18 =	vadd.f32 v40, v19;
	v24 =	vld [tilespmem:$0x2370];
	v22 =	vadd.f32 v54, v23  }
0x170: {  	v8 =	vadd.f32 v8, v11;
	v30 =	vld [tilespmem:$0x25E0];
	v25 =	vadd.f32 v56, v61  }
0x171: {  	v17 =	vadd.f32 v47, v18;
	v42 =	vld [tilespmem:$0x2760];
	v59 =	vadd.f32 v62, v22  }
0x172: {  	v8 =	vadd.f32 v10, v8;
	v62 =	vld [tilespmem:$0x24E0];
	v29 =	vadd.f32 v60, v25  }
0x173: {  	v47 =	vld [tilespmem:$0x27E0];
	v15 =	vadd.f32 v53, v17;
	v63 =	vadd.f32 v55, v59  }
0x174: {  	v7 =	vadd.f32 v7, v8;
	v34 =	vld [tilespmem:$0x2660];
	v33 =	vadd.f32 v24, v29  }
0x175: {  	v39 =	vld [tilespmem:$0x2570];
	v14 =	vadd.f32 v58, v15;
	v27 =	vadd.f32 v52, v63  }
0x176: {  	v5 =	vadd.f32 v5, v7;
	v44 =	vld [tilespmem:$0x25F0];
	v7 =	vadd.f32 v28, v33  }
0x177: {  	v54 =	vld [tilespmem:$0x1FF80];
	v13 =	vadd.f32 v62, v14;
	v31 =	vadd.f32 v51, v27  }
0x178: {  	v5 =	vadd.f32 v9, v5;
	v58 =	vld [tilespmem:$0x1FFA0];
	v40 =	vadd.f32 v32, v7  }
0x179: {  	[tilespmem:$0x1400] =	vst v0;
	v49 =	vld [tilespmem:$0x2670];
	v11 =	vadd.f32 v26, v13;
	v35 =	vadd.f32 v46, v31  }
0x17a: {  	[tilespmem:$0x1410] =	vst v2;
	v5 =	vadd.f32 v6, v5;
	v59 =	vld [tilespmem:$0x1FFB0];
	v46 =	vadd.f32 v36, v40  }
0x17b: {  	[tilespmem:$0x1420] =	vst v4;
	v56 =	vld [tilespmem:$0x1FF90];
	v10 =	vadd.f32 v30, v11;
	v38 =	vadd.f32 v45, v35  }
0x17c: {  	[tilespmem:$0x1430] =	vst v12;
	v61 =	vld [tilespmem:$0x1FFD0];
	v45 =	vadd.f32 v3, v5;
	v50 =	vadd.f32 v39, v46  }
0x17d: {  	[tilespmem:$0x800] =	vst v54;
	v52 =	vld [tilespmem:$0x26F0];
	v8 =	vadd.f32 v34, v10  }
0x17e: {  	[tilespmem:$0x820] =	vst v58;
	v63 =	vld [tilespmem:$0x1FFF0];
	v1 =	vadd.f32 v1, v45;
	v53 =	vadd.f32 v44, v50  }
0x17f: {  	v55 =	vld [tilespmem:$0x2770];
	[tilespmem:$0x830] =	vst v59;
	v43 =	vadd.f32 v16, v38  }
0x180: {  	v60 =	vld [tilespmem:$0x1FFC0];
	v48 =	vadd.f32 v37, v8;
	[tilespmem:$0x1450] =	vst v1;
	v1 =	vadd.f32 v49, v53  }
0x181: {  	v57 =	vld [tilespmem:$0x27F0];
	[tilespmem:$0x810] =	vst v56;
	v0 =	vadd.f32 v41, v43  }
0x182: {  	v62 =	vld [tilespmem:$0x1FFE0];
	[tilespmem:$0x850] =	vst v61;
	v51 =	vadd.f32 v42, v48;
	v1 =	vadd.f32 v52, v1  }
0x183: {  	[tilespmem:$0x870] =	vst v63  }
0x184: {  	[tilespmem:$0x1440] =	vst v0;
	v0 =	vadd.f32 v47, v51;
	v1 =	vadd.f32 v55, v1  }
0x185: {  	[tilespmem:$0x840] =	vst v60  }
0x186: {  	s9 =	rddreg [dreg:$0x8];
	[tilespmem:$0x1460] =	vst v0;
	v0 =	vadd.f32 v57, v1  }
0x187: {  	s10 =	rddreg [dreg:$0x9];
	[tilespmem:$0x860] =	vst v62  }
0x188: {  	s11 =	rddreg [dreg:$0xa];
	[tilespmem:$0x1470] =	vst v0  }
0x189: {  	[hbm4b:s3+s8] =	stream.indirect.scatter [tilespmem:s6], [sflag:$0x1], $0x1, s2, s8, $0xb8;
	[tilespmem:$0x2800] =	vst v63  }
0x18a: {  	s0 =	rddreg [dreg:$0xb]  }
0x18b: {  	[hbm4b:s3+s8] =	stream.indirect.scatter [tilespmem:s9], [sflag:$0x1], $0x1, s8, s8, $0xb8;
	[tilespmem:$0x2800] =	vst v63  }
0x18c: {  	s9 =	rddreg [dreg:$0xc]  }
0x18d: {  	[hbm4b:s3+s8] =	stream.indirect.scatter [tilespmem:s11], [sflag:$0x1], $0x1, s10, s8, $0xb8;
	[tilespmem:$0x2800] =	vst v63  }
0x18e: {  	s10 =	rddreg [dreg:$0xd]  }
0x18f: {  	[hbm4b:s3+s8] =	stream.indirect.scatter [tilespmem:s9], [sflag:$0x1], $0x1, s0, s8, $0xb8;
	[tilespmem:$0x2800] =	vst v63  }
0x190: {  	s11 =	rddreg [dreg:$0xe]  }
0x191: {  	[hbm4b:s3+s8] =	stream.indirect.scatter [tilespmem:s11], [sflag:$0x1], $0x1, s10, s8, $0xb8;
	[tilespmem:$0x2800] =	vst v63  }
0x192: {  	s9 =	rddreg [dreg:$0xf];
	s11 =	simm.s32 $0xE80  }
0x193: {  	[hbm4b:s3+s8] =	stream.indirect.scatter [tilespmem:s11], [sflag:$0x1], $0x1, s9, s8, $0xb8;
	[tilespmem:$0x2800] =	vst v63  }
0x194: {  	s10 =	simm.s32 $0x300;
	s11 =	simm.s32 $0xF00  }
0x195: {  	[hbm4b:s3+s8] =	stream.indirect.scatter [tilespmem:s11], [sflag:$0x1], $0x1, s10, s8, $0xb8;
	[tilespmem:$0x2800] =	vst v63  }
0x196: {  	_ = 	snop  }
0x197: {  	[hbm4b:s3+s8] =	stream.indirect.scatter [tilespmem:s13], [sflag:$0x1], $0x1, s12, s8, $0xb8;
	[tilespmem:$0x2800] =	vst v63  }
0x198: {  	_ = 	snop  }
0x199: {  	[hbm4b:s3+s8] =	stream.indirect.scatter [tilespmem:s14], [sflag:$0x1], $0x1, s7, s8, $0xb8;
	[tilespmem:$0x2800] =	vst v63  }
0x19a: {  	_ = 	snop  }
0x19b: {  	[hbm4b:s3+s8] =	stream.indirect.scatter [tilespmem:s16], [sflag:$0x1], $0x1, s15, s8, $0xb8;
	[tilespmem:$0x2800] =	vst v63  }
0x19c: {  	_ = 	snop  }
0x19d: {  	[hbm4b:s3+s8] =	stream.indirect.scatter [tilespmem:s18], [sflag:$0x1], $0x1, s17, s8, $0xb8;
	[tilespmem:$0x2800] =	vst v63  }
0x19e: {  	_ = 	snop  }
0x19f: {  	[hbm4b:s3+s8] =	stream.indirect.scatter [tilespmem:s20], [sflag:$0x1], $0x1, s19, s8, $0xb8;
	[tilespmem:$0x2800] =	vst v63  }
0x1a0: {  	_ = 	snop  }
0x1a1: {  	[hbm4b:s3+s8] =	stream.indirect.scatter [tilespmem:s22], [sflag:$0x1], $0x1, s21, s8, $0xb8;
	[tilespmem:$0x2800] =	vst v63  }
0x1a2: {  	_ = 	snop  }
0x1a3: {  	[hbm4b:s3+s8] =	stream.indirect.scatter [tilespmem:s24], [sflag:$0x1], $0x1, s23, s8, $0xb8;
	[tilespmem:$0x2800] =	vst v63  }
0x1a4: {  	_ = 	snop  }
0x1a5: {  	[hbm4b:s3+s8] =	stream.indirect.scatter [tilespmem:s26], [sflag:$0x1], $0x1, s25, s8, $0xb8;
	[tilespmem:$0x2800] =	vst v63  }
0x1a6: {  	_ = 	snop  }
0x1a7: {  	[hbm4b:s3+s8] =	stream.indirect.scatter [tilespmem:s29], [sflag:$0x1], $0x1, s28, s8, $0xb8;
	[tilespmem:$0x2800] =	vst v63  }
0x1a8: {  	_ = 	snop  }
0x1a9: {  	[hbm4b:s3+s8] =	stream.indirect.scatter [tilespmem:s31], [sflag:$0x1], $0x1, s30, s8, $0xb8;
	[tilespmem:$0x2800] =	vst v63  }
0x1aa: {  	_ =	swait.ge [sflag:s1], $0x80  }
0x1ab: {  	[sflag:s1] =	ssyncset.done $0x0  }
0x1ac: {  	[sflag:s1] =	ssyncadd.s32 $0xFFFFFF80  }
0x1ad: {  	_ =	swait.ge [sflag:s1], $0x80  }
0x1ae: {  	[sflag:s1] =	ssyncset.done $0x0  }
0x1af: {  	[sflag:s1] =	ssyncadd.s32 $0xFFFFFF80  }
0x1b0: {  	_ =	swait.ge [sflag:s1], $0x80  }
0x1b1: {  	[sflag:s1] =	ssyncset.done $0x0  }
0x1b2: {  	[sflag:s1] =	ssyncadd.s32 $0xFFFFFF80  }
0x1b3: {  	_ =	swait.ge [sflag:s1], $0x80  }
0x1b4: {  	[sflag:s1] =	ssyncset.done $0x0  }
0x1b5: {  	[sflag:s1] =	ssyncadd.s32 $0xFFFFFF80  }
0x1b6: {  	_ =	swait.ge [sflag:s1], $0x80  }
0x1b7: {  	[sflag:s1] =	ssyncset.done $0x0  }
0x1b8: {  	[sflag:s1] =	ssyncadd.s32 $0xFFFFFF80  }
0x1b9: {  	_ =	swait.ge [sflag:s1], $0x80  }
0x1ba: {  	[sflag:s1] =	ssyncset.done $0x0  }
0x1bb: {  	[sflag:s1] =	ssyncadd.s32 $0xFFFFFF80  }
0x1bc: {  	_ =	swait.ge [sflag:s1], $0x80  }
0x1bd: {  	[sflag:s1] =	ssyncset.done $0x0  }
0x1be: {  	[sflag:s1] =	ssyncadd.s32 $0xFFFFFF80  }
0x1bf: {  	_ =	swait.ge [sflag:s1], $0x80  }
0x1c0: {  	[sflag:s1] =	ssyncset.done $0x0  }
0x1c1: {  	[sflag:s1] =	ssyncadd.s32 $0xFFFFFF80  }
0x1c2: {  	_ =	swait.ge [sflag:s1], $0x80  }
0x1c3: {  	[sflag:s1] =	ssyncset.done $0x0  }
0x1c4: {  	[sflag:s1] =	ssyncadd.s32 $0xFFFFFF80  }
0x1c5: {  	_ =	swait.ge [sflag:s1], $0x80  }
0x1c6: {  	[sflag:s1] =	ssyncset.done $0x0  }
0x1c7: {  	[sflag:s1] =	ssyncadd.s32 $0xFFFFFF80  }
0x1c8: {  	_ =	swait.ge [sflag:s1], $0x80  }
0x1c9: {  	[sflag:s1] =	ssyncset.done $0x0  }
0x1ca: {  	[sflag:s1] =	ssyncadd.s32 $0xFFFFFF80  }
0x1cb: {  	_ =	swait.ge [sflag:s1], $0x80  }
0x1cc: {  	[sflag:s1] =	ssyncset.done $0x0  }
0x1cd: {  	[sflag:s1] =	ssyncadd.s32 $0xFFFFFF80  }
0x1ce: {  	_ =	swait.ge [sflag:s1], $0x80  }
0x1cf: {  	[sflag:s1] =	ssyncset.done $0x0  }
0x1d0: {  	[sflag:s1] =	ssyncadd.s32 $0xFFFFFF80  }
0x1d1: {  	_ =	swait.ge [sflag:s1], $0x80  }
0x1d2: {  	[sflag:s1] =	ssyncset.done $0x0  }
0x1d3: {  	[sflag:s1] =	ssyncadd.s32 $0xFFFFFF80  }
0x1d4: {  	_ =	swait.ge [sflag:s1], $0x80  }
0x1d5: {  	[sflag:s1] =	ssyncset.done $0x0  }
0x1d6: {  	[sflag:s1] =	ssyncadd.s32 $0xFFFFFF80  }
0x1d7: {  	p0 =	sne.s32 s4, $0x1;
	_ =	swait.ge [sflag:s1], $0x80  }
.Ltmp0:
0x1d8: {  	[sflag:s1] =	ssyncset.done $0x0;
	(pc) =	sbr.rel @p0 .LBB2_1-.Ltmp0, $4  }
0x1d9: {  	[sflag:s1] =	ssyncadd.s32 $0xFFFFFF80  }
0x1da: {  	_ =	swait.ge [sflag:s1], $0x80  }
0x1db: {  	[sflag:s1] =	ssyncset.done $0x0  }
0x1dc: {  	s4 =	sadd.s32 $0xFFFFFFFF, s4;
	[sflag:s1] =	ssyncadd.s32 $0xFFFFFF80  }
0x1dd: {  	_ =	sfence.sel $0x180000  }
0x1de: {  	[bflag:$0x0] =	sbarrier.arrive $0xFFFF  }
0x1df: {  	_ =	strace $0x9000004A  }
0x1e0: {  	s0 =	stileid.u32;
	[bflag:$0x2] =	sbarrier.arrive $0xFFFF  }
0x1e1: {  	p0 =	sne.s32 s0, $0x0;
	s0 =	rddreg [dreg:$0x2]  }
0x1e2: {  	s0 =	sadd.s32 @!p0 $0x100000, s0  }
0x1e3: {  	[sflag:s0] =	ssyncadd.tile.s32 @!p0 $0x1;
	_ =	shalt  }
.Lfunc_end2:
_tile_overlayer_lowered:
.L_overlay_start_2:
0x1e4: {  	(tag) =	ssettag $0x2  }
0x1e5: {  	s0 =	rddreg [dreg:$0x0];
	s2 =	stileid.u32  }
0x1e6: {  	s1 =	rddreg [dreg:$0x1];
	p0 =	sne.s32 s2, $0x0  }
0x1e7: {  	s3 =	rddreg [dreg:$0x2];
	[bflag:$0x3] =	sbarrier.arrive $0xFFFF;
	s2 =	simm.s32 @!p0 $0x1C02  }
0x1e8: {  	[timem:s3], [sflag:s2] =	dma.local @!p0 [hbm:s0], s1  }
0x1e9: {  	s0 =	simm.s32 @!p0 $0x2  }
0x1ea: {  	_ =	swait.ge @!p0 [sflag:s0], s1  }
0x1eb: {  	s1 =	ssub.s32 @!p0 $0x0, s1;
	[sflag:s0] =	ssyncset.done @!p0 $0x0  }
0x1ec: {  	[sflag:s0] =	ssyncadd.s32 @!p0 s1  }
0x1ed: {  	[bflag:$0x3] =	sbarrier.arrive $0xFFFF  }
0x1ee: {  	_ =	shalt  }

</sc_bundles>
